<compile_context>
chip_gen: v7x
topology: tpu7x:2x2x1
jax: 0.10.2.dev20260603
libtpu: 0.0.44.dev20260713+nightly
codegen_flags: <defaults>
</compile_context>

<pallas_src>
import functools

import jax
import jax.numpy as jnp
from jax import lax
from jax.experimental import pallas as pl
from jax.experimental.pallas import tpu as pltpu
from jax.experimental.pallas import tpu_sc as plsc

B = 8
N = 8192
G = 512
K = 32
NC, NS, L = 2, 16, 16
NW = NC * NS
WPB = NW // B
GPW = G // WPB
NCH = N // L
RBUF = 144
CB = RBUF + L
NCV = CB // L
IMAX = 0x7FFFFFFF


def _fps_body(x_ref, y_ref, z_ref, ctr_ref, ssq_ref):
    X = x_ref[...]
    Y = y_ref[...]
    Z = z_ref[...]
    ssq_ref[...] = (X * X + Y * Y) + Z * Z
    lane = lax.broadcasted_iota(jnp.int32, (B, N), 1)
    glane = lax.broadcasted_iota(jnp.int32, (B, G), 1)

    def body(i, st):
        dist, fx, fy, fz, cxs, cys, czs = st
        gsel = glane == i
        cxs = jnp.where(gsel, fx, cxs)
        cys = jnp.where(gsel, fy, cys)
        czs = jnp.where(gsel, fz, czs)
        dxx = X - fx
        dyy = Y - fy
        dzz = Z - fz
        dn = (dxx * dxx + dyy * dyy) + dzz * dzz
        dist = jnp.minimum(dist, dn)
        m = jnp.max(dist, axis=1, keepdims=True)
        idxk = jnp.min(jnp.where(dist == m, lane, N), axis=1, keepdims=True)
        oh = lane == idxk
        fx = jnp.max(jnp.where(oh, X, -3e38), axis=1, keepdims=True)
        fy = jnp.max(jnp.where(oh, Y, -3e38), axis=1, keepdims=True)
        fz = jnp.max(jnp.where(oh, Z, -3e38), axis=1, keepdims=True)
        return (dist, fx, fy, fz, cxs, cys, czs)

    st0 = (
        jnp.full((B, N), 1e10, jnp.float32),
        X[:, 0:1],
        Y[:, 0:1],
        Z[:, 0:1],
        jnp.zeros((B, G), jnp.float32),
        jnp.zeros((B, G), jnp.float32),
        jnp.zeros((B, G), jnp.float32),
    )
    _, _, _, _, cxs, cys, czs = lax.fori_loop(0, G, body, st0)
    ctr_ref[0] = cxs
    ctr_ref[1] = cys
    ctr_ref[2] = czs


def _fps(x, y, z):
    return pl.pallas_call(
        _fps_body,
        out_shape=[
            jax.ShapeDtypeStruct((3, B, G), jnp.float32),
            jax.ShapeDtypeStruct((B, N), jnp.float32),
        ],
    )(x, y, z)


def _scalar(v):
    return lax.reduce_max(v, (0,))


def _splat(s, dtype=jnp.int32):
    return jnp.full((L,), s, dtype)


def _rbf(v):
    u = plsc.bitcast(v, jnp.uint32)
    r = u + jnp.uint32(0x7FFF) + ((u >> jnp.uint32(16)) & jnp.uint32(1))
    return plsc.bitcast(r & jnp.uint32(0xFFFF0000), jnp.float32)


def _sc_knng_body(x_hbm, y_hbm, z_hbm, ssq_hbm,
                  ctr_hbm, out_hbm,
                  xb_v, yb_v, zb_v, x_v, y_v, z_v, ssq_v, ctr_v,
                  kbuf, kbuf2, h_v, cum_v, ckey, cidx, ibuf, out_v):
    wid = lax.axis_index("s") * NC + lax.axis_index("c")
    b = wid // WPB
    w = wid % WPB
    pltpu.sync_copy(x_hbm.at[b], x_v)
    pltpu.sync_copy(y_hbm.at[b], y_v)
    pltpu.sync_copy(z_hbm.at[b], z_v)
    pltpu.sync_copy(ssq_hbm.at[b], ssq_v)
    pltpu.sync_copy(ctr_hbm.at[b, pl.ds(w * GPW * 3, GPW * 3)], ctr_v)
    lanes = lax.iota(jnp.int32, L)
    zero16 = jnp.zeros((L,), jnp.int32)

    def round_points(c, _):
        sl = pl.ds(c * L, L)
        xb_v[sl] = _rbf(x_v[sl])
        yb_v[sl] = _rbf(y_v[sl])
        zb_v[sl] = _rbf(z_v[sl])
        return 0

    lax.fori_loop(0, NCH, round_points, 0)

    def find_bin(r, off):
        base = jnp.int32(0)
        cums = []
        for v in range(4):
            cv = plsc.cumsum(h_v[pl.ds(off + v * L, L)]) + base
            cums.append(cv)
            base = _scalar(cv)
        bb = None
        for v in range(4):
            fv = plsc.all_reduce_ffs(cums[v] >= r)
            cand = jnp.where(fv >= L, _splat(9999), fv + L * v)
            bb = cand if bb is None else jnp.minimum(bb, cand)
            cum_v[pl.ds(off + v * L, L)] = cums[v]
        bin_ = lax.reduce_min(bb, (0,))
        bs = _splat(off + bin_)
        cum_b = plsc.load_gather(cum_v, [bs])
        hist_b = plsc.load_gather(h_v, [bs])
        r_next = r - _scalar(cum_b - hist_b)
        return bin_, r_next

    def zero_hist():
        for v in range(8):
            h_v[pl.ds(v * L, L)] = zero16

    def one_center_coeffs(j):
        j3 = _splat(j * 3)
        cx = plsc.load_gather(ctr_v, [j3])
        cy = plsc.load_gather(ctr_v, [j3 + 1])
        cz = plsc.load_gather(ctr_v, [j3 + 2])
        scq = (cx * cx + cy * cy) + cz * cz
        return cx, cy, cz, scq, _rbf(cx), _rbf(cy), _rbf(cz)

    def center(p, _):
        jA = p * 2
        jB = p * 2 + 1
        cxA, cyA, czA, scqA, cxbA, cybA, czbA = one_center_coeffs(jA)
        cxB, cyB, czB, scqB, cxbB, cybB, czbB = one_center_coeffs(jB)

        zero_hist()

        def dbody(c2, _):
            for u in range(4):
                sl = pl.ds((c2 * 4 + u) * L, L)
                xv = xb_v[sl]
                yv = yb_v[sl]
                zv = zb_v[sl]
                sv = ssq_v[sl]
                for (cxb, cyb, czb, scq, kb, off) in (
                        (cxbA, cybA, czbA, scqA, kbuf, 0),
                        (cxbB, cybB, czbB, scqB, kbuf2, 64)):
                    dot = (cxb * xv + cyb * yv) + czb * zv
                    d = (scq - 2.0 * dot) + sv
                    bits = plsc.bitcast(d, jnp.uint32)
                    s = bits >> jnp.uint32(31)
                    key = bits ^ (jnp.uint32(0x80000000) + s * jnp.uint32(0x7FFFFFFF))
                    kb[sl] = key
                    dig = off + (key >> jnp.uint32(26)).astype(jnp.int32)
                    cnt, lastm = plsc.scan_count(dig)
                    plsc.addupdate_scatter(h_v, [dig], cnt, mask=lastm)
            return 0

        lax.fori_loop(0, NCH // 4, dbody, 0)
        b1A, r2A = find_bin(jnp.int32(K), 0)
        b1B, r2B = find_bin(jnp.int32(K), 64)
        p1A = _splat(b1A).astype(jnp.uint32)
        p1B = _splat(b1B).astype(jnp.uint32)

        zero_hist()

        def h2body(c2, _):
            for u in range(2):
                sl = pl.ds((c2 * 2 + u) * L, L)
                for (p1, kb, off) in ((p1A, kbuf, 0), (p1B, kbuf2, 64)):
                    key = kb[sl]
                    elig = (key >> jnp.uint32(26)) == p1
                    dig = off + ((key >> jnp.uint32(20)) & jnp.uint32(63)).astype(jnp.int32)
                    cnt, lastm = plsc.scan_count(dig, mask=elig)
                    plsc.addupdate_scatter(h_v, [dig], cnt, mask=lastm)
            return 0

        lax.fori_loop(0, NCH // 2, h2body, 0)
        b2A, _r3A = find_bin(r2A, 0)
        b2B, _r3B = find_bin(r2B, 64)
        thrA = (((p1A << jnp.uint32(6)) | _splat(b2A).astype(jnp.uint32))
                + jnp.uint32(1)) << jnp.uint32(20)
        thrB = (((p1B << jnp.uint32(6)) | _splat(b2B).astype(jnp.uint32))
                + jnp.uint32(1)) << jnp.uint32(20)

        def tail(j, kb, thr, cx, cy, cz):
            for v in range(NCV):
                ckey[pl.ds(v * L, L)] = _splat(IMAX)
                cidx[pl.ds(v * L, L)] = _splat(IMAX)

            def cbody(c2, cnt):
                for u in range(2):
                    c = c2 * 2 + u
                    key = kb[pl.ds(c * L, L)]
                    m = key < thr
                    skey = plsc.bitcast(key ^ jnp.uint32(0x80000000), jnp.int32)
                    idxv = c * L + lanes
                    plsc.store_compressed(ckey.at[pl.ds(cnt, L)], skey, mask=m)
                    plsc.store_compressed(cidx.at[pl.ds(cnt, L)], idxv, mask=m)
                    pc = plsc.all_reduce_population_count(m)
                    cnt = jnp.minimum(cnt + pc[0], RBUF)
                return cnt

            lax.fori_loop(0, NCH // 2, cbody, jnp.int32(0))

            def ebody(k, _):
                mn = None
                vs = []
                for v in range(NCV):
                    kv = ckey[pl.ds(v * L, L)]
                    vs.append(kv)
                    mn = kv if mn is None else jnp.minimum(mn, kv)
                ms = _splat(lax.reduce_min(mn, (0,)))
                widv = None
                ivs = []
                for v in range(NCV):
                    iv = cidx[pl.ds(v * L, L)]
                    ivs.append(iv)
                    cnd = jnp.where(vs[v] == ms, iv, _splat(IMAX))
                    widv = cnd if widv is None else jnp.minimum(widv, cnd)
                ws = _splat(lax.reduce_min(widv, (0,)))
                plsc.store_scatter(ibuf, [_splat(k)], ws, mask=lanes == 0)
                for v in range(NCV):
                    rm = (vs[v] == ms) & (ivs[v] == ws)
                    ckey[pl.ds(v * L, L)] = jnp.where(rm, _splat(IMAX), vs[v])
                return 0

            lax.fori_loop(0, K, ebody, 0)

            for t in range(K // L):
                iv = ibuf[pl.ds(t * L, L)]
                xg = plsc.load_gather(x_v, [iv])
                yg = plsc.load_gather(y_v, [iv])
                zg = plsc.load_gather(z_v, [iv])
                ov = (j * K + t * L + lanes) * 3
                plsc.store_scatter(out_v, [ov], xg - cx)
                plsc.store_scatter(out_v, [ov + 1], yg - cy)
                plsc.store_scatter(out_v, [ov + 2], zg - cz)

        tail(jA, kbuf, thrA, cxA, cyA, czA)
        tail(jB, kbuf2, thrB, cxB, cyB, czB)
        return 0

    lax.fori_loop(0, GPW // 2, center, 0)
    pltpu.sync_copy(out_v, out_hbm.at[b, pl.ds(w * GPW * K * 3, GPW * K * 3)])


@functools.cache
def _sc_knng():
    return pl.kernel(
        _sc_knng_body,
        out_type=jax.ShapeDtypeStruct((B, G * K * 3), jnp.float32),
        mesh=plsc.VectorSubcoreMesh(
            core_axis_name="c", subcore_axis_name="s",
            num_cores=NC, num_subcores=NS,
        ),
        compiler_params=pltpu.CompilerParams(needs_layout_passes=False),
        scratch_types=[
            pltpu.VMEM((N,), jnp.float32),
            pltpu.VMEM((N,), jnp.float32),
            pltpu.VMEM((N,), jnp.float32),
            pltpu.VMEM((N,), jnp.float32),
            pltpu.VMEM((N,), jnp.float32),
            pltpu.VMEM((N,), jnp.float32),
            pltpu.VMEM((N,), jnp.float32),
            pltpu.VMEM((GPW * 3,), jnp.float32),
            pltpu.VMEM((N,), jnp.uint32),
            pltpu.VMEM((N,), jnp.uint32),
            pltpu.VMEM((128,), jnp.int32),
            pltpu.VMEM((128,), jnp.int32),
            pltpu.VMEM((CB,), jnp.int32),
            pltpu.VMEM((CB,), jnp.int32),
            pltpu.VMEM((K,), jnp.int32),
            pltpu.VMEM((GPW * K * 3,), jnp.float32),
        ],
    )


def kernel(xyz):
    x = xyz[:, :, 0]
    y = xyz[:, :, 1]
    z = xyz[:, :, 2]
    ctr, ssq = _fps(x, y, z)
    center = jnp.transpose(ctr, (1, 2, 0))
    neigh = _sc_knng()(x, y, z, ssq, center.reshape(B, G * 3))
    return (neigh.reshape(B, G, K, 3), center)

# --- scband reference (transcript-rebuilt; emitter-appended) ---
"""Pipeline reference for scband-group-85942295593336 (READ-ONLY COPY).

The authoritative reference and input builder live on the scoring server;
editing this copy changes nothing except your own understanding.
"""

import jax, jax.numpy as jnp
import numpy as np

NUM_GROUP = 512
GROUP_SIZE = 32

def setup_inputs(seed: int = 0) -> dict:
    key = jax.random.key(seed)
    xyz = jax.random.normal(key, (8, 8192, 3), dtype=jnp.float32)
    return {"xyz": xyz}

def _fps_indices(xyz, n_samples):
    # Faithful furthest-point-sampling: start at index 0, iteratively pick the
    # point farthest from the current centroid set (as pointnet2_utils does).
    B, N, _ = xyz.shape
    centroids0 = jnp.zeros((B, n_samples), dtype=jnp.int32)
    distances0 = jnp.full((B, N), 1e10, dtype=jnp.float32)
    farthest0 = jnp.zeros((B,), dtype=jnp.int32)

    def body(i, state):
        centroids, distances, farthest = state
        centroids = centroids.at[:, i].set(farthest)
        centroid_pt = jnp.take_along_axis(xyz, farthest[:, None, None], axis=1)  # (B,1,3)
        dist = jnp.sum((xyz - centroid_pt) ** 2, axis=-1)  # (B,N)
        distances = jnp.minimum(distances, dist)
        farthest = jnp.argmax(distances, axis=-1).astype(jnp.int32)
        return (centroids, distances, farthest)

    centroids, _, _ = jax.lax.fori_loop(0, n_samples, body, (centroids0, distances0, farthest0))
    return centroids

def reference(xyz):
    B, N, C = xyz.shape
    xyz_only = xyz[:, :, :3]
    extra = xyz[:, :, 3:] if C > 3 else None

    # FPS produces indices (non-differentiable op in the original CUDA kernel);
    # centers are gathered from the data (gradient flows through the gather).
    fps_idx = _fps_indices(jax.lax.stop_gradient(xyz_only), NUM_GROUP)  # (B,G)
    center = jnp.take_along_axis(xyz_only, fps_idx[:, :, None], axis=1)  # (B,G,3)

    # KNN: pairwise squared distances center->points, take k smallest
    d = (jnp.sum(center ** 2, axis=-1)[:, :, None]
         - 2.0 * jnp.einsum('bgc,bnc->bgn', center, xyz_only)
         + jnp.sum(xyz_only ** 2, axis=-1)[:, None, :])  # (B,G,N)
    _, idx = jax.lax.top_k(-d, GROUP_SIZE)  # (B,G,M) indices of nearest points

    # Flat gather exactly like the torch idx_base trick
    idx_base = jnp.arange(B, dtype=idx.dtype)[:, None, None] * N
    idx_flat = (idx + idx_base).reshape(-1)
    neigh_xyz = xyz_only.reshape(B * N, 3)[idx_flat, :].reshape(B, NUM_GROUP, GROUP_SIZE, 3)

    if extra is not None:
        de = extra.shape[-1]
        neigh_extra = extra.reshape(B * N, de)[idx_flat, :].reshape(B, NUM_GROUP, GROUP_SIZE, de)
        neighborhood = jnp.concatenate([neigh_xyz - center[:, :, None, :], neigh_extra], axis=-1)
    else:
        neighborhood = neigh_xyz - center[:, :, None, :]
    return (neighborhood, center)

if __name__ == "__main__":
    import jax
    _d = setup_inputs()
    print(jax.jit(kernel)(*tuple(_d.values())))

</pallas_src>

<mosaic_0001>
#map = affine_map<(d0, d1) -> (0, 0)>
module attributes {stable_mosaic.version = 14 : i64} {
  func.func @_sc_knng_body(%arg0: i32, %arg1: i32, %arg2: memref<8x8192xf32, #tpu.memory_space<hbm>>, %arg3: memref<8x8192xf32, #tpu.memory_space<hbm>>, %arg4: memref<8x8192xf32, #tpu.memory_space<hbm>>, %arg5: memref<8x8192xf32, #tpu.memory_space<hbm>>, %arg6: memref<8x1536xf32, #tpu.memory_space<hbm>>, %arg7: memref<8x49152xf32, #tpu.memory_space<hbm>>, %arg8: memref<8192xf32, #tpu.memory_space<vmem>>, %arg9: memref<8192xf32, #tpu.memory_space<vmem>>, %arg10: memref<8192xf32, #tpu.memory_space<vmem>>, %arg11: memref<8192xf32, #tpu.memory_space<vmem>>, %arg12: memref<8192xf32, #tpu.memory_space<vmem>>, %arg13: memref<8192xf32, #tpu.memory_space<vmem>>, %arg14: memref<8192xf32, #tpu.memory_space<vmem>>, %arg15: memref<384xf32, #tpu.memory_space<vmem>>, %arg16: memref<8192xi32, #tpu.memory_space<vmem>>, %arg17: memref<8192xi32, #tpu.memory_space<vmem>>, %arg18: memref<128xi32, #tpu.memory_space<vmem>>, %arg19: memref<128xi32, #tpu.memory_space<vmem>>, %arg20: memref<160xi32, #tpu.memory_space<vmem>>, %arg21: memref<160xi32, #tpu.memory_space<vmem>>, %arg22: memref<32xi32, #tpu.memory_space<vmem>>, %arg23: memref<12288xf32, #tpu.memory_space<vmem>>) attributes {dimension_semantics = [#tpu.dimension_semantics<core_parallel>, #tpu.dimension_semantics<subcore_parallel>], iteration_bounds = array<i64: 2, 16>, scalar_prefetch = 0 : i64, scratch_operands = 16 : i64, tpu.core_type = #tpu.core_type<sc_vector_subcore>, window_params = [{transform_indices = #map}, {transform_indices = #map}, {transform_indices = #map}, {transform_indices = #map}, {transform_indices = #map}, {transform_indices = #map}]} {
    %mul3A = arith.constant 2 : i32
    %mul3A_0 = arith.muli %arg1, %mul3A : i32
    %add3A = arith.addi %mul3A_0, %arg0 : i32
    %jit3A = arith.constant 4 : i32
    %div3A = arith.divsi %add3A, %jit3A : i32
    %sign3A = arith.constant 0 : i32
    %sign3A_1 = arith.cmpi sgt, %add3A, %sign3A : i32
    %sign3A_2 = arith.extui %sign3A_1 : i1 to i32
    %sign3A_3 = arith.constant 0 : i32
    %sign3A_4 = arith.cmpi slt, %add3A, %sign3A_3 : i32
    %sign3A_5 = arith.extui %sign3A_4 : i1 to i32
    %sign3A_6 = arith.subi %sign3A_2, %sign3A_5 : i32
    %sign3A_7 = arith.constant 0 : i32
    %sign3A_8 = arith.cmpi sgt, %jit3A, %sign3A_7 : i32
    %sign3A_9 = arith.extui %sign3A_8 : i1 to i32
    %sign3A_10 = arith.constant 0 : i32
    %sign3A_11 = arith.cmpi slt, %jit3A, %sign3A_10 : i32
    %sign3A_12 = arith.extui %sign3A_11 : i1 to i32
    %sign3A_13 = arith.subi %sign3A_9, %sign3A_12 : i32
    %ne3A = arith.cmpi ne, %sign3A_6, %sign3A_13 : i32
    %rem3A = arith.remsi %add3A, %jit3A : i32
    %ne3A_14 = arith.constant 0 : i32
    %ne3A_15 = arith.cmpi ne, %rem3A, %ne3A_14 : i32
    %and3A = arith.andi %ne3A, %ne3A_15 : i1
    %sub3A = arith.constant 1 : i32
    %sub3A_16 = arith.subi %div3A, %sub3A : i32
    %select_n3A = arith.select %and3A, %sub3A_16, %div3A : i32
    %jit3A_17 = arith.constant 4 : i32
    %eq3A = arith.constant 0 : i32
    %eq3A_18 = arith.cmpi eq, %jit3A_17, %eq3A : i32
    %jit3A_19 = arith.constant 1 : i32
    %select_n3A_20 = arith.select %eq3A_18, %jit3A_19, %jit3A_17 : i32
    %rem3A_21 = arith.remsi %add3A, %select_n3A_20 : i32
    %ne3A_22 = arith.constant 0 : i32
    %ne3A_23 = arith.cmpi ne, %rem3A_21, %ne3A_22 : i32
    %lt3A = arith.constant 0 : i32
    %lt3A_24 = arith.cmpi slt, %rem3A_21, %lt3A : i32
    %lt3A_25 = arith.constant 0 : i32
    %lt3A_26 = arith.cmpi slt, %select_n3A_20, %lt3A_25 : i32
    %ne3A_27 = arith.xori %lt3A_24, %lt3A_26 : i1
    %and3A_28 = arith.andi %ne3A_27, %ne3A_23 : i1
    %add3A_29 = arith.addi %rem3A_21, %select_n3A_20 : i32
    %select_n3A_30 = arith.select %and3A_28, %add3A_29, %rem3A_21 : i32
    "tpu.region"() ({
      %run_scoped3A = tpu.sem_alloc : memref<!tpu.dma_semaphore, #tpu.memory_space<semaphore_mem>>
      %dma_start3A = arith.constant 0 : i32
      %dma_start3A_55 = tpu.memref_slice %arg2[%select_n3A, %dma_start3A] : memref<8x8192xf32, #tpu.memory_space<hbm>> -> memref<1x8192xf32, #tpu.memory_space<hbm>>
      %dma_start3A_56 = tpu.memref_squeeze %dma_start3A_55 : memref<1x8192xf32, #tpu.memory_space<hbm>> -> memref<8192xf32, #tpu.memory_space<hbm>>
      %dma_start3A_57 = arith.constant 0 : i32
      %dma_start3A_58 = tpu.memref_slice %arg2[%select_n3A, %dma_start3A_57] : memref<8x8192xf32, #tpu.memory_space<hbm>> -> memref<1x8192xf32, #tpu.memory_space<hbm>>
      %dma_start3A_59 = tpu.memref_squeeze %dma_start3A_58 : memref<1x8192xf32, #tpu.memory_space<hbm>> -> memref<8192xf32, #tpu.memory_space<hbm>>
      tpu.enqueue_dma source(%dma_start3A_59 : memref<8192xf32, #tpu.memory_space<hbm>>) target(%arg11 : memref<8192xf32, #tpu.memory_space<vmem>>) target_semaphore(%run_scoped3A : memref<!tpu.dma_semaphore, #tpu.memory_space<semaphore_mem>>)
      %dma_wait3A = arith.constant 0 : i32
      %dma_wait3A_60 = tpu.memref_slice %arg2[%select_n3A, %dma_wait3A] : memref<8x8192xf32, #tpu.memory_space<hbm>> -> memref<1x8192xf32, #tpu.memory_space<hbm>>
      %dma_wait3A_61 = tpu.memref_squeeze %dma_wait3A_60 : memref<1x8192xf32, #tpu.memory_space<hbm>> -> memref<8192xf32, #tpu.memory_space<hbm>>
      %dma_wait3A_62 = arith.constant 0 : i32
      %dma_wait3A_63 = tpu.memref_slice %arg2[%select_n3A, %dma_wait3A_62] : memref<8x8192xf32, #tpu.memory_space<hbm>> -> memref<1x8192xf32, #tpu.memory_space<hbm>>
      %dma_wait3A_64 = tpu.memref_squeeze %dma_wait3A_63 : memref<1x8192xf32, #tpu.memory_space<hbm>> -> memref<8192xf32, #tpu.memory_space<hbm>>
      tpu.wait_dma2 semaphore(%run_scoped3A : memref<!tpu.dma_semaphore, #tpu.memory_space<semaphore_mem>>) src(%dma_wait3A_64 : memref<8192xf32, #tpu.memory_space<hbm>>) dst(%arg11 : memref<8192xf32, #tpu.memory_space<vmem>>)
      tpu.yield
    }) : () -> ()
    "tpu.region"() ({
      %run_scoped3A = tpu.sem_alloc : memref<!tpu.dma_semaphore, #tpu.memory_space<semaphore_mem>>
      %dma_start3A = arith.constant 0 : i32
      %dma_start3A_55 = tpu.memref_slice %arg3[%select_n3A, %dma_start3A] : memref<8x8192xf32, #tpu.memory_space<hbm>> -> memref<1x8192xf32, #tpu.memory_space<hbm>>
      %dma_start3A_56 = tpu.memref_squeeze %dma_start3A_55 : memref<1x8192xf32, #tpu.memory_space<hbm>> -> memref<8192xf32, #tpu.memory_space<hbm>>
      %dma_start3A_57 = arith.constant 0 : i32
      %dma_start3A_58 = tpu.memref_slice %arg3[%select_n3A, %dma_start3A_57] : memref<8x8192xf32, #tpu.memory_space<hbm>> -> memref<1x8192xf32, #tpu.memory_space<hbm>>
      %dma_start3A_59 = tpu.memref_squeeze %dma_start3A_58 : memref<1x8192xf32, #tpu.memory_space<hbm>> -> memref<8192xf32, #tpu.memory_space<hbm>>
      tpu.enqueue_dma source(%dma_start3A_59 : memref<8192xf32, #tpu.memory_space<hbm>>) target(%arg12 : memref<8192xf32, #tpu.memory_space<vmem>>) target_semaphore(%run_scoped3A : memref<!tpu.dma_semaphore, #tpu.memory_space<semaphore_mem>>)
      %dma_wait3A = arith.constant 0 : i32
      %dma_wait3A_60 = tpu.memref_slice %arg3[%select_n3A, %dma_wait3A] : memref<8x8192xf32, #tpu.memory_space<hbm>> -> memref<1x8192xf32, #tpu.memory_space<hbm>>
      %dma_wait3A_61 = tpu.memref_squeeze %dma_wait3A_60 : memref<1x8192xf32, #tpu.memory_space<hbm>> -> memref<8192xf32, #tpu.memory_space<hbm>>
      %dma_wait3A_62 = arith.constant 0 : i32
      %dma_wait3A_63 = tpu.memref_slice %arg3[%select_n3A, %dma_wait3A_62] : memref<8x8192xf32, #tpu.memory_space<hbm>> -> memref<1x8192xf32, #tpu.memory_space<hbm>>
      %dma_wait3A_64 = tpu.memref_squeeze %dma_wait3A_63 : memref<1x8192xf32, #tpu.memory_space<hbm>> -> memref<8192xf32, #tpu.memory_space<hbm>>
      tpu.wait_dma2 semaphore(%run_scoped3A : memref<!tpu.dma_semaphore, #tpu.memory_space<semaphore_mem>>) src(%dma_wait3A_64 : memref<8192xf32, #tpu.memory_space<hbm>>) dst(%arg12 : memref<8192xf32, #tpu.memory_space<vmem>>)
      tpu.yield
    }) : () -> ()
    "tpu.region"() ({
      %run_scoped3A = tpu.sem_alloc : memref<!tpu.dma_semaphore, #tpu.memory_space<semaphore_mem>>
      %dma_start3A = arith.constant 0 : i32
      %dma_start3A_55 = tpu.memref_slice %arg4[%select_n3A, %dma_start3A] : memref<8x8192xf32, #tpu.memory_space<hbm>> -> memref<1x8192xf32, #tpu.memory_space<hbm>>
      %dma_start3A_56 = tpu.memref_squeeze %dma_start3A_55 : memref<1x8192xf32, #tpu.memory_space<hbm>> -> memref<8192xf32, #tpu.memory_space<hbm>>
      %dma_start3A_57 = arith.constant 0 : i32
      %dma_start3A_58 = tpu.memref_slice %arg4[%select_n3A, %dma_start3A_57] : memref<8x8192xf32, #tpu.memory_space<hbm>> -> memref<1x8192xf32, #tpu.memory_space<hbm>>
      %dma_start3A_59 = tpu.memref_squeeze %dma_start3A_58 : memref<1x8192xf32, #tpu.memory_space<hbm>> -> memref<8192xf32, #tpu.memory_space<hbm>>
      tpu.enqueue_dma source(%dma_start3A_59 : memref<8192xf32, #tpu.memory_space<hbm>>) target(%arg13 : memref<8192xf32, #tpu.memory_space<vmem>>) target_semaphore(%run_scoped3A : memref<!tpu.dma_semaphore, #tpu.memory_space<semaphore_mem>>)
      %dma_wait3A = arith.constant 0 : i32
      %dma_wait3A_60 = tpu.memref_slice %arg4[%select_n3A, %dma_wait3A] : memref<8x8192xf32, #tpu.memory_space<hbm>> -> memref<1x8192xf32, #tpu.memory_space<hbm>>
      %dma_wait3A_61 = tpu.memref_squeeze %dma_wait3A_60 : memref<1x8192xf32, #tpu.memory_space<hbm>> -> memref<8192xf32, #tpu.memory_space<hbm>>
      %dma_wait3A_62 = arith.constant 0 : i32
      %dma_wait3A_63 = tpu.memref_slice %arg4[%select_n3A, %dma_wait3A_62] : memref<8x8192xf32, #tpu.memory_space<hbm>> -> memref<1x8192xf32, #tpu.memory_space<hbm>>
      %dma_wait3A_64 = tpu.memref_squeeze %dma_wait3A_63 : memref<1x8192xf32, #tpu.memory_space<hbm>> -> memref<8192xf32, #tpu.memory_space<hbm>>
      tpu.wait_dma2 semaphore(%run_scoped3A : memref<!tpu.dma_semaphore, #tpu.memory_space<semaphore_mem>>) src(%dma_wait3A_64 : memref<8192xf32, #tpu.memory_space<hbm>>) dst(%arg13 : memref<8192xf32, #tpu.memory_space<vmem>>)
      tpu.yield
    }) : () -> ()
    "tpu.region"() ({
      %run_scoped3A = tpu.sem_alloc : memref<!tpu.dma_semaphore, #tpu.memory_space<semaphore_mem>>
      %dma_start3A = arith.constant 0 : i32
      %dma_start3A_55 = tpu.memref_slice %arg5[%select_n3A, %dma_start3A] : memref<8x8192xf32, #tpu.memory_space<hbm>> -> memref<1x8192xf32, #tpu.memory_space<hbm>>
      %dma_start3A_56 = tpu.memref_squeeze %dma_start3A_55 : memref<1x8192xf32, #tpu.memory_space<hbm>> -> memref<8192xf32, #tpu.memory_space<hbm>>
      %dma_start3A_57 = arith.constant 0 : i32
      %dma_start3A_58 = tpu.memref_slice %arg5[%select_n3A, %dma_start3A_57] : memref<8x8192xf32, #tpu.memory_space<hbm>> -> memref<1x8192xf32, #tpu.memory_space<hbm>>
      %dma_start3A_59 = tpu.memref_squeeze %dma_start3A_58 : memref<1x8192xf32, #tpu.memory_space<hbm>> -> memref<8192xf32, #tpu.memory_space<hbm>>
      tpu.enqueue_dma source(%dma_start3A_59 : memref<8192xf32, #tpu.memory_space<hbm>>) target(%arg14 : memref<8192xf32, #tpu.memory_space<vmem>>) target_semaphore(%run_scoped3A : memref<!tpu.dma_semaphore, #tpu.memory_space<semaphore_mem>>)
      %dma_wait3A = arith.constant 0 : i32
      %dma_wait3A_60 = tpu.memref_slice %arg5[%select_n3A, %dma_wait3A] : memref<8x8192xf32, #tpu.memory_space<hbm>> -> memref<1x8192xf32, #tpu.memory_space<hbm>>
      %dma_wait3A_61 = tpu.memref_squeeze %dma_wait3A_60 : memref<1x8192xf32, #tpu.memory_space<hbm>> -> memref<8192xf32, #tpu.memory_space<hbm>>
      %dma_wait3A_62 = arith.constant 0 : i32
      %dma_wait3A_63 = tpu.memref_slice %arg5[%select_n3A, %dma_wait3A_62] : memref<8x8192xf32, #tpu.memory_space<hbm>> -> memref<1x8192xf32, #tpu.memory_space<hbm>>
      %dma_wait3A_64 = tpu.memref_squeeze %dma_wait3A_63 : memref<1x8192xf32, #tpu.memory_space<hbm>> -> memref<8192xf32, #tpu.memory_space<hbm>>
      tpu.wait_dma2 semaphore(%run_scoped3A : memref<!tpu.dma_semaphore, #tpu.memory_space<semaphore_mem>>) src(%dma_wait3A_64 : memref<8192xf32, #tpu.memory_space<hbm>>) dst(%arg14 : memref<8192xf32, #tpu.memory_space<vmem>>)
      tpu.yield
    }) : () -> ()
    %mul3A_31 = arith.constant 128 : i32
    %mul3A_32 = arith.muli %select_n3A_30, %mul3A_31 : i32
    %mul3A_33 = arith.constant 3 : i32
    %mul3A_34 = arith.muli %mul3A_32, %mul3A_33 : i32
    "tpu.region"() ({
      %run_scoped3A = tpu.sem_alloc : memref<!tpu.dma_semaphore, #tpu.memory_space<semaphore_mem>>
      %dma_start3A = tpu.memref_slice %arg6[%select_n3A, %mul3A_34] : memref<8x1536xf32, #tpu.memory_space<hbm>> -> memref<1x384xf32, #tpu.memory_space<hbm>>
      %dma_start3A_55 = tpu.memref_squeeze %dma_start3A : memref<1x384xf32, #tpu.memory_space<hbm>> -> memref<384xf32, #tpu.memory_space<hbm>>
      %dma_start3A_56 = tpu.memref_slice %arg6[%select_n3A, %mul3A_34] : memref<8x1536xf32, #tpu.memory_space<hbm>> -> memref<1x384xf32, #tpu.memory_space<hbm>>
      %dma_start3A_57 = tpu.memref_squeeze %dma_start3A_56 : memref<1x384xf32, #tpu.memory_space<hbm>> -> memref<384xf32, #tpu.memory_space<hbm>>
      tpu.enqueue_dma source(%dma_start3A_57 : memref<384xf32, #tpu.memory_space<hbm>>) target(%arg15 : memref<384xf32, #tpu.memory_space<vmem>>) target_semaphore(%run_scoped3A : memref<!tpu.dma_semaphore, #tpu.memory_space<semaphore_mem>>)
      %dma_wait3A = tpu.memref_slice %arg6[%select_n3A, %mul3A_34] : memref<8x1536xf32, #tpu.memory_space<hbm>> -> memref<1x384xf32, #tpu.memory_space<hbm>>
      %dma_wait3A_58 = tpu.memref_squeeze %dma_wait3A : memref<1x384xf32, #tpu.memory_space<hbm>> -> memref<384xf32, #tpu.memory_space<hbm>>
      %dma_wait3A_59 = tpu.memref_slice %arg6[%select_n3A, %mul3A_34] : memref<8x1536xf32, #tpu.memory_space<hbm>> -> memref<1x384xf32, #tpu.memory_space<hbm>>
      %dma_wait3A_60 = tpu.memref_squeeze %dma_wait3A_59 : memref<1x384xf32, #tpu.memory_space<hbm>> -> memref<384xf32, #tpu.memory_space<hbm>>
      tpu.wait_dma2 semaphore(%run_scoped3A : memref<!tpu.dma_semaphore, #tpu.memory_space<semaphore_mem>>) src(%dma_wait3A_60 : memref<384xf32, #tpu.memory_space<hbm>>) dst(%arg15 : memref<384xf32, #tpu.memory_space<vmem>>)
      tpu.yield
    }) : () -> ()
    %iota3A = tpu.iota {dimensions = array<i32: 0>} : vector<16xi32>
    %broadcast_in_dim3A = arith.constant 0 : i32
    %broadcast_in_dim3A_35 = vector.broadcast %broadcast_in_dim3A : i32 to vector<16xi32>
    %scan3A = arith.constant 0 : i32
    %scan3A_36 = arith.constant 0 : i32
    %scan3A_37 = arith.constant 512 : i32
    %scan3A_38 = arith.addi %scan3A_36, %scan3A_37 : i32
    %scan3A_39 = arith.constant 1 : i32
    %scan3A_40 = scf.for %scan3A_55 = %scan3A_36 to %scan3A_38 step %scan3A_39 iter_args(%scan3A_56 = %scan3A) -> (i32)  : i32 {
      %mul3A_57 = arith.constant 16 : i32
      %mul3A_58 = arith.muli %scan3A_55, %mul3A_57 : i32
      %get3A = arith.index_cast %mul3A_58 : i32 to index
      %get3A_59 = tpu.vector_load %arg11[%get3A] {strides = array<i32>} : memref<8192xf32, #tpu.memory_space<vmem>>, vector<16xf32>,
      %bitcast3A = vector.bitcast %get3A_59 : vector<16xf32> to vector<16xi32>
      %add3A_60 = arith.constant 32767 : i32
      %add3A_61 = vector.broadcast %add3A_60 : i32 to vector<16xi32>
      %add3A_62 = arith.addi %bitcast3A, %add3A_61 : vector<16xi32>
      %shift_right_logical3A = arith.constant 16 : i32
      %shift_right_logical3A_63 = vector.broadcast %shift_right_logical3A : i32 to vector<16xi32>
      %shift_right_logical3A_64 = arith.shrui %bitcast3A, %shift_right_logical3A_63 : vector<16xi32>
      %and3A_65 = arith.constant 1 : i32
      %and3A_66 = vector.broadcast %and3A_65 : i32 to vector<16xi32>
      %and3A_67 = arith.andi %shift_right_logical3A_64, %and3A_66 : vector<16xi32>
      %add3A_68 = arith.addi %add3A_62, %and3A_67 : vector<16xi32>
      %and3A_69 = arith.constant -65536 : i32
      %and3A_70 = vector.broadcast %and3A_69 : i32 to vector<16xi32>
      %and3A_71 = arith.andi %add3A_68, %and3A_70 : vector<16xi32>
      %bitcast3A_72 = vector.bitcast %and3A_71 : vector<16xi32> to vector<16xf32>
      %swap3A = arith.index_cast %mul3A_58 : i32 to index
      %swap3A_73 = tpu.vector_load %arg8[%swap3A] {strides = array<i32>} : memref<8192xf32, #tpu.memory_space<vmem>>, vector<16xf32>,
      tpu.vector_store %arg8[%swap3A], %bitcast3A_72 {strides = array<i32>} : memref<8192xf32, #tpu.memory_space<vmem>>, vector<16xf32>,
      %get3A_74 = arith.index_cast %mul3A_58 : i32 to index
      %get3A_75 = tpu.vector_load %arg12[%get3A_74] {strides = array<i32>} : memref<8192xf32, #tpu.memory_space<vmem>>, vector<16xf32>,
      %bitcast3A_76 = vector.bitcast %get3A_75 : vector<16xf32> to vector<16xi32>
      %add3A_77 = arith.constant 32767 : i32
      %add3A_78 = vector.broadcast %add3A_77 : i32 to vector<16xi32>
      %add3A_79 = arith.addi %bitcast3A_76, %add3A_78 : vector<16xi32>
      %shift_right_logical3A_80 = arith.constant 16 : i32
      %shift_right_logical3A_81 = vector.broadcast %shift_right_logical3A_80 : i32 to vector<16xi32>
      %shift_right_logical3A_82 = arith.shrui %bitcast3A_76, %shift_right_logical3A_81 : vector<16xi32>
      %and3A_83 = arith.constant 1 : i32
      %and3A_84 = vector.broadcast %and3A_83 : i32 to vector<16xi32>
      %and3A_85 = arith.andi %shift_right_logical3A_82, %and3A_84 : vector<16xi32>
      %add3A_86 = arith.addi %add3A_79, %and3A_85 : vector<16xi32>
      %and3A_87 = arith.constant -65536 : i32
      %and3A_88 = vector.broadcast %and3A_87 : i32 to vector<16xi32>
      %and3A_89 = arith.andi %add3A_86, %and3A_88 : vector<16xi32>
      %bitcast3A_90 = vector.bitcast %and3A_89 : vector<16xi32> to vector<16xf32>
      %swap3A_91 = arith.index_cast %mul3A_58 : i32 to index
      %swap3A_92 = tpu.vector_load %arg9[%swap3A_91] {strides = array<i32>} : memref<8192xf32, #tpu.memory_space<vmem>>, vector<16xf32>,
      tpu.vector_store %arg9[%swap3A_91], %bitcast3A_90 {strides = array<i32>} : memref<8192xf32, #tpu.memory_space<vmem>>, vector<16xf32>,
      %get3A_93 = arith.index_cast %mul3A_58 : i32 to index
      %get3A_94 = tpu.vector_load %arg13[%get3A_93] {strides = array<i32>} : memref<8192xf32, #tpu.memory_space<vmem>>, vector<16xf32>,
      %bitcast3A_95 = vector.bitcast %get3A_94 : vector<16xf32> to vector<16xi32>
      %add3A_96 = arith.constant 32767 : i32
      %add3A_97 = vector.broadcast %add3A_96 : i32 to vector<16xi32>
      %add3A_98 = arith.addi %bitcast3A_95, %add3A_97 : vector<16xi32>
      %shift_right_logical3A_99 = arith.constant 16 : i32
      %shift_right_logical3A_100 = vector.broadcast %shift_right_logical3A_99 : i32 to vector<16xi32>
      %shift_right_logical3A_101 = arith.shrui %bitcast3A_95, %shift_right_logical3A_100 : vector<16xi32>
      %and3A_102 = arith.constant 1 : i32
      %and3A_103 = vector.broadcast %and3A_102 : i32 to vector<16xi32>
      %and3A_104 = arith.andi %shift_right_logical3A_101, %and3A_103 : vector<16xi32>
      %add3A_105 = arith.addi %add3A_98, %and3A_104 : vector<16xi32>
      %and3A_106 = arith.constant -65536 : i32
      %and3A_107 = vector.broadcast %and3A_106 : i32 to vector<16xi32>
      %and3A_108 = arith.andi %add3A_105, %and3A_107 : vector<16xi32>
      %bitcast3A_109 = vector.bitcast %and3A_108 : vector<16xi32> to vector<16xf32>
      %swap3A_110 = arith.index_cast %mul3A_58 : i32 to index
      %swap3A_111 = tpu.vector_load %arg10[%swap3A_110] {strides = array<i32>} : memref<8192xf32, #tpu.memory_space<vmem>>, vector<16xf32>,
      tpu.vector_store %arg10[%swap3A_110], %bitcast3A_109 {strides = array<i32>} : memref<8192xf32, #tpu.memory_space<vmem>>, vector<16xf32>,
      %scan3A_112 = arith.constant 0 : i32
      scf.yield %scan3A_112 : i32
    }
    %scan3A_41 = arith.constant 512 : i32
    %scan3A_42 = arith.constant 0 : i32
    %scan3A_43 = arith.constant 0 : i32
    %scan3A_44 = arith.constant 64 : i32
    %scan3A_45 = arith.addi %scan3A_43, %scan3A_44 : i32
    %scan3A_46 = arith.constant 1 : i32
    %scan3A_47 = scf.for %scan3A_55 = %scan3A_43 to %scan3A_45 step %scan3A_46 iter_args(%scan3A_56 = %scan3A_42) -> (i32)  : i32 {
      %mul3A_57 = arith.constant 2 : i32
      %mul3A_58 = arith.muli %scan3A_55, %mul3A_57 : i32
      %mul3A_59 = arith.constant 2 : i32
      %mul3A_60 = arith.muli %scan3A_55, %mul3A_59 : i32
      %add3A_61 = arith.constant 1 : i32
      %add3A_62 = arith.addi %mul3A_60, %add3A_61 : i32
      %mul3A_63 = arith.constant 3 : i32
      %mul3A_64 = arith.muli %mul3A_58, %mul3A_63 : i32
      %broadcast_in_dim3A_65 = vector.broadcast %mul3A_64 : i32 to vector<16xi32>
      %gather3A = tpu.vector_load_idx %arg15[%broadcast_in_dim3A_65] : memref<384xf32, #tpu.memory_space<vmem>>[vector<16xi32>], vector<16xf32>,
      %add3A_66 = arith.constant 1 : i32
      %add3A_67 = vector.broadcast %add3A_66 : i32 to vector<16xi32>
      %add3A_68 = arith.addi %broadcast_in_dim3A_65, %add3A_67 : vector<16xi32>
      %gather3A_69 = tpu.vector_load_idx %arg15[%add3A_68] : memref<384xf32, #tpu.memory_space<vmem>>[vector<16xi32>], vector<16xf32>,
      %add3A_70 = arith.constant 2 : i32
      %add3A_71 = vector.broadcast %add3A_70 : i32 to vector<16xi32>
      %add3A_72 = arith.addi %broadcast_in_dim3A_65, %add3A_71 : vector<16xi32>
      %gather3A_73 = tpu.vector_load_idx %arg15[%add3A_72] : memref<384xf32, #tpu.memory_space<vmem>>[vector<16xi32>], vector<16xf32>,
      %mul3A_74 = arith.mulf %gather3A, %gather3A : vector<16xf32>
      %mul3A_75 = arith.mulf %gather3A_69, %gather3A_69 : vector<16xf32>
      %add3A_76 = arith.addf %mul3A_74, %mul3A_75 : vector<16xf32>
      %mul3A_77 = arith.mulf %gather3A_73, %gather3A_73 : vector<16xf32>
      %add3A_78 = arith.addf %add3A_76, %mul3A_77 : vector<16xf32>
      %bitcast3A = vector.bitcast %gather3A : vector<16xf32> to vector<16xi32>
      %add3A_79 = arith.constant 32767 : i32
      %add3A_80 = vector.broadcast %add3A_79 : i32 to vector<16xi32>
      %add3A_81 = arith.addi %bitcast3A, %add3A_80 : vector<16xi32>
      %shift_right_logical3A = arith.constant 16 : i32
      %shift_right_logical3A_82 = vector.broadcast %shift_right_logical3A : i32 to vector<16xi32>
      %shift_right_logical3A_83 = arith.shrui %bitcast3A, %shift_right_logical3A_82 : vector<16xi32>
      %and3A_84 = arith.constant 1 : i32
      %and3A_85 = vector.broadcast %and3A_84 : i32 to vector<16xi32>
      %and3A_86 = arith.andi %shift_right_logical3A_83, %and3A_85 : vector<16xi32>
      %add3A_87 = arith.addi %add3A_81, %and3A_86 : vector<16xi32>
      %and3A_88 = arith.constant -65536 : i32
      %and3A_89 = vector.broadcast %and3A_88 : i32 to vector<16xi32>
      %and3A_90 = arith.andi %add3A_87, %and3A_89 : vector<16xi32>
      %bitcast3A_91 = vector.bitcast %and3A_90 : vector<16xi32> to vector<16xf32>
      %bitcast3A_92 = vector.bitcast %gather3A_69 : vector<16xf32> to vector<16xi32>
      %add3A_93 = arith.constant 32767 : i32
      %add3A_94 = vector.broadcast %add3A_93 : i32 to vector<16xi32>
      %add3A_95 = arith.addi %bitcast3A_92, %add3A_94 : vector<16xi32>
      %shift_right_logical3A_96 = arith.constant 16 : i32
      %shift_right_logical3A_97 = vector.broadcast %shift_right_logical3A_96 : i32 to vector<16xi32>
      %shift_right_logical3A_98 = arith.shrui %bitcast3A_92, %shift_right_logical3A_97 : vector<16xi32>
      %and3A_99 = arith.constant 1 : i32
      %and3A_100 = vector.broadcast %and3A_99 : i32 to vector<16xi32>
      %and3A_101 = arith.andi %shift_right_logical3A_98, %and3A_100 : vector<16xi32>
      %add3A_102 = arith.addi %add3A_95, %and3A_101 : vector<16xi32>
      %and3A_103 = arith.constant -65536 : i32
      %and3A_104 = vector.broadcast %and3A_103 : i32 to vector<16xi32>
      %and3A_105 = arith.andi %add3A_102, %and3A_104 : vector<16xi32>
      %bitcast3A_106 = vector.bitcast %and3A_105 : vector<16xi32> to vector<16xf32>
      %bitcast3A_107 = vector.bitcast %gather3A_73 : vector<16xf32> to vector<16xi32>
      %add3A_108 = arith.constant 32767 : i32
      %add3A_109 = vector.broadcast %add3A_108 : i32 to vector<16xi32>
      %add3A_110 = arith.addi %bitcast3A_107, %add3A_109 : vector<16xi32>
      %shift_right_logical3A_111 = arith.constant 16 : i32
      %shift_right_logical3A_112 = vector.broadcast %shift_right_logical3A_111 : i32 to vector<16xi32>
      %shift_right_logical3A_113 = arith.shrui %bitcast3A_107, %shift_right_logical3A_112 : vector<16xi32>
      %and3A_114 = arith.constant 1 : i32
      %and3A_115 = vector.broadcast %and3A_114 : i32 to vector<16xi32>
      %and3A_116 = arith.andi %shift_right_logical3A_113, %and3A_115 : vector<16xi32>
      %add3A_117 = arith.addi %add3A_110, %and3A_116 : vector<16xi32>
      %and3A_118 = arith.constant -65536 : i32
      %and3A_119 = vector.broadcast %and3A_118 : i32 to vector<16xi32>
      %and3A_120 = arith.andi %add3A_117, %and3A_119 : vector<16xi32>
      %bitcast3A_121 = vector.bitcast %and3A_120 : vector<16xi32> to vector<16xf32>
      %mul3A_122 = arith.constant 3 : i32
      %mul3A_123 = arith.muli %add3A_62, %mul3A_122 : i32
      %broadcast_in_dim3A_124 = vector.broadcast %mul3A_123 : i32 to vector<16xi32>
      %gather3A_125 = tpu.vector_load_idx %arg15[%broadcast_in_dim3A_124] : memref<384xf32, #tpu.memory_space<vmem>>[vector<16xi32>], vector<16xf32>,
      %add3A_126 = arith.constant 1 : i32
      %add3A_127 = vector.broadcast %add3A_126 : i32 to vector<16xi32>
      %add3A_128 = arith.addi %broadcast_in_dim3A_124, %add3A_127 : vector<16xi32>
      %gather3A_129 = tpu.vector_load_idx %arg15[%add3A_128] : memref<384xf32, #tpu.memory_space<vmem>>[vector<16xi32>], vector<16xf32>,
      %add3A_130 = arith.constant 2 : i32
      %add3A_131 = vector.broadcast %add3A_130 : i32 to vector<16xi32>
      %add3A_132 = arith.addi %broadcast_in_dim3A_124, %add3A_131 : vector<16xi32>
      %gather3A_133 = tpu.vector_load_idx %arg15[%add3A_132] : memref<384xf32, #tpu.memory_space<vmem>>[vector<16xi32>], vector<16xf32>,
      %mul3A_134 = arith.mulf %gather3A_125, %gather3A_125 : vector<16xf32>
      %mul3A_135 = arith.mulf %gather3A_129, %gather3A_129 : vector<16xf32>
      %add3A_136 = arith.addf %mul3A_134, %mul3A_135 : vector<16xf32>
      %mul3A_137 = arith.mulf %gather3A_133, %gather3A_133 : vector<16xf32>
      %add3A_138 = arith.addf %add3A_136, %mul3A_137 : vector<16xf32>
      %bitcast3A_139 = vector.bitcast %gather3A_125 : vector<16xf32> to vector<16xi32>
      %add3A_140 = arith.constant 32767 : i32
      %add3A_141 = vector.broadcast %add3A_140 : i32 to vector<16xi32>
      %add3A_142 = arith.addi %bitcast3A_139, %add3A_141 : vector<16xi32>
      %shift_right_logical3A_143 = arith.constant 16 : i32
      %shift_right_logical3A_144 = vector.broadcast %shift_right_logical3A_143 : i32 to vector<16xi32>
      %shift_right_logical3A_145 = arith.shrui %bitcast3A_139, %shift_right_logical3A_144 : vector<16xi32>
      %and3A_146 = arith.constant 1 : i32
      %and3A_147 = vector.broadcast %and3A_146 : i32 to vector<16xi32>
      %and3A_148 = arith.andi %shift_right_logical3A_145, %and3A_147 : vector<16xi32>
      %add3A_149 = arith.addi %add3A_142, %and3A_148 : vector<16xi32>
      %and3A_150 = arith.constant -65536 : i32
      %and3A_151 = vector.broadcast %and3A_150 : i32 to vector<16xi32>
      %and3A_152 = arith.andi %add3A_149, %and3A_151 : vector<16xi32>
      %bitcast3A_153 = vector.bitcast %and3A_152 : vector<16xi32> to vector<16xf32>
      %bitcast3A_154 = vector.bitcast %gather3A_129 : vector<16xf32> to vector<16xi32>
      %add3A_155 = arith.constant 32767 : i32
      %add3A_156 = vector.broadcast %add3A_155 : i32 to vector<16xi32>
      %add3A_157 = arith.addi %bitcast3A_154, %add3A_156 : vector<16xi32>
      %shift_right_logical3A_158 = arith.constant 16 : i32
      %shift_right_logical3A_159 = vector.broadcast %shift_right_logical3A_158 : i32 to vector<16xi32>
      %shift_right_logical3A_160 = arith.shrui %bitcast3A_154, %shift_right_logical3A_159 : vector<16xi32>
      %and3A_161 = arith.constant 1 : i32
      %and3A_162 = vector.broadcast %and3A_161 : i32 to vector<16xi32>
      %and3A_163 = arith.andi %shift_right_logical3A_160, %and3A_162 : vector<16xi32>
      %add3A_164 = arith.addi %add3A_157, %and3A_163 : vector<16xi32>
      %and3A_165 = arith.constant -65536 : i32
      %and3A_166 = vector.broadcast %and3A_165 : i32 to vector<16xi32>
      %and3A_167 = arith.andi %add3A_164, %and3A_166 : vector<16xi32>
      %bitcast3A_168 = vector.bitcast %and3A_167 : vector<16xi32> to vector<16xf32>
      %bitcast3A_169 = vector.bitcast %gather3A_133 : vector<16xf32> to vector<16xi32>
      %add3A_170 = arith.constant 32767 : i32
      %add3A_171 = vector.broadcast %add3A_170 : i32 to vector<16xi32>
      %add3A_172 = arith.addi %bitcast3A_169, %add3A_171 : vector<16xi32>
      %shift_right_logical3A_173 = arith.constant 16 : i32
      %shift_right_logical3A_174 = vector.broadcast %shift_right_logical3A_173 : i32 to vector<16xi32>
      %shift_right_logical3A_175 = arith.shrui %bitcast3A_169, %shift_right_logical3A_174 : vector<16xi32>
      %and3A_176 = arith.constant 1 : i32
      %and3A_177 = vector.broadcast %and3A_176 : i32 to vector<16xi32>
      %and3A_178 = arith.andi %shift_right_logical3A_175, %and3A_177 : vector<16xi32>
      %add3A_179 = arith.addi %add3A_172, %and3A_178 : vector<16xi32>
      %and3A_180 = arith.constant -65536 : i32
      %and3A_181 = vector.broadcast %and3A_180 : i32 to vector<16xi32>
      %and3A_182 = arith.andi %add3A_179, %and3A_181 : vector<16xi32>
      %bitcast3A_183 = vector.bitcast %and3A_182 : vector<16xi32> to vector<16xf32>
      %swap3A = arith.constant 0 : index
      %swap3A_184 = tpu.vector_load %arg18[%swap3A] {strides = array<i32>} : memref<128xi32, #tpu.memory_space<vmem>>, vector<16xi32>,
      tpu.vector_store %arg18[%swap3A], %broadcast_in_dim3A_35 {strides = array<i32>} : memref<128xi32, #tpu.memory_space<vmem>>, vector<16xi32>,
      %swap3A_185 = arith.constant 16 : index
      %swap3A_186 = tpu.vector_load %arg18[%swap3A_185] {strides = array<i32>} : memref<128xi32, #tpu.memory_space<vmem>>, vector<16xi32>,
      tpu.vector_store %arg18[%swap3A_185], %broadcast_in_dim3A_35 {strides = array<i32>} : memref<128xi32, #tpu.memory_space<vmem>>, vector<16xi32>,
      %swap3A_187 = arith.constant 32 : index
      %swap3A_188 = tpu.vector_load %arg18[%swap3A_187] {strides = array<i32>} : memref<128xi32, #tpu.memory_space<vmem>>, vector<16xi32>,
      tpu.vector_store %arg18[%swap3A_187], %broadcast_in_dim3A_35 {strides = array<i32>} : memref<128xi32, #tpu.memory_space<vmem>>, vector<16xi32>,
      %swap3A_189 = arith.constant 48 : index
      %swap3A_190 = tpu.vector_load %arg18[%swap3A_189] {strides = array<i32>} : memref<128xi32, #tpu.memory_space<vmem>>, vector<16xi32>,
      tpu.vector_store %arg18[%swap3A_189], %broadcast_in_dim3A_35 {strides = array<i32>} : memref<128xi32, #tpu.memory_space<vmem>>, vector<16xi32>,
      %swap3A_191 = arith.constant 64 : index
      %swap3A_192 = tpu.vector_load %arg18[%swap3A_191] {strides = array<i32>} : memref<128xi32, #tpu.memory_space<vmem>>, vector<16xi32>,
      tpu.vector_store %arg18[%swap3A_191], %broadcast_in_dim3A_35 {strides = array<i32>} : memref<128xi32, #tpu.memory_space<vmem>>, vector<16xi32>,
      %swap3A_193 = arith.constant 80 : index
      %swap3A_194 = tpu.vector_load %arg18[%swap3A_193] {strides = array<i32>} : memref<128xi32, #tpu.memory_space<vmem>>, vector<16xi32>,
      tpu.vector_store %arg18[%swap3A_193], %broadcast_in_dim3A_35 {strides = array<i32>} : memref<128xi32, #tpu.memory_space<vmem>>, vector<16xi32>,
      %swap3A_195 = arith.constant 96 : index
      %swap3A_196 = tpu.vector_load %arg18[%swap3A_195] {strides = array<i32>} : memref<128xi32, #tpu.memory_space<vmem>>, vector<16xi32>,
      tpu.vector_store %arg18[%swap3A_195], %broadcast_in_dim3A_35 {strides = array<i32>} : memref<128xi32, #tpu.memory_space<vmem>>, vector<16xi32>,
      %swap3A_197 = arith.constant 112 : index
      %swap3A_198 = tpu.vector_load %arg18[%swap3A_197] {strides = array<i32>} : memref<128xi32, #tpu.memory_space<vmem>>, vector<16xi32>,
      tpu.vector_store %arg18[%swap3A_197], %broadcast_in_dim3A_35 {strides = array<i32>} : memref<128xi32, #tpu.memory_space<vmem>>, vector<16xi32>,
      %scan3A_199 = arith.constant 0 : i32
      %scan3A_200 = arith.constant 0 : i32
      %scan3A_201 = arith.constant 128 : i32
      %scan3A_202 = arith.addi %scan3A_200, %scan3A_201 : i32
      %scan3A_203 = arith.constant 1 : i32
      %scan3A_204 = scf.for %scan3A_1107 = %scan3A_200 to %scan3A_202 step %scan3A_203 iter_args(%scan3A_1108 = %scan3A_199) -> (i32)  : i32 {
        %mul3A_1109 = arith.constant 4 : i32
        %mul3A_1110 = arith.muli %scan3A_1107, %mul3A_1109 : i32
        %add3A_1111 = arith.constant 0 : i32
        %add3A_1112 = arith.addi %mul3A_1110, %add3A_1111 : i32
        %mul3A_1113 = arith.constant 16 : i32
        %mul3A_1114 = arith.muli %add3A_1112, %mul3A_1113 : i32
        %get3A_1115 = arith.index_cast %mul3A_1114 : i32 to index
        %get3A_1116 = tpu.vector_load %arg8[%get3A_1115] {strides = array<i32>} : memref<8192xf32, #tpu.memory_space<vmem>>, vector<16xf32>,
        %get3A_1117 = arith.index_cast %mul3A_1114 : i32 to index
        %get3A_1118 = tpu.vector_load %arg9[%get3A_1117] {strides = array<i32>} : memref<8192xf32, #tpu.memory_space<vmem>>, vector<16xf32>,
        %get3A_1119 = arith.index_cast %mul3A_1114 : i32 to index
        %get3A_1120 = tpu.vector_load %arg10[%get3A_1119] {strides = array<i32>} : memref<8192xf32, #tpu.memory_space<vmem>>, vector<16xf32>,
        %get3A_1121 = arith.index_cast %mul3A_1114 : i32 to index
        %get3A_1122 = tpu.vector_load %arg14[%get3A_1121] {strides = array<i32>} : memref<8192xf32, #tpu.memory_space<vmem>>, vector<16xf32>,
        %mul3A_1123 = arith.mulf %bitcast3A_91, %get3A_1116 : vector<16xf32>
        %mul3A_1124 = arith.mulf %bitcast3A_106, %get3A_1118 : vector<16xf32>
        %add3A_1125 = arith.addf %mul3A_1123, %mul3A_1124 : vector<16xf32>
        %mul3A_1126 = arith.mulf %bitcast3A_121, %get3A_1120 : vector<16xf32>
        %add3A_1127 = arith.addf %add3A_1125, %mul3A_1126 : vector<16xf32>
        %mul3A_1128 = arith.constant 2.000000e+00 : f32
        %mul3A_1129 = vector.broadcast %mul3A_1128 : f32 to vector<16xf32>
        %mul3A_1130 = arith.mulf %mul3A_1129, %add3A_1127 : vector<16xf32>
        %sub3A_1131 = arith.subf %add3A_78, %mul3A_1130 : vector<16xf32>
        %add3A_1132 = arith.addf %sub3A_1131, %get3A_1122 : vector<16xf32>
        %bitcast3A_1133 = vector.bitcast %add3A_1132 : vector<16xf32> to vector<16xi32>
        %shift_right_logical3A_1134 = arith.constant 31 : i32
        %shift_right_logical3A_1135 = vector.broadcast %shift_right_logical3A_1134 : i32 to vector<16xi32>
        %shift_right_logical3A_1136 = arith.shrui %bitcast3A_1133, %shift_right_logical3A_1135 : vector<16xi32>
        %mul3A_1137 = arith.constant 2147483647 : i32
        %mul3A_1138 = vector.broadcast %mul3A_1137 : i32 to vector<16xi32>
        %mul3A_1139 = arith.muli %shift_right_logical3A_1136, %mul3A_1138 : vector<16xi32>
        %add3A_1140 = arith.constant -2147483648 : i32
        %add3A_1141 = vector.broadcast %add3A_1140 : i32 to vector<16xi32>
        %add3A_1142 = arith.addi %add3A_1141, %mul3A_1139 : vector<16xi32>
        %xor3A = arith.xori %bitcast3A_1133, %add3A_1142 : vector<16xi32>
        %swap3A_1143 = arith.index_cast %mul3A_1114 : i32 to index
        %swap3A_1144 = tpu.vector_load %arg16[%swap3A_1143] {strides = array<i32>} : memref<8192xi32, #tpu.memory_space<vmem>>, vector<16xi32>,
        tpu.vector_store %arg16[%swap3A_1143], %xor3A {strides = array<i32>} : memref<8192xi32, #tpu.memory_space<vmem>>, vector<16xi32>,
        %shift_right_logical3A_1145 = arith.constant 26 : i32
        %shift_right_logical3A_1146 = vector.broadcast %shift_right_logical3A_1145 : i32 to vector<16xi32>
        %shift_right_logical3A_1147 = arith.shrui %xor3A, %shift_right_logical3A_1146 : vector<16xi32>
        %add3A_1148 = arith.constant 0 : i32
        %add3A_1149 = vector.broadcast %add3A_1148 : i32 to vector<16xi32>
        %add3A_1150 = arith.addi %add3A_1149, %shift_right_logical3A_1147 : vector<16xi32>
        %broadcast_in_dim3A_1151 = arith.constant true
        %broadcast_in_dim3A_1152 = vector.broadcast %broadcast_in_dim3A_1151 : i1 to vector<16xi1>
        %unique3A, %unique3A_1153 = tpu.scan_count mask(%broadcast_in_dim3A_1152 : vector<16xi1>) value(%add3A_1150 : vector<16xi32>) : vector<16xi1>, vector<16xi32>
        tpu.vector_store_idx %arg18[%add3A_1150], %unique3A_1153 masked %unique3A {add = true} : memref<128xi32, #tpu.memory_space<vmem>>[vector<16xi32>], vector<16xi32>, vector<16xi1>
        %mul3A_1154 = arith.mulf %bitcast3A_153, %get3A_1116 : vector<16xf32>
        %mul3A_1155 = arith.mulf %bitcast3A_168, %get3A_1118 : vector<16xf32>
        %add3A_1156 = arith.addf %mul3A_1154, %mul3A_1155 : vector<16xf32>
        %mul3A_1157 = arith.mulf %bitcast3A_183, %get3A_1120 : vector<16xf32>
        %add3A_1158 = arith.addf %add3A_1156, %mul3A_1157 : vector<16xf32>
        %mul3A_1159 = arith.constant 2.000000e+00 : f32
        %mul3A_1160 = vector.broadcast %mul3A_1159 : f32 to vector<16xf32>
        %mul3A_1161 = arith.mulf %mul3A_1160, %add3A_1158 : vector<16xf32>
        %sub3A_1162 = arith.subf %add3A_138, %mul3A_1161 : vector<16xf32>
        %add3A_1163 = arith.addf %sub3A_1162, %get3A_1122 : vector<16xf32>
        %bitcast3A_1164 = vector.bitcast %add3A_1163 : vector<16xf32> to vector<16xi32>
        %shift_right_logical3A_1165 = arith.constant 31 : i32
        %shift_right_logical3A_1166 = vector.broadcast %shift_right_logical3A_1165 : i32 to vector<16xi32>
        %shift_right_logical3A_1167 = arith.shrui %bitcast3A_1164, %shift_right_logical3A_1166 : vector<16xi32>
        %mul3A_1168 = arith.constant 2147483647 : i32
        %mul3A_1169 = vector.broadcast %mul3A_1168 : i32 to vector<16xi32>
        %mul3A_1170 = arith.muli %shift_right_logical3A_1167, %mul3A_1169 : vector<16xi32>
        %add3A_1171 = arith.constant -2147483648 : i32
        %add3A_1172 = vector.broadcast %add3A_1171 : i32 to vector<16xi32>
        %add3A_1173 = arith.addi %add3A_1172, %mul3A_1170 : vector<16xi32>
        %xor3A_1174 = arith.xori %bitcast3A_1164, %add3A_1173 : vector<16xi32>
        %swap3A_1175 = arith.index_cast %mul3A_1114 : i32 to index
        %swap3A_1176 = tpu.vector_load %arg17[%swap3A_1175] {strides = array<i32>} : memref<8192xi32, #tpu.memory_space<vmem>>, vector<16xi32>,
        tpu.vector_store %arg17[%swap3A_1175], %xor3A_1174 {strides = array<i32>} : memref<8192xi32, #tpu.memory_space<vmem>>, vector<16xi32>,
        %shift_right_logical3A_1177 = arith.constant 26 : i32
        %shift_right_logical3A_1178 = vector.broadcast %shift_right_logical3A_1177 : i32 to vector<16xi32>
        %shift_right_logical3A_1179 = arith.shrui %xor3A_1174, %shift_right_logical3A_1178 : vector<16xi32>
        %add3A_1180 = arith.constant 64 : i32
        %add3A_1181 = vector.broadcast %add3A_1180 : i32 to vector<16xi32>
        %add3A_1182 = arith.addi %add3A_1181, %shift_right_logical3A_1179 : vector<16xi32>
        %broadcast_in_dim3A_1183 = arith.constant true
        %broadcast_in_dim3A_1184 = vector.broadcast %broadcast_in_dim3A_1183 : i1 to vector<16xi1>
        %unique3A_1185, %unique3A_1186 = tpu.scan_count mask(%broadcast_in_dim3A_1184 : vector<16xi1>) value(%add3A_1182 : vector<16xi32>) : vector<16xi1>, vector<16xi32>
        tpu.vector_store_idx %arg18[%add3A_1182], %unique3A_1186 masked %unique3A_1185 {add = true} : memref<128xi32, #tpu.memory_space<vmem>>[vector<16xi32>], vector<16xi32>, vector<16xi1>
        %mul3A_1187 = arith.constant 4 : i32
        %mul3A_1188 = arith.muli %scan3A_1107, %mul3A_1187 : i32
        %add3A_1189 = arith.constant 1 : i32
        %add3A_1190 = arith.addi %mul3A_1188, %add3A_1189 : i32
        %mul3A_1191 = arith.constant 16 : i32
        %mul3A_1192 = arith.muli %add3A_1190, %mul3A_1191 : i32
        %get3A_1193 = arith.index_cast %mul3A_1192 : i32 to index
        %get3A_1194 = tpu.vector_load %arg8[%get3A_1193] {strides = array<i32>} : memref<8192xf32, #tpu.memory_space<vmem>>, vector<16xf32>,
        %get3A_1195 = arith.index_cast %mul3A_1192 : i32 to index
        %get3A_1196 = tpu.vector_load %arg9[%get3A_1195] {strides = array<i32>} : memref<8192xf32, #tpu.memory_space<vmem>>, vector<16xf32>,
        %get3A_1197 = arith.index_cast %mul3A_1192 : i32 to index
        %get3A_1198 = tpu.vector_load %arg10[%get3A_1197] {strides = array<i32>} : memref<8192xf32, #tpu.memory_space<vmem>>, vector<16xf32>,
        %get3A_1199 = arith.index_cast %mul3A_1192 : i32 to index
        %get3A_1200 = tpu.vector_load %arg14[%get3A_1199] {strides = array<i32>} : memref<8192xf32, #tpu.memory_space<vmem>>, vector<16xf32>,
        %mul3A_1201 = arith.mulf %bitcast3A_91, %get3A_1194 : vector<16xf32>
        %mul3A_1202 = arith.mulf %bitcast3A_106, %get3A_1196 : vector<16xf32>
        %add3A_1203 = arith.addf %mul3A_1201, %mul3A_1202 : vector<16xf32>
        %mul3A_1204 = arith.mulf %bitcast3A_121, %get3A_1198 : vector<16xf32>
        %add3A_1205 = arith.addf %add3A_1203, %mul3A_1204 : vector<16xf32>
        %mul3A_1206 = arith.constant 2.000000e+00 : f32
        %mul3A_1207 = vector.broadcast %mul3A_1206 : f32 to vector<16xf32>
        %mul3A_1208 = arith.mulf %mul3A_1207, %add3A_1205 : vector<16xf32>
        %sub3A_1209 = arith.subf %add3A_78, %mul3A_1208 : vector<16xf32>
        %add3A_1210 = arith.addf %sub3A_1209, %get3A_1200 : vector<16xf32>
        %bitcast3A_1211 = vector.bitcast %add3A_1210 : vector<16xf32> to vector<16xi32>
        %shift_right_logical3A_1212 = arith.constant 31 : i32
        %shift_right_logical3A_1213 = vector.broadcast %shift_right_logical3A_1212 : i32 to vector<16xi32>
        %shift_right_logical3A_1214 = arith.shrui %bitcast3A_1211, %shift_right_logical3A_1213 : vector<16xi32>
        %mul3A_1215 = arith.constant 2147483647 : i32
        %mul3A_1216 = vector.broadcast %mul3A_1215 : i32 to vector<16xi32>
        %mul3A_1217 = arith.muli %shift_right_logical3A_1214, %mul3A_1216 : vector<16xi32>
        %add3A_1218 = arith.constant -2147483648 : i32
        %add3A_1219 = vector.broadcast %add3A_1218 : i32 to vector<16xi32>
        %add3A_1220 = arith.addi %add3A_1219, %mul3A_1217 : vector<16xi32>
        %xor3A_1221 = arith.xori %bitcast3A_1211, %add3A_1220 : vector<16xi32>
        %swap3A_1222 = arith.index_cast %mul3A_1192 : i32 to index
        %swap3A_1223 = tpu.vector_load %arg16[%swap3A_1222] {strides = array<i32>} : memref<8192xi32, #tpu.memory_space<vmem>>, vector<16xi32>,
        tpu.vector_store %arg16[%swap3A_1222], %xor3A_1221 {strides = array<i32>} : memref<8192xi32, #tpu.memory_space<vmem>>, vector<16xi32>,
        %shift_right_logical3A_1224 = arith.constant 26 : i32
        %shift_right_logical3A_1225 = vector.broadcast %shift_right_logical3A_1224 : i32 to vector<16xi32>
        %shift_right_logical3A_1226 = arith.shrui %xor3A_1221, %shift_right_logical3A_1225 : vector<16xi32>
        %add3A_1227 = arith.constant 0 : i32
        %add3A_1228 = vector.broadcast %add3A_1227 : i32 to vector<16xi32>
        %add3A_1229 = arith.addi %add3A_1228, %shift_right_logical3A_1226 : vector<16xi32>
        %broadcast_in_dim3A_1230 = arith.constant true
        %broadcast_in_dim3A_1231 = vector.broadcast %broadcast_in_dim3A_1230 : i1 to vector<16xi1>
        %unique3A_1232, %unique3A_1233 = tpu.scan_count mask(%broadcast_in_dim3A_1231 : vector<16xi1>) value(%add3A_1229 : vector<16xi32>) : vector<16xi1>, vector<16xi32>
        tpu.vector_store_idx %arg18[%add3A_1229], %unique3A_1233 masked %unique3A_1232 {add = true} : memref<128xi32, #tpu.memory_space<vmem>>[vector<16xi32>], vector<16xi32>, vector<16xi1>
        %mul3A_1234 = arith.mulf %bitcast3A_153, %get3A_1194 : vector<16xf32>
        %mul3A_1235 = arith.mulf %bitcast3A_168, %get3A_1196 : vector<16xf32>
        %add3A_1236 = arith.addf %mul3A_1234, %mul3A_1235 : vector<16xf32>
        %mul3A_1237 = arith.mulf %bitcast3A_183, %get3A_1198 : vector<16xf32>
        %add3A_1238 = arith.addf %add3A_1236, %mul3A_1237 : vector<16xf32>
        %mul3A_1239 = arith.constant 2.000000e+00 : f32
        %mul3A_1240 = vector.broadcast %mul3A_1239 : f32 to vector<16xf32>
        %mul3A_1241 = arith.mulf %mul3A_1240, %add3A_1238 : vector<16xf32>
        %sub3A_1242 = arith.subf %add3A_138, %mul3A_1241 : vector<16xf32>
        %add3A_1243 = arith.addf %sub3A_1242, %get3A_1200 : vector<16xf32>
        %bitcast3A_1244 = vector.bitcast %add3A_1243 : vector<16xf32> to vector<16xi32>
        %shift_right_logical3A_1245 = arith.constant 31 : i32
        %shift_right_logical3A_1246 = vector.broadcast %shift_right_logical3A_1245 : i32 to vector<16xi32>
        %shift_right_logical3A_1247 = arith.shrui %bitcast3A_1244, %shift_right_logical3A_1246 : vector<16xi32>
        %mul3A_1248 = arith.constant 2147483647 : i32
        %mul3A_1249 = vector.broadcast %mul3A_1248 : i32 to vector<16xi32>
        %mul3A_1250 = arith.muli %shift_right_logical3A_1247, %mul3A_1249 : vector<16xi32>
        %add3A_1251 = arith.constant -2147483648 : i32
        %add3A_1252 = vector.broadcast %add3A_1251 : i32 to vector<16xi32>
        %add3A_1253 = arith.addi %add3A_1252, %mul3A_1250 : vector<16xi32>
        %xor3A_1254 = arith.xori %bitcast3A_1244, %add3A_1253 : vector<16xi32>
        %swap3A_1255 = arith.index_cast %mul3A_1192 : i32 to index
        %swap3A_1256 = tpu.vector_load %arg17[%swap3A_1255] {strides = array<i32>} : memref<8192xi32, #tpu.memory_space<vmem>>, vector<16xi32>,
        tpu.vector_store %arg17[%swap3A_1255], %xor3A_1254 {strides = array<i32>} : memref<8192xi32, #tpu.memory_space<vmem>>, vector<16xi32>,
        %shift_right_logical3A_1257 = arith.constant 26 : i32
        %shift_right_logical3A_1258 = vector.broadcast %shift_right_logical3A_1257 : i32 to vector<16xi32>
        %shift_right_logical3A_1259 = arith.shrui %xor3A_1254, %shift_right_logical3A_1258 : vector<16xi32>
        %add3A_1260 = arith.constant 64 : i32
        %add3A_1261 = vector.broadcast %add3A_1260 : i32 to vector<16xi32>
        %add3A_1262 = arith.addi %add3A_1261, %shift_right_logical3A_1259 : vector<16xi32>
        %broadcast_in_dim3A_1263 = arith.constant true
        %broadcast_in_dim3A_1264 = vector.broadcast %broadcast_in_dim3A_1263 : i1 to vector<16xi1>
        %unique3A_1265, %unique3A_1266 = tpu.scan_count mask(%broadcast_in_dim3A_1264 : vector<16xi1>) value(%add3A_1262 : vector<16xi32>) : vector<16xi1>, vector<16xi32>
        tpu.vector_store_idx %arg18[%add3A_1262], %unique3A_1266 masked %unique3A_1265 {add = true} : memref<128xi32, #tpu.memory_space<vmem>>[vector<16xi32>], vector<16xi32>, vector<16xi1>
        %mul3A_1267 = arith.constant 4 : i32
        %mul3A_1268 = arith.muli %scan3A_1107, %mul3A_1267 : i32
        %add3A_1269 = arith.constant 2 : i32
        %add3A_1270 = arith.addi %mul3A_1268, %add3A_1269 : i32
        %mul3A_1271 = arith.constant 16 : i32
        %mul3A_1272 = arith.muli %add3A_1270, %mul3A_1271 : i32
        %get3A_1273 = arith.index_cast %mul3A_1272 : i32 to index
        %get3A_1274 = tpu.vector_load %arg8[%get3A_1273] {strides = array<i32>} : memref<8192xf32, #tpu.memory_space<vmem>>, vector<16xf32>,
        %get3A_1275 = arith.index_cast %mul3A_1272 : i32 to index
        %get3A_1276 = tpu.vector_load %arg9[%get3A_1275] {strides = array<i32>} : memref<8192xf32, #tpu.memory_space<vmem>>, vector<16xf32>,
        %get3A_1277 = arith.index_cast %mul3A_1272 : i32 to index
        %get3A_1278 = tpu.vector_load %arg10[%get3A_1277] {strides = array<i32>} : memref<8192xf32, #tpu.memory_space<vmem>>, vector<16xf32>,
        %get3A_1279 = arith.index_cast %mul3A_1272 : i32 to index
        %get3A_1280 = tpu.vector_load %arg14[%get3A_1279] {strides = array<i32>} : memref<8192xf32, #tpu.memory_space<vmem>>, vector<16xf32>,
        %mul3A_1281 = arith.mulf %bitcast3A_91, %get3A_1274 : vector<16xf32>
        %mul3A_1282 = arith.mulf %bitcast3A_106, %get3A_1276 : vector<16xf32>
        %add3A_1283 = arith.addf %mul3A_1281, %mul3A_1282 : vector<16xf32>
        %mul3A_1284 = arith.mulf %bitcast3A_121, %get3A_1278 : vector<16xf32>
        %add3A_1285 = arith.addf %add3A_1283, %mul3A_1284 : vector<16xf32>
        %mul3A_1286 = arith.constant 2.000000e+00 : f32
        %mul3A_1287 = vector.broadcast %mul3A_1286 : f32 to vector<16xf32>
        %mul3A_1288 = arith.mulf %mul3A_1287, %add3A_1285 : vector<16xf32>
        %sub3A_1289 = arith.subf %add3A_78, %mul3A_1288 : vector<16xf32>
        %add3A_1290 = arith.addf %sub3A_1289, %get3A_1280 : vector<16xf32>
        %bitcast3A_1291 = vector.bitcast %add3A_1290 : vector<16xf32> to vector<16xi32>
        %shift_right_logical3A_1292 = arith.constant 31 : i32
        %shift_right_logical3A_1293 = vector.broadcast %shift_right_logical3A_1292 : i32 to vector<16xi32>
        %shift_right_logical3A_1294 = arith.shrui %bitcast3A_1291, %shift_right_logical3A_1293 : vector<16xi32>
        %mul3A_1295 = arith.constant 2147483647 : i32
        %mul3A_1296 = vector.broadcast %mul3A_1295 : i32 to vector<16xi32>
        %mul3A_1297 = arith.muli %shift_right_logical3A_1294, %mul3A_1296 : vector<16xi32>
        %add3A_1298 = arith.constant -2147483648 : i32
        %add3A_1299 = vector.broadcast %add3A_1298 : i32 to vector<16xi32>
        %add3A_1300 = arith.addi %add3A_1299, %mul3A_1297 : vector<16xi32>
        %xor3A_1301 = arith.xori %bitcast3A_1291, %add3A_1300 : vector<16xi32>
        %swap3A_1302 = arith.index_cast %mul3A_1272 : i32 to index
        %swap3A_1303 = tpu.vector_load %arg16[%swap3A_1302] {strides = array<i32>} : memref<8192xi32, #tpu.memory_space<vmem>>, vector<16xi32>,
        tpu.vector_store %arg16[%swap3A_1302], %xor3A_1301 {strides = array<i32>} : memref<8192xi32, #tpu.memory_space<vmem>>, vector<16xi32>,
        %shift_right_logical3A_1304 = arith.constant 26 : i32
        %shift_right_logical3A_1305 = vector.broadcast %shift_right_logical3A_1304 : i32 to vector<16xi32>
        %shift_right_logical3A_1306 = arith.shrui %xor3A_1301, %shift_right_logical3A_1305 : vector<16xi32>
        %add3A_1307 = arith.constant 0 : i32
        %add3A_1308 = vector.broadcast %add3A_1307 : i32 to vector<16xi32>
        %add3A_1309 = arith.addi %add3A_1308, %shift_right_logical3A_1306 : vector<16xi32>
        %broadcast_in_dim3A_1310 = arith.constant true
        %broadcast_in_dim3A_1311 = vector.broadcast %broadcast_in_dim3A_1310 : i1 to vector<16xi1>
        %unique3A_1312, %unique3A_1313 = tpu.scan_count mask(%broadcast_in_dim3A_1311 : vector<16xi1>) value(%add3A_1309 : vector<16xi32>) : vector<16xi1>, vector<16xi32>
        tpu.vector_store_idx %arg18[%add3A_1309], %unique3A_1313 masked %unique3A_1312 {add = true} : memref<128xi32, #tpu.memory_space<vmem>>[vector<16xi32>], vector<16xi32>, vector<16xi1>
        %mul3A_1314 = arith.mulf %bitcast3A_153, %get3A_1274 : vector<16xf32>
        %mul3A_1315 = arith.mulf %bitcast3A_168, %get3A_1276 : vector<16xf32>
        %add3A_1316 = arith.addf %mul3A_1314, %mul3A_1315 : vector<16xf32>
        %mul3A_1317 = arith.mulf %bitcast3A_183, %get3A_1278 : vector<16xf32>
        %add3A_1318 = arith.addf %add3A_1316, %mul3A_1317 : vector<16xf32>
        %mul3A_1319 = arith.constant 2.000000e+00 : f32
        %mul3A_1320 = vector.broadcast %mul3A_1319 : f32 to vector<16xf32>
        %mul3A_1321 = arith.mulf %mul3A_1320, %add3A_1318 : vector<16xf32>
        %sub3A_1322 = arith.subf %add3A_138, %mul3A_1321 : vector<16xf32>
        %add3A_1323 = arith.addf %sub3A_1322, %get3A_1280 : vector<16xf32>
        %bitcast3A_1324 = vector.bitcast %add3A_1323 : vector<16xf32> to vector<16xi32>
        %shift_right_logical3A_1325 = arith.constant 31 : i32
        %shift_right_logical3A_1326 = vector.broadcast %shift_right_logical3A_1325 : i32 to vector<16xi32>
        %shift_right_logical3A_1327 = arith.shrui %bitcast3A_1324, %shift_right_logical3A_1326 : vector<16xi32>
        %mul3A_1328 = arith.constant 2147483647 : i32
        %mul3A_1329 = vector.broadcast %mul3A_1328 : i32 to vector<16xi32>
        %mul3A_1330 = arith.muli %shift_right_logical3A_1327, %mul3A_1329 : vector<16xi32>
        %add3A_1331 = arith.constant -2147483648 : i32
        %add3A_1332 = vector.broadcast %add3A_1331 : i32 to vector<16xi32>
        %add3A_1333 = arith.addi %add3A_1332, %mul3A_1330 : vector<16xi32>
        %xor3A_1334 = arith.xori %bitcast3A_1324, %add3A_1333 : vector<16xi32>
        %swap3A_1335 = arith.index_cast %mul3A_1272 : i32 to index
        %swap3A_1336 = tpu.vector_load %arg17[%swap3A_1335] {strides = array<i32>} : memref<8192xi32, #tpu.memory_space<vmem>>, vector<16xi32>,
        tpu.vector_store %arg17[%swap3A_1335], %xor3A_1334 {strides = array<i32>} : memref<8192xi32, #tpu.memory_space<vmem>>, vector<16xi32>,
        %shift_right_logical3A_1337 = arith.constant 26 : i32
        %shift_right_logical3A_1338 = vector.broadcast %shift_right_logical3A_1337 : i32 to vector<16xi32>
        %shift_right_logical3A_1339 = arith.shrui %xor3A_1334, %shift_right_logical3A_1338 : vector<16xi32>
        %add3A_1340 = arith.constant 64 : i32
        %add3A_1341 = vector.broadcast %add3A_1340 : i32 to vector<16xi32>
        %add3A_1342 = arith.addi %add3A_1341, %shift_right_logical3A_1339 : vector<16xi32>
        %broadcast_in_dim3A_1343 = arith.constant true
        %broadcast_in_dim3A_1344 = vector.broadcast %broadcast_in_dim3A_1343 : i1 to vector<16xi1>
        %unique3A_1345, %unique3A_1346 = tpu.scan_count mask(%broadcast_in_dim3A_1344 : vector<16xi1>) value(%add3A_1342 : vector<16xi32>) : vector<16xi1>, vector<16xi32>
        tpu.vector_store_idx %arg18[%add3A_1342], %unique3A_1346 masked %unique3A_1345 {add = true} : memref<128xi32, #tpu.memory_space<vmem>>[vector<16xi32>], vector<16xi32>, vector<16xi1>
        %mul3A_1347 = arith.constant 4 : i32
        %mul3A_1348 = arith.muli %scan3A_1107, %mul3A_1347 : i32
        %add3A_1349 = arith.constant 3 : i32
        %add3A_1350 = arith.addi %mul3A_1348, %add3A_1349 : i32
        %mul3A_1351 = arith.constant 16 : i32
        %mul3A_1352 = arith.muli %add3A_1350, %mul3A_1351 : i32
        %get3A_1353 = arith.index_cast %mul3A_1352 : i32 to index
        %get3A_1354 = tpu.vector_load %arg8[%get3A_1353] {strides = array<i32>} : memref<8192xf32, #tpu.memory_space<vmem>>, vector<16xf32>,
        %get3A_1355 = arith.index_cast %mul3A_1352 : i32 to index
        %get3A_1356 = tpu.vector_load %arg9[%get3A_1355] {strides = array<i32>} : memref<8192xf32, #tpu.memory_space<vmem>>, vector<16xf32>,
        %get3A_1357 = arith.index_cast %mul3A_1352 : i32 to index
        %get3A_1358 = tpu.vector_load %arg10[%get3A_1357] {strides = array<i32>} : memref<8192xf32, #tpu.memory_space<vmem>>, vector<16xf32>,
        %get3A_1359 = arith.index_cast %mul3A_1352 : i32 to index
        %get3A_1360 = tpu.vector_load %arg14[%get3A_1359] {strides = array<i32>} : memref<8192xf32, #tpu.memory_space<vmem>>, vector<16xf32>,
        %mul3A_1361 = arith.mulf %bitcast3A_91, %get3A_1354 : vector<16xf32>
        %mul3A_1362 = arith.mulf %bitcast3A_106, %get3A_1356 : vector<16xf32>
        %add3A_1363 = arith.addf %mul3A_1361, %mul3A_1362 : vector<16xf32>
        %mul3A_1364 = arith.mulf %bitcast3A_121, %get3A_1358 : vector<16xf32>
        %add3A_1365 = arith.addf %add3A_1363, %mul3A_1364 : vector<16xf32>
        %mul3A_1366 = arith.constant 2.000000e+00 : f32
        %mul3A_1367 = vector.broadcast %mul3A_1366 : f32 to vector<16xf32>
        %mul3A_1368 = arith.mulf %mul3A_1367, %add3A_1365 : vector<16xf32>
        %sub3A_1369 = arith.subf %add3A_78, %mul3A_1368 : vector<16xf32>
        %add3A_1370 = arith.addf %sub3A_1369, %get3A_1360 : vector<16xf32>
        %bitcast3A_1371 = vector.bitcast %add3A_1370 : vector<16xf32> to vector<16xi32>
        %shift_right_logical3A_1372 = arith.constant 31 : i32
        %shift_right_logical3A_1373 = vector.broadcast %shift_right_logical3A_1372 : i32 to vector<16xi32>
        %shift_right_logical3A_1374 = arith.shrui %bitcast3A_1371, %shift_right_logical3A_1373 : vector<16xi32>
        %mul3A_1375 = arith.constant 2147483647 : i32
        %mul3A_1376 = vector.broadcast %mul3A_1375 : i32 to vector<16xi32>
        %mul3A_1377 = arith.muli %shift_right_logical3A_1374, %mul3A_1376 : vector<16xi32>
        %add3A_1378 = arith.constant -2147483648 : i32
        %add3A_1379 = vector.broadcast %add3A_1378 : i32 to vector<16xi32>
        %add3A_1380 = arith.addi %add3A_1379, %mul3A_1377 : vector<16xi32>
        %xor3A_1381 = arith.xori %bitcast3A_1371, %add3A_1380 : vector<16xi32>
        %swap3A_1382 = arith.index_cast %mul3A_1352 : i32 to index
        %swap3A_1383 = tpu.vector_load %arg16[%swap3A_1382] {strides = array<i32>} : memref<8192xi32, #tpu.memory_space<vmem>>, vector<16xi32>,
        tpu.vector_store %arg16[%swap3A_1382], %xor3A_1381 {strides = array<i32>} : memref<8192xi32, #tpu.memory_space<vmem>>, vector<16xi32>,
        %shift_right_logical3A_1384 = arith.constant 26 : i32
        %shift_right_logical3A_1385 = vector.broadcast %shift_right_logical3A_1384 : i32 to vector<16xi32>
        %shift_right_logical3A_1386 = arith.shrui %xor3A_1381, %shift_right_logical3A_1385 : vector<16xi32>
        %add3A_1387 = arith.constant 0 : i32
        %add3A_1388 = vector.broadcast %add3A_1387 : i32 to vector<16xi32>
        %add3A_1389 = arith.addi %add3A_1388, %shift_right_logical3A_1386 : vector<16xi32>
        %broadcast_in_dim3A_1390 = arith.constant true
        %broadcast_in_dim3A_1391 = vector.broadcast %broadcast_in_dim3A_1390 : i1 to vector<16xi1>
        %unique3A_1392, %unique3A_1393 = tpu.scan_count mask(%broadcast_in_dim3A_1391 : vector<16xi1>) value(%add3A_1389 : vector<16xi32>) : vector<16xi1>, vector<16xi32>
        tpu.vector_store_idx %arg18[%add3A_1389], %unique3A_1393 masked %unique3A_1392 {add = true} : memref<128xi32, #tpu.memory_space<vmem>>[vector<16xi32>], vector<16xi32>, vector<16xi1>
        %mul3A_1394 = arith.mulf %bitcast3A_153, %get3A_1354 : vector<16xf32>
        %mul3A_1395 = arith.mulf %bitcast3A_168, %get3A_1356 : vector<16xf32>
        %add3A_1396 = arith.addf %mul3A_1394, %mul3A_1395 : vector<16xf32>
        %mul3A_1397 = arith.mulf %bitcast3A_183, %get3A_1358 : vector<16xf32>
        %add3A_1398 = arith.addf %add3A_1396, %mul3A_1397 : vector<16xf32>
        %mul3A_1399 = arith.constant 2.000000e+00 : f32
        %mul3A_1400 = vector.broadcast %mul3A_1399 : f32 to vector<16xf32>
        %mul3A_1401 = arith.mulf %mul3A_1400, %add3A_1398 : vector<16xf32>
        %sub3A_1402 = arith.subf %add3A_138, %mul3A_1401 : vector<16xf32>
        %add3A_1403 = arith.addf %sub3A_1402, %get3A_1360 : vector<16xf32>
        %bitcast3A_1404 = vector.bitcast %add3A_1403 : vector<16xf32> to vector<16xi32>
        %shift_right_logical3A_1405 = arith.constant 31 : i32
        %shift_right_logical3A_1406 = vector.broadcast %shift_right_logical3A_1405 : i32 to vector<16xi32>
        %shift_right_logical3A_1407 = arith.shrui %bitcast3A_1404, %shift_right_logical3A_1406 : vector<16xi32>
        %mul3A_1408 = arith.constant 2147483647 : i32
        %mul3A_1409 = vector.broadcast %mul3A_1408 : i32 to vector<16xi32>
        %mul3A_1410 = arith.muli %shift_right_logical3A_1407, %mul3A_1409 : vector<16xi32>
        %add3A_1411 = arith.constant -2147483648 : i32
        %add3A_1412 = vector.broadcast %add3A_1411 : i32 to vector<16xi32>
        %add3A_1413 = arith.addi %add3A_1412, %mul3A_1410 : vector<16xi32>
        %xor3A_1414 = arith.xori %bitcast3A_1404, %add3A_1413 : vector<16xi32>
        %swap3A_1415 = arith.index_cast %mul3A_1352 : i32 to index
        %swap3A_1416 = tpu.vector_load %arg17[%swap3A_1415] {strides = array<i32>} : memref<8192xi32, #tpu.memory_space<vmem>>, vector<16xi32>,
        tpu.vector_store %arg17[%swap3A_1415], %xor3A_1414 {strides = array<i32>} : memref<8192xi32, #tpu.memory_space<vmem>>, vector<16xi32>,
        %shift_right_logical3A_1417 = arith.constant 26 : i32
        %shift_right_logical3A_1418 = vector.broadcast %shift_right_logical3A_1417 : i32 to vector<16xi32>
        %shift_right_logical3A_1419 = arith.shrui %xor3A_1414, %shift_right_logical3A_1418 : vector<16xi32>
        %add3A_1420 = arith.constant 64 : i32
        %add3A_1421 = vector.broadcast %add3A_1420 : i32 to vector<16xi32>
        %add3A_1422 = arith.addi %add3A_1421, %shift_right_logical3A_1419 : vector<16xi32>
        %broadcast_in_dim3A_1423 = arith.constant true
        %broadcast_in_dim3A_1424 = vector.broadcast %broadcast_in_dim3A_1423 : i1 to vector<16xi1>
        %unique3A_1425, %unique3A_1426 = tpu.scan_count mask(%broadcast_in_dim3A_1424 : vector<16xi1>) value(%add3A_1422 : vector<16xi32>) : vector<16xi1>, vector<16xi32>
        tpu.vector_store_idx %arg18[%add3A_1422], %unique3A_1426 masked %unique3A_1425 {add = true} : memref<128xi32, #tpu.memory_space<vmem>>[vector<16xi32>], vector<16xi32>, vector<16xi1>
        %scan3A_1427 = arith.constant 0 : i32
        scf.yield %scan3A_1427 : i32
      }
      %scan3A_205 = arith.constant 128 : i32
      %get3A = arith.constant 0 : index
      %get3A_206 = tpu.vector_load %arg18[%get3A] {strides = array<i32>} : memref<128xi32, #tpu.memory_space<vmem>>, vector<16xi32>,
      %broadcast_in_dim3A_207 = arith.constant true
      %broadcast_in_dim3A_208 = vector.broadcast %broadcast_in_dim3A_207 : i1 to vector<16xi1>
      %masked_cumsum3A = tpu.scan <sum>, %get3A_206 masked %broadcast_in_dim3A_208 : vector<16xi32>, vector<16xi1> -> vector<16xi32>
      %add3A_209 = arith.constant 0 : i32
      %add3A_210 = vector.broadcast %add3A_209 : i32 to vector<16xi32>
      %add3A_211 = arith.addi %masked_cumsum3A, %add3A_210 : vector<16xi32>
      %reduce_max3A = arith.constant true
      %reduce_max3A_212 = vector.broadcast %reduce_max3A : i1 to vector<16xi1>
      %reduce_max3A_213 = arith.constant -2147483648 : i32
      %reduce_max3A_214 = vector.broadcast %reduce_max3A_213 : i32 to vector<16xi32>
      %reduce_max3A_215 = arith.xori %add3A_211, %reduce_max3A_214 : vector<16xi32>
      %reduce_max3A_216 = tpu.scan <max>, %reduce_max3A_215 masked %reduce_max3A_212 : vector<16xi32>, vector<16xi1> -> vector<16xi32>
      %reduce_max3A_217 = arith.xori %reduce_max3A_216, %reduce_max3A_214 : vector<16xi32>
      %reduce_max3A_218 = vector.extract %reduce_max3A_217[15] : i32 from vector<16xi32>
      %get3A_219 = arith.constant 16 : index
      %get3A_220 = tpu.vector_load %arg18[%get3A_219] {strides = array<i32>} : memref<128xi32, #tpu.memory_space<vmem>>, vector<16xi32>,
      %broadcast_in_dim3A_221 = arith.constant true
      %broadcast_in_dim3A_222 = vector.broadcast %broadcast_in_dim3A_221 : i1 to vector<16xi1>
      %masked_cumsum3A_223 = tpu.scan <sum>, %get3A_220 masked %broadcast_in_dim3A_222 : vector<16xi32>, vector<16xi1> -> vector<16xi32>
      %add3A_224 = vector.broadcast %reduce_max3A_218 : i32 to vector<16xi32>
      %add3A_225 = arith.addi %masked_cumsum3A_223, %add3A_224 : vector<16xi32>
      %reduce_max3A_226 = arith.constant true
      %reduce_max3A_227 = vector.broadcast %reduce_max3A_226 : i1 to vector<16xi1>
      %reduce_max3A_228 = arith.constant -2147483648 : i32
      %reduce_max3A_229 = vector.broadcast %reduce_max3A_228 : i32 to vector<16xi32>
      %reduce_max3A_230 = arith.xori %add3A_225, %reduce_max3A_229 : vector<16xi32>
      %reduce_max3A_231 = tpu.scan <max>, %reduce_max3A_230 masked %reduce_max3A_227 : vector<16xi32>, vector<16xi1> -> vector<16xi32>
      %reduce_max3A_232 = arith.xori %reduce_max3A_231, %reduce_max3A_229 : vector<16xi32>
      %reduce_max3A_233 = vector.extract %reduce_max3A_232[15] : i32 from vector<16xi32>
      %get3A_234 = arith.constant 32 : index
      %get3A_235 = tpu.vector_load %arg18[%get3A_234] {strides = array<i32>} : memref<128xi32, #tpu.memory_space<vmem>>, vector<16xi32>,
      %broadcast_in_dim3A_236 = arith.constant true
      %broadcast_in_dim3A_237 = vector.broadcast %broadcast_in_dim3A_236 : i1 to vector<16xi1>
      %masked_cumsum3A_238 = tpu.scan <sum>, %get3A_235 masked %broadcast_in_dim3A_237 : vector<16xi32>, vector<16xi1> -> vector<16xi32>
      %add3A_239 = vector.broadcast %reduce_max3A_233 : i32 to vector<16xi32>
      %add3A_240 = arith.addi %masked_cumsum3A_238, %add3A_239 : vector<16xi32>
      %reduce_max3A_241 = arith.constant true
      %reduce_max3A_242 = vector.broadcast %reduce_max3A_241 : i1 to vector<16xi1>
      %reduce_max3A_243 = arith.constant -2147483648 : i32
      %reduce_max3A_244 = vector.broadcast %reduce_max3A_243 : i32 to vector<16xi32>
      %reduce_max3A_245 = arith.xori %add3A_240, %reduce_max3A_244 : vector<16xi32>
      %reduce_max3A_246 = tpu.scan <max>, %reduce_max3A_245 masked %reduce_max3A_242 : vector<16xi32>, vector<16xi1> -> vector<16xi32>
      %reduce_max3A_247 = arith.xori %reduce_max3A_246, %reduce_max3A_244 : vector<16xi32>
      %reduce_max3A_248 = vector.extract %reduce_max3A_247[15] : i32 from vector<16xi32>
      %get3A_249 = arith.constant 48 : index
      %get3A_250 = tpu.vector_load %arg18[%get3A_249] {strides = array<i32>} : memref<128xi32, #tpu.memory_space<vmem>>, vector<16xi32>,
      %broadcast_in_dim3A_251 = arith.constant true
      %broadcast_in_dim3A_252 = vector.broadcast %broadcast_in_dim3A_251 : i1 to vector<16xi1>
      %masked_cumsum3A_253 = tpu.scan <sum>, %get3A_250 masked %broadcast_in_dim3A_252 : vector<16xi32>, vector<16xi1> -> vector<16xi32>
      %add3A_254 = vector.broadcast %reduce_max3A_248 : i32 to vector<16xi32>
      %add3A_255 = arith.addi %masked_cumsum3A_253, %add3A_254 : vector<16xi32>
      %reduce_max3A_256 = arith.constant true
      %reduce_max3A_257 = vector.broadcast %reduce_max3A_256 : i1 to vector<16xi1>
      %reduce_max3A_258 = arith.constant -2147483648 : i32
      %reduce_max3A_259 = vector.broadcast %reduce_max3A_258 : i32 to vector<16xi32>
      %reduce_max3A_260 = arith.xori %add3A_255, %reduce_max3A_259 : vector<16xi32>
      %reduce_max3A_261 = tpu.scan <max>, %reduce_max3A_260 masked %reduce_max3A_257 : vector<16xi32>, vector<16xi1> -> vector<16xi32>
      %reduce_max3A_262 = arith.xori %reduce_max3A_261, %reduce_max3A_259 : vector<16xi32>
      %reduce_max3A_263 = vector.extract %reduce_max3A_262[15] : i32 from vector<16xi32>
      %ge3A = arith.constant 32 : i32
      %ge3A_264 = vector.broadcast %ge3A : i32 to vector<16xi32>
      %ge3A_265 = arith.cmpi sge, %add3A_211, %ge3A_264 : vector<16xi32>
      %all_reduce_ffs3A = tpu.all_reduce %ge3A_265 {dim = 0 : i64, kind = #tpu.reduction_kind<find_first_set>} : vector<16xi1> -> vector<16xi32>
      %ge3A_266 = arith.constant 16 : i32
      %ge3A_267 = vector.broadcast %ge3A_266 : i32 to vector<16xi32>
      %ge3A_268 = arith.cmpi sge, %all_reduce_ffs3A, %ge3A_267 : vector<16xi32>
      %broadcast_in_dim3A_269 = arith.constant 9999 : i32
      %broadcast_in_dim3A_270 = vector.broadcast %broadcast_in_dim3A_269 : i32 to vector<16xi32>
      %add3A_271 = arith.constant 0 : i32
      %add3A_272 = vector.broadcast %add3A_271 : i32 to vector<16xi32>
      %add3A_273 = arith.addi %all_reduce_ffs3A, %add3A_272 : vector<16xi32>
      %select_n3A_274 = arith.select %ge3A_268, %broadcast_in_dim3A_270, %add3A_273 : vector<16xi1>, vector<16xi32>
      %swap3A_275 = arith.constant 0 : index
      %swap3A_276 = tpu.vector_load %arg19[%swap3A_275] {strides = array<i32>} : memref<128xi32, #tpu.memory_space<vmem>>, vector<16xi32>,
      tpu.vector_store %arg19[%swap3A_275], %add3A_211 {strides = array<i32>} : memref<128xi32, #tpu.memory_space<vmem>>, vector<16xi32>,
      %ge3A_277 = arith.constant 32 : i32
      %ge3A_278 = vector.broadcast %ge3A_277 : i32 to vector<16xi32>
      %ge3A_279 = arith.cmpi sge, %add3A_225, %ge3A_278 : vector<16xi32>
      %all_reduce_ffs3A_280 = tpu.all_reduce %ge3A_279 {dim = 0 : i64, kind = #tpu.reduction_kind<find_first_set>} : vector<16xi1> -> vector<16xi32>
      %ge3A_281 = arith.constant 16 : i32
      %ge3A_282 = vector.broadcast %ge3A_281 : i32 to vector<16xi32>
      %ge3A_283 = arith.cmpi sge, %all_reduce_ffs3A_280, %ge3A_282 : vector<16xi32>
      %broadcast_in_dim3A_284 = arith.constant 9999 : i32
      %broadcast_in_dim3A_285 = vector.broadcast %broadcast_in_dim3A_284 : i32 to vector<16xi32>
      %add3A_286 = arith.constant 16 : i32
      %add3A_287 = vector.broadcast %add3A_286 : i32 to vector<16xi32>
      %add3A_288 = arith.addi %all_reduce_ffs3A_280, %add3A_287 : vector<16xi32>
      %select_n3A_289 = arith.select %ge3A_283, %broadcast_in_dim3A_285, %add3A_288 : vector<16xi1>, vector<16xi32>
      %min3A = arith.minsi %select_n3A_274, %select_n3A_289 : vector<16xi32>
      %swap3A_290 = arith.constant 16 : index
      %swap3A_291 = tpu.vector_load %arg19[%swap3A_290] {strides = array<i32>} : memref<128xi32, #tpu.memory_space<vmem>>, vector<16xi32>,
      tpu.vector_store %arg19[%swap3A_290], %add3A_225 {strides = array<i32>} : memref<128xi32, #tpu.memory_space<vmem>>, vector<16xi32>,
      %ge3A_292 = arith.constant 32 : i32
      %ge3A_293 = vector.broadcast %ge3A_292 : i32 to vector<16xi32>
      %ge3A_294 = arith.cmpi sge, %add3A_240, %ge3A_293 : vector<16xi32>
      %all_reduce_ffs3A_295 = tpu.all_reduce %ge3A_294 {dim = 0 : i64, kind = #tpu.reduction_kind<find_first_set>} : vector<16xi1> -> vector<16xi32>
      %ge3A_296 = arith.constant 16 : i32
      %ge3A_297 = vector.broadcast %ge3A_296 : i32 to vector<16xi32>
      %ge3A_298 = arith.cmpi sge, %all_reduce_ffs3A_295, %ge3A_297 : vector<16xi32>
      %broadcast_in_dim3A_299 = arith.constant 9999 : i32
      %broadcast_in_dim3A_300 = vector.broadcast %broadcast_in_dim3A_299 : i32 to vector<16xi32>
      %add3A_301 = arith.constant 32 : i32
      %add3A_302 = vector.broadcast %add3A_301 : i32 to vector<16xi32>
      %add3A_303 = arith.addi %all_reduce_ffs3A_295, %add3A_302 : vector<16xi32>
      %select_n3A_304 = arith.select %ge3A_298, %broadcast_in_dim3A_300, %add3A_303 : vector<16xi1>, vector<16xi32>
      %min3A_305 = arith.minsi %min3A, %select_n3A_304 : vector<16xi32>
      %swap3A_306 = arith.constant 32 : index
      %swap3A_307 = tpu.vector_load %arg19[%swap3A_306] {strides = array<i32>} : memref<128xi32, #tpu.memory_space<vmem>>, vector<16xi32>,
      tpu.vector_store %arg19[%swap3A_306], %add3A_240 {strides = array<i32>} : memref<128xi32, #tpu.memory_space<vmem>>, vector<16xi32>,
      %ge3A_308 = arith.constant 32 : i32
      %ge3A_309 = vector.broadcast %ge3A_308 : i32 to vector<16xi32>
      %ge3A_310 = arith.cmpi sge, %add3A_255, %ge3A_309 : vector<16xi32>
      %all_reduce_ffs3A_311 = tpu.all_reduce %ge3A_310 {dim = 0 : i64, kind = #tpu.reduction_kind<find_first_set>} : vector<16xi1> -> vector<16xi32>
      %ge3A_312 = arith.constant 16 : i32
      %ge3A_313 = vector.broadcast %ge3A_312 : i32 to vector<16xi32>
      %ge3A_314 = arith.cmpi sge, %all_reduce_ffs3A_311, %ge3A_313 : vector<16xi32>
      %broadcast_in_dim3A_315 = arith.constant 9999 : i32
      %broadcast_in_dim3A_316 = vector.broadcast %broadcast_in_dim3A_315 : i32 to vector<16xi32>
      %add3A_317 = arith.constant 48 : i32
      %add3A_318 = vector.broadcast %add3A_317 : i32 to vector<16xi32>
      %add3A_319 = arith.addi %all_reduce_ffs3A_311, %add3A_318 : vector<16xi32>
      %select_n3A_320 = arith.select %ge3A_314, %broadcast_in_dim3A_316, %add3A_319 : vector<16xi1>, vector<16xi32>
      %min3A_321 = arith.minsi %min3A_305, %select_n3A_320 : vector<16xi32>
      %swap3A_322 = arith.constant 48 : index
      %swap3A_323 = tpu.vector_load %arg19[%swap3A_322] {strides = array<i32>} : memref<128xi32, #tpu.memory_space<vmem>>, vector<16xi32>,
      tpu.vector_store %arg19[%swap3A_322], %add3A_255 {strides = array<i32>} : memref<128xi32, #tpu.memory_space<vmem>>, vector<16xi32>,
      %reduce_min3A = arith.constant true
      %reduce_min3A_324 = vector.broadcast %reduce_min3A : i1 to vector<16xi1>
      %reduce_min3A_325 = arith.constant -2147483648 : i32
      %reduce_min3A_326 = vector.broadcast %reduce_min3A_325 : i32 to vector<16xi32>
      %reduce_min3A_327 = arith.xori %min3A_321, %reduce_min3A_326 : vector<16xi32>
      %reduce_min3A_328 = tpu.scan <min>, %reduce_min3A_327 masked %reduce_min3A_324 : vector<16xi32>, vector<16xi1> -> vector<16xi32>
      %reduce_min3A_329 = arith.xori %reduce_min3A_328, %reduce_min3A_326 : vector<16xi32>
      %reduce_min3A_330 = vector.extract %reduce_min3A_329[15] : i32 from vector<16xi32>
      %add3A_331 = arith.constant 0 : i32
      %add3A_332 = arith.addi %add3A_331, %reduce_min3A_330 : i32
      %broadcast_in_dim3A_333 = vector.broadcast %add3A_332 : i32 to vector<16xi32>
      %gather3A_334 = tpu.vector_load_idx %arg19[%broadcast_in_dim3A_333] : memref<128xi32, #tpu.memory_space<vmem>>[vector<16xi32>], vector<16xi32>,
      %gather3A_335 = tpu.vector_load_idx %arg18[%broadcast_in_dim3A_333] : memref<128xi32, #tpu.memory_space<vmem>>[vector<16xi32>], vector<16xi32>,
      %sub3A_336 = arith.subi %gather3A_334, %gather3A_335 : vector<16xi32>
      %reduce_max3A_337 = arith.constant true
      %reduce_max3A_338 = vector.broadcast %reduce_max3A_337 : i1 to vector<16xi1>
      %reduce_max3A_339 = arith.constant -2147483648 : i32
      %reduce_max3A_340 = vector.broadcast %reduce_max3A_339 : i32 to vector<16xi32>
      %reduce_max3A_341 = arith.xori %sub3A_336, %reduce_max3A_340 : vector<16xi32>
      %reduce_max3A_342 = tpu.scan <max>, %reduce_max3A_341 masked %reduce_max3A_338 : vector<16xi32>, vector<16xi1> -> vector<16xi32>
      %reduce_max3A_343 = arith.xori %reduce_max3A_342, %reduce_max3A_340 : vector<16xi32>
      %reduce_max3A_344 = vector.extract %reduce_max3A_343[15] : i32 from vector<16xi32>
      %sub3A_345 = arith.constant 32 : i32
      %sub3A_346 = arith.subi %sub3A_345, %reduce_max3A_344 : i32
      %get3A_347 = arith.constant 64 : index
      %get3A_348 = tpu.vector_load %arg18[%get3A_347] {strides = array<i32>} : memref<128xi32, #tpu.memory_space<vmem>>, vector<16xi32>,
      %broadcast_in_dim3A_349 = arith.constant true
      %broadcast_in_dim3A_350 = vector.broadcast %broadcast_in_dim3A_349 : i1 to vector<16xi1>
      %masked_cumsum3A_351 = tpu.scan <sum>, %get3A_348 masked %broadcast_in_dim3A_350 : vector<16xi32>, vector<16xi1> -> vector<16xi32>
      %add3A_352 = arith.constant 0 : i32
      %add3A_353 = vector.broadcast %add3A_352 : i32 to vector<16xi32>
      %add3A_354 = arith.addi %masked_cumsum3A_351, %add3A_353 : vector<16xi32>
      %reduce_max3A_355 = arith.constant true
      %reduce_max3A_356 = vector.broadcast %reduce_max3A_355 : i1 to vector<16xi1>
      %reduce_max3A_357 = arith.constant -2147483648 : i32
      %reduce_max3A_358 = vector.broadcast %reduce_max3A_357 : i32 to vector<16xi32>
      %reduce_max3A_359 = arith.xori %add3A_354, %reduce_max3A_358 : vector<16xi32>
      %reduce_max3A_360 = tpu.scan <max>, %reduce_max3A_359 masked %reduce_max3A_356 : vector<16xi32>, vector<16xi1> -> vector<16xi32>
      %reduce_max3A_361 = arith.xori %reduce_max3A_360, %reduce_max3A_358 : vector<16xi32>
      %reduce_max3A_362 = vector.extract %reduce_max3A_361[15] : i32 from vector<16xi32>
      %get3A_363 = arith.constant 80 : index
      %get3A_364 = tpu.vector_load %arg18[%get3A_363] {strides = array<i32>} : memref<128xi32, #tpu.memory_space<vmem>>, vector<16xi32>,
      %broadcast_in_dim3A_365 = arith.constant true
      %broadcast_in_dim3A_366 = vector.broadcast %broadcast_in_dim3A_365 : i1 to vector<16xi1>
      %masked_cumsum3A_367 = tpu.scan <sum>, %get3A_364 masked %broadcast_in_dim3A_366 : vector<16xi32>, vector<16xi1> -> vector<16xi32>
      %add3A_368 = vector.broadcast %reduce_max3A_362 : i32 to vector<16xi32>
      %add3A_369 = arith.addi %masked_cumsum3A_367, %add3A_368 : vector<16xi32>
      %reduce_max3A_370 = arith.constant true
      %reduce_max3A_371 = vector.broadcast %reduce_max3A_370 : i1 to vector<16xi1>
      %reduce_max3A_372 = arith.constant -2147483648 : i32
      %reduce_max3A_373 = vector.broadcast %reduce_max3A_372 : i32 to vector<16xi32>
      %reduce_max3A_374 = arith.xori %add3A_369, %reduce_max3A_373 : vector<16xi32>
      %reduce_max3A_375 = tpu.scan <max>, %reduce_max3A_374 masked %reduce_max3A_371 : vector<16xi32>, vector<16xi1> -> vector<16xi32>
      %reduce_max3A_376 = arith.xori %reduce_max3A_375, %reduce_max3A_373 : vector<16xi32>
      %reduce_max3A_377 = vector.extract %reduce_max3A_376[15] : i32 from vector<16xi32>
      %get3A_378 = arith.constant 96 : index
      %get3A_379 = tpu.vector_load %arg18[%get3A_378] {strides = array<i32>} : memref<128xi32, #tpu.memory_space<vmem>>, vector<16xi32>,
      %broadcast_in_dim3A_380 = arith.constant true
      %broadcast_in_dim3A_381 = vector.broadcast %broadcast_in_dim3A_380 : i1 to vector<16xi1>
      %masked_cumsum3A_382 = tpu.scan <sum>, %get3A_379 masked %broadcast_in_dim3A_381 : vector<16xi32>, vector<16xi1> -> vector<16xi32>
      %add3A_383 = vector.broadcast %reduce_max3A_377 : i32 to vector<16xi32>
      %add3A_384 = arith.addi %masked_cumsum3A_382, %add3A_383 : vector<16xi32>
      %reduce_max3A_385 = arith.constant true
      %reduce_max3A_386 = vector.broadcast %reduce_max3A_385 : i1 to vector<16xi1>
      %reduce_max3A_387 = arith.constant -2147483648 : i32
      %reduce_max3A_388 = vector.broadcast %reduce_max3A_387 : i32 to vector<16xi32>
      %reduce_max3A_389 = arith.xori %add3A_384, %reduce_max3A_388 : vector<16xi32>
      %reduce_max3A_390 = tpu.scan <max>, %reduce_max3A_389 masked %reduce_max3A_386 : vector<16xi32>, vector<16xi1> -> vector<16xi32>
      %reduce_max3A_391 = arith.xori %reduce_max3A_390, %reduce_max3A_388 : vector<16xi32>
      %reduce_max3A_392 = vector.extract %reduce_max3A_391[15] : i32 from vector<16xi32>
      %get3A_393 = arith.constant 112 : index
      %get3A_394 = tpu.vector_load %arg18[%get3A_393] {strides = array<i32>} : memref<128xi32, #tpu.memory_space<vmem>>, vector<16xi32>,
      %broadcast_in_dim3A_395 = arith.constant true
      %broadcast_in_dim3A_396 = vector.broadcast %broadcast_in_dim3A_395 : i1 to vector<16xi1>
      %masked_cumsum3A_397 = tpu.scan <sum>, %get3A_394 masked %broadcast_in_dim3A_396 : vector<16xi32>, vector<16xi1> -> vector<16xi32>
      %add3A_398 = vector.broadcast %reduce_max3A_392 : i32 to vector<16xi32>
      %add3A_399 = arith.addi %masked_cumsum3A_397, %add3A_398 : vector<16xi32>
      %reduce_max3A_400 = arith.constant true
      %reduce_max3A_401 = vector.broadcast %reduce_max3A_400 : i1 to vector<16xi1>
      %reduce_max3A_402 = arith.constant -2147483648 : i32
      %reduce_max3A_403 = vector.broadcast %reduce_max3A_402 : i32 to vector<16xi32>
      %reduce_max3A_404 = arith.xori %add3A_399, %reduce_max3A_403 : vector<16xi32>
      %reduce_max3A_405 = tpu.scan <max>, %reduce_max3A_404 masked %reduce_max3A_401 : vector<16xi32>, vector<16xi1> -> vector<16xi32>
      %reduce_max3A_406 = arith.xori %reduce_max3A_405, %reduce_max3A_403 : vector<16xi32>
      %reduce_max3A_407 = vector.extract %reduce_max3A_406[15] : i32 from vector<16xi32>
      %ge3A_408 = arith.constant 32 : i32
      %ge3A_409 = vector.broadcast %ge3A_408 : i32 to vector<16xi32>
      %ge3A_410 = arith.cmpi sge, %add3A_354, %ge3A_409 : vector<16xi32>
      %all_reduce_ffs3A_411 = tpu.all_reduce %ge3A_410 {dim = 0 : i64, kind = #tpu.reduction_kind<find_first_set>} : vector<16xi1> -> vector<16xi32>
      %ge3A_412 = arith.constant 16 : i32
      %ge3A_413 = vector.broadcast %ge3A_412 : i32 to vector<16xi32>
      %ge3A_414 = arith.cmpi sge, %all_reduce_ffs3A_411, %ge3A_413 : vector<16xi32>
      %broadcast_in_dim3A_415 = arith.constant 9999 : i32
      %broadcast_in_dim3A_416 = vector.broadcast %broadcast_in_dim3A_415 : i32 to vector<16xi32>
      %add3A_417 = arith.constant 0 : i32
      %add3A_418 = vector.broadcast %add3A_417 : i32 to vector<16xi32>
      %add3A_419 = arith.addi %all_reduce_ffs3A_411, %add3A_418 : vector<16xi32>
      %select_n3A_420 = arith.select %ge3A_414, %broadcast_in_dim3A_416, %add3A_419 : vector<16xi1>, vector<16xi32>
      %swap3A_421 = arith.constant 64 : index
      %swap3A_422 = tpu.vector_load %arg19[%swap3A_421] {strides = array<i32>} : memref<128xi32, #tpu.memory_space<vmem>>, vector<16xi32>,
      tpu.vector_store %arg19[%swap3A_421], %add3A_354 {strides = array<i32>} : memref<128xi32, #tpu.memory_space<vmem>>, vector<16xi32>,
      %ge3A_423 = arith.constant 32 : i32
      %ge3A_424 = vector.broadcast %ge3A_423 : i32 to vector<16xi32>
      %ge3A_425 = arith.cmpi sge, %add3A_369, %ge3A_424 : vector<16xi32>
      %all_reduce_ffs3A_426 = tpu.all_reduce %ge3A_425 {dim = 0 : i64, kind = #tpu.reduction_kind<find_first_set>} : vector<16xi1> -> vector<16xi32>
      %ge3A_427 = arith.constant 16 : i32
      %ge3A_428 = vector.broadcast %ge3A_427 : i32 to vector<16xi32>
      %ge3A_429 = arith.cmpi sge, %all_reduce_ffs3A_426, %ge3A_428 : vector<16xi32>
      %broadcast_in_dim3A_430 = arith.constant 9999 : i32
      %broadcast_in_dim3A_431 = vector.broadcast %broadcast_in_dim3A_430 : i32 to vector<16xi32>
      %add3A_432 = arith.constant 16 : i32
      %add3A_433 = vector.broadcast %add3A_432 : i32 to vector<16xi32>
      %add3A_434 = arith.addi %all_reduce_ffs3A_426, %add3A_433 : vector<16xi32>
      %select_n3A_435 = arith.select %ge3A_429, %broadcast_in_dim3A_431, %add3A_434 : vector<16xi1>, vector<16xi32>
      %min3A_436 = arith.minsi %select_n3A_420, %select_n3A_435 : vector<16xi32>
      %swap3A_437 = arith.constant 80 : index
      %swap3A_438 = tpu.vector_load %arg19[%swap3A_437] {strides = array<i32>} : memref<128xi32, #tpu.memory_space<vmem>>, vector<16xi32>,
      tpu.vector_store %arg19[%swap3A_437], %add3A_369 {strides = array<i32>} : memref<128xi32, #tpu.memory_space<vmem>>, vector<16xi32>,
      %ge3A_439 = arith.constant 32 : i32
      %ge3A_440 = vector.broadcast %ge3A_439 : i32 to vector<16xi32>
      %ge3A_441 = arith.cmpi sge, %add3A_384, %ge3A_440 : vector<16xi32>
      %all_reduce_ffs3A_442 = tpu.all_reduce %ge3A_441 {dim = 0 : i64, kind = #tpu.reduction_kind<find_first_set>} : vector<16xi1> -> vector<16xi32>
      %ge3A_443 = arith.constant 16 : i32
      %ge3A_444 = vector.broadcast %ge3A_443 : i32 to vector<16xi32>
      %ge3A_445 = arith.cmpi sge, %all_reduce_ffs3A_442, %ge3A_444 : vector<16xi32>
      %broadcast_in_dim3A_446 = arith.constant 9999 : i32
      %broadcast_in_dim3A_447 = vector.broadcast %broadcast_in_dim3A_446 : i32 to vector<16xi32>
      %add3A_448 = arith.constant 32 : i32
      %add3A_449 = vector.broadcast %add3A_448 : i32 to vector<16xi32>
      %add3A_450 = arith.addi %all_reduce_ffs3A_442, %add3A_449 : vector<16xi32>
      %select_n3A_451 = arith.select %ge3A_445, %broadcast_in_dim3A_447, %add3A_450 : vector<16xi1>, vector<16xi32>
      %min3A_452 = arith.minsi %min3A_436, %select_n3A_451 : vector<16xi32>
      %swap3A_453 = arith.constant 96 : index
      %swap3A_454 = tpu.vector_load %arg19[%swap3A_453] {strides = array<i32>} : memref<128xi32, #tpu.memory_space<vmem>>, vector<16xi32>,
      tpu.vector_store %arg19[%swap3A_453], %add3A_384 {strides = array<i32>} : memref<128xi32, #tpu.memory_space<vmem>>, vector<16xi32>,
      %ge3A_455 = arith.constant 32 : i32
      %ge3A_456 = vector.broadcast %ge3A_455 : i32 to vector<16xi32>
      %ge3A_457 = arith.cmpi sge, %add3A_399, %ge3A_456 : vector<16xi32>
      %all_reduce_ffs3A_458 = tpu.all_reduce %ge3A_457 {dim = 0 : i64, kind = #tpu.reduction_kind<find_first_set>} : vector<16xi1> -> vector<16xi32>
      %ge3A_459 = arith.constant 16 : i32
      %ge3A_460 = vector.broadcast %ge3A_459 : i32 to vector<16xi32>
      %ge3A_461 = arith.cmpi sge, %all_reduce_ffs3A_458, %ge3A_460 : vector<16xi32>
      %broadcast_in_dim3A_462 = arith.constant 9999 : i32
      %broadcast_in_dim3A_463 = vector.broadcast %broadcast_in_dim3A_462 : i32 to vector<16xi32>
      %add3A_464 = arith.constant 48 : i32
      %add3A_465 = vector.broadcast %add3A_464 : i32 to vector<16xi32>
      %add3A_466 = arith.addi %all_reduce_ffs3A_458, %add3A_465 : vector<16xi32>
      %select_n3A_467 = arith.select %ge3A_461, %broadcast_in_dim3A_463, %add3A_466 : vector<16xi1>, vector<16xi32>
      %min3A_468 = arith.minsi %min3A_452, %select_n3A_467 : vector<16xi32>
      %swap3A_469 = arith.constant 112 : index
      %swap3A_470 = tpu.vector_load %arg19[%swap3A_469] {strides = array<i32>} : memref<128xi32, #tpu.memory_space<vmem>>, vector<16xi32>,
      tpu.vector_store %arg19[%swap3A_469], %add3A_399 {strides = array<i32>} : memref<128xi32, #tpu.memory_space<vmem>>, vector<16xi32>,
      %reduce_min3A_471 = arith.constant true
      %reduce_min3A_472 = vector.broadcast %reduce_min3A_471 : i1 to vector<16xi1>
      %reduce_min3A_473 = arith.constant -2147483648 : i32
      %reduce_min3A_474 = vector.broadcast %reduce_min3A_473 : i32 to vector<16xi32>
      %reduce_min3A_475 = arith.xori %min3A_468, %reduce_min3A_474 : vector<16xi32>
      %reduce_min3A_476 = tpu.scan <min>, %reduce_min3A_475 masked %reduce_min3A_472 : vector<16xi32>, vector<16xi1> -> vector<16xi32>
      %reduce_min3A_477 = arith.xori %reduce_min3A_476, %reduce_min3A_474 : vector<16xi32>
      %reduce_min3A_478 = vector.extract %reduce_min3A_477[15] : i32 from vector<16xi32>
      %add3A_479 = arith.constant 64 : i32
      %add3A_480 = arith.addi %add3A_479, %reduce_min3A_478 : i32
      %broadcast_in_dim3A_481 = vector.broadcast %add3A_480 : i32 to vector<16xi32>
      %gather3A_482 = tpu.vector_load_idx %arg19[%broadcast_in_dim3A_481] : memref<128xi32, #tpu.memory_space<vmem>>[vector<16xi32>], vector<16xi32>,
      %gather3A_483 = tpu.vector_load_idx %arg18[%broadcast_in_dim3A_481] : memref<128xi32, #tpu.memory_space<vmem>>[vector<16xi32>], vector<16xi32>,
      %sub3A_484 = arith.subi %gather3A_482, %gather3A_483 : vector<16xi32>
      %reduce_max3A_485 = arith.constant true
      %reduce_max3A_486 = vector.broadcast %reduce_max3A_485 : i1 to vector<16xi1>
      %reduce_max3A_487 = arith.constant -2147483648 : i32
      %reduce_max3A_488 = vector.broadcast %reduce_max3A_487 : i32 to vector<16xi32>
      %reduce_max3A_489 = arith.xori %sub3A_484, %reduce_max3A_488 : vector<16xi32>
      %reduce_max3A_490 = tpu.scan <max>, %reduce_max3A_489 masked %reduce_max3A_486 : vector<16xi32>, vector<16xi1> -> vector<16xi32>
      %reduce_max3A_491 = arith.xori %reduce_max3A_490, %reduce_max3A_488 : vector<16xi32>
      %reduce_max3A_492 = vector.extract %reduce_max3A_491[15] : i32 from vector<16xi32>
      %sub3A_493 = arith.constant 32 : i32
      %sub3A_494 = arith.subi %sub3A_493, %reduce_max3A_492 : i32
      %broadcast_in_dim3A_495 = vector.broadcast %reduce_min3A_330 : i32 to vector<16xi32>
      %broadcast_in_dim3A_496 = vector.broadcast %reduce_min3A_478 : i32 to vector<16xi32>
      %swap3A_497 = arith.constant 0 : index
      %swap3A_498 = tpu.vector_load %arg18[%swap3A_497] {strides = array<i32>} : memref<128xi32, #tpu.memory_space<vmem>>, vector<16xi32>,
      tpu.vector_store %arg18[%swap3A_497], %broadcast_in_dim3A_35 {strides = array<i32>} : memref<128xi32, #tpu.memory_space<vmem>>, vector<16xi32>,
      %swap3A_499 = arith.constant 16 : index
      %swap3A_500 = tpu.vector_load %arg18[%swap3A_499] {strides = array<i32>} : memref<128xi32, #tpu.memory_space<vmem>>, vector<16xi32>,
      tpu.vector_store %arg18[%swap3A_499], %broadcast_in_dim3A_35 {strides = array<i32>} : memref<128xi32, #tpu.memory_space<vmem>>, vector<16xi32>,
      %swap3A_501 = arith.constant 32 : index
      %swap3A_502 = tpu.vector_load %arg18[%swap3A_501] {strides = array<i32>} : memref<128xi32, #tpu.memory_space<vmem>>, vector<16xi32>,
      tpu.vector_store %arg18[%swap3A_501], %broadcast_in_dim3A_35 {strides = array<i32>} : memref<128xi32, #tpu.memory_space<vmem>>, vector<16xi32>,
      %swap3A_503 = arith.constant 48 : index
      %swap3A_504 = tpu.vector_load %arg18[%swap3A_503] {strides = array<i32>} : memref<128xi32, #tpu.memory_space<vmem>>, vector<16xi32>,
      tpu.vector_store %arg18[%swap3A_503], %broadcast_in_dim3A_35 {strides = array<i32>} : memref<128xi32, #tpu.memory_space<vmem>>, vector<16xi32>,
      %swap3A_505 = arith.constant 64 : index
      %swap3A_506 = tpu.vector_load %arg18[%swap3A_505] {strides = array<i32>} : memref<128xi32, #tpu.memory_space<vmem>>, vector<16xi32>,
      tpu.vector_store %arg18[%swap3A_505], %broadcast_in_dim3A_35 {strides = array<i32>} : memref<128xi32, #tpu.memory_space<vmem>>, vector<16xi32>,
      %swap3A_507 = arith.constant 80 : index
      %swap3A_508 = tpu.vector_load %arg18[%swap3A_507] {strides = array<i32>} : memref<128xi32, #tpu.memory_space<vmem>>, vector<16xi32>,
      tpu.vector_store %arg18[%swap3A_507], %broadcast_in_dim3A_35 {strides = array<i32>} : memref<128xi32, #tpu.memory_space<vmem>>, vector<16xi32>,
      %swap3A_509 = arith.constant 96 : index
      %swap3A_510 = tpu.vector_load %arg18[%swap3A_509] {strides = array<i32>} : memref<128xi32, #tpu.memory_space<vmem>>, vector<16xi32>,
      tpu.vector_store %arg18[%swap3A_509], %broadcast_in_dim3A_35 {strides = array<i32>} : memref<128xi32, #tpu.memory_space<vmem>>, vector<16xi32>,
      %swap3A_511 = arith.constant 112 : index
      %swap3A_512 = tpu.vector_load %arg18[%swap3A_511] {strides = array<i32>} : memref<128xi32, #tpu.memory_space<vmem>>, vector<16xi32>,
      tpu.vector_store %arg18[%swap3A_511], %broadcast_in_dim3A_35 {strides = array<i32>} : memref<128xi32, #tpu.memory_space<vmem>>, vector<16xi32>,
      %scan3A_513 = arith.constant 0 : i32
      %scan3A_514 = arith.constant 0 : i32
      %scan3A_515 = arith.constant 256 : i32
      %scan3A_516 = arith.addi %scan3A_514, %scan3A_515 : i32
      %scan3A_517 = arith.constant 1 : i32
      %scan3A_518 = scf.for %scan3A_1107 = %scan3A_514 to %scan3A_516 step %scan3A_517 iter_args(%scan3A_1108 = %scan3A_513) -> (i32)  : i32 {
        %mul3A_1109 = arith.constant 2 : i32
        %mul3A_1110 = arith.muli %scan3A_1107, %mul3A_1109 : i32
        %add3A_1111 = arith.constant 0 : i32
        %add3A_1112 = arith.addi %mul3A_1110, %add3A_1111 : i32
        %mul3A_1113 = arith.constant 16 : i32
        %mul3A_1114 = arith.muli %add3A_1112, %mul3A_1113 : i32
        %get3A_1115 = arith.index_cast %mul3A_1114 : i32 to index
        %get3A_1116 = tpu.vector_load %arg16[%get3A_1115] {strides = array<i32>} : memref<8192xi32, #tpu.memory_space<vmem>>, vector<16xi32>,
        %shift_right_logical3A_1117 = arith.constant 26 : i32
        %shift_right_logical3A_1118 = vector.broadcast %shift_right_logical3A_1117 : i32 to vector<16xi32>
        %shift_right_logical3A_1119 = arith.shrui %get3A_1116, %shift_right_logical3A_1118 : vector<16xi32>
        %eq3A_1120 = arith.cmpi eq, %shift_right_logical3A_1119, %broadcast_in_dim3A_495 : vector<16xi32>
        %shift_right_logical3A_1121 = arith.constant 20 : i32
        %shift_right_logical3A_1122 = vector.broadcast %shift_right_logical3A_1121 : i32 to vector<16xi32>
        %shift_right_logical3A_1123 = arith.shrui %get3A_1116, %shift_right_logical3A_1122 : vector<16xi32>
        %and3A_1124 = arith.constant 63 : i32
        %and3A_1125 = vector.broadcast %and3A_1124 : i32 to vector<16xi32>
        %and3A_1126 = arith.andi %shift_right_logical3A_1123, %and3A_1125 : vector<16xi32>
        %add3A_1127 = arith.constant 0 : i32
        %add3A_1128 = vector.broadcast %add3A_1127 : i32 to vector<16xi32>
        %add3A_1129 = arith.addi %add3A_1128, %and3A_1126 : vector<16xi32>
        %unique3A, %unique3A_1130 = tpu.scan_count mask(%eq3A_1120 : vector<16xi1>) value(%add3A_1129 : vector<16xi32>) : vector<16xi1>, vector<16xi32>
        tpu.vector_store_idx %arg18[%add3A_1129], %unique3A_1130 masked %unique3A {add = true} : memref<128xi32, #tpu.memory_space<vmem>>[vector<16xi32>], vector<16xi32>, vector<16xi1>
        %get3A_1131 = arith.index_cast %mul3A_1114 : i32 to index
        %get3A_1132 = tpu.vector_load %arg17[%get3A_1131] {strides = array<i32>} : memref<8192xi32, #tpu.memory_space<vmem>>, vector<16xi32>,
        %shift_right_logical3A_1133 = arith.constant 26 : i32
        %shift_right_logical3A_1134 = vector.broadcast %shift_right_logical3A_1133 : i32 to vector<16xi32>
        %shift_right_logical3A_1135 = arith.shrui %get3A_1132, %shift_right_logical3A_1134 : vector<16xi32>
        %eq3A_1136 = arith.cmpi eq, %shift_right_logical3A_1135, %broadcast_in_dim3A_496 : vector<16xi32>
        %shift_right_logical3A_1137 = arith.constant 20 : i32
        %shift_right_logical3A_1138 = vector.broadcast %shift_right_logical3A_1137 : i32 to vector<16xi32>
        %shift_right_logical3A_1139 = arith.shrui %get3A_1132, %shift_right_logical3A_1138 : vector<16xi32>
        %and3A_1140 = arith.constant 63 : i32
        %and3A_1141 = vector.broadcast %and3A_1140 : i32 to vector<16xi32>
        %and3A_1142 = arith.andi %shift_right_logical3A_1139, %and3A_1141 : vector<16xi32>
        %add3A_1143 = arith.constant 64 : i32
        %add3A_1144 = vector.broadcast %add3A_1143 : i32 to vector<16xi32>
        %add3A_1145 = arith.addi %add3A_1144, %and3A_1142 : vector<16xi32>
        %unique3A_1146, %unique3A_1147 = tpu.scan_count mask(%eq3A_1136 : vector<16xi1>) value(%add3A_1145 : vector<16xi32>) : vector<16xi1>, vector<16xi32>
        tpu.vector_store_idx %arg18[%add3A_1145], %unique3A_1147 masked %unique3A_1146 {add = true} : memref<128xi32, #tpu.memory_space<vmem>>[vector<16xi32>], vector<16xi32>, vector<16xi1>
        %mul3A_1148 = arith.constant 2 : i32
        %mul3A_1149 = arith.muli %scan3A_1107, %mul3A_1148 : i32
        %add3A_1150 = arith.constant 1 : i32
        %add3A_1151 = arith.addi %mul3A_1149, %add3A_1150 : i32
        %mul3A_1152 = arith.constant 16 : i32
        %mul3A_1153 = arith.muli %add3A_1151, %mul3A_1152 : i32
        %get3A_1154 = arith.index_cast %mul3A_1153 : i32 to index
        %get3A_1155 = tpu.vector_load %arg16[%get3A_1154] {strides = array<i32>} : memref<8192xi32, #tpu.memory_space<vmem>>, vector<16xi32>,
        %shift_right_logical3A_1156 = arith.constant 26 : i32
        %shift_right_logical3A_1157 = vector.broadcast %shift_right_logical3A_1156 : i32 to vector<16xi32>
        %shift_right_logical3A_1158 = arith.shrui %get3A_1155, %shift_right_logical3A_1157 : vector<16xi32>
        %eq3A_1159 = arith.cmpi eq, %shift_right_logical3A_1158, %broadcast_in_dim3A_495 : vector<16xi32>
        %shift_right_logical3A_1160 = arith.constant 20 : i32
        %shift_right_logical3A_1161 = vector.broadcast %shift_right_logical3A_1160 : i32 to vector<16xi32>
        %shift_right_logical3A_1162 = arith.shrui %get3A_1155, %shift_right_logical3A_1161 : vector<16xi32>
        %and3A_1163 = arith.constant 63 : i32
        %and3A_1164 = vector.broadcast %and3A_1163 : i32 to vector<16xi32>
        %and3A_1165 = arith.andi %shift_right_logical3A_1162, %and3A_1164 : vector<16xi32>
        %add3A_1166 = arith.constant 0 : i32
        %add3A_1167 = vector.broadcast %add3A_1166 : i32 to vector<16xi32>
        %add3A_1168 = arith.addi %add3A_1167, %and3A_1165 : vector<16xi32>
        %unique3A_1169, %unique3A_1170 = tpu.scan_count mask(%eq3A_1159 : vector<16xi1>) value(%add3A_1168 : vector<16xi32>) : vector<16xi1>, vector<16xi32>
        tpu.vector_store_idx %arg18[%add3A_1168], %unique3A_1170 masked %unique3A_1169 {add = true} : memref<128xi32, #tpu.memory_space<vmem>>[vector<16xi32>], vector<16xi32>, vector<16xi1>
        %get3A_1171 = arith.index_cast %mul3A_1153 : i32 to index
        %get3A_1172 = tpu.vector_load %arg17[%get3A_1171] {strides = array<i32>} : memref<8192xi32, #tpu.memory_space<vmem>>, vector<16xi32>,
        %shift_right_logical3A_1173 = arith.constant 26 : i32
        %shift_right_logical3A_1174 = vector.broadcast %shift_right_logical3A_1173 : i32 to vector<16xi32>
        %shift_right_logical3A_1175 = arith.shrui %get3A_1172, %shift_right_logical3A_1174 : vector<16xi32>
        %eq3A_1176 = arith.cmpi eq, %shift_right_logical3A_1175, %broadcast_in_dim3A_496 : vector<16xi32>
        %shift_right_logical3A_1177 = arith.constant 20 : i32
        %shift_right_logical3A_1178 = vector.broadcast %shift_right_logical3A_1177 : i32 to vector<16xi32>
        %shift_right_logical3A_1179 = arith.shrui %get3A_1172, %shift_right_logical3A_1178 : vector<16xi32>
        %and3A_1180 = arith.constant 63 : i32
        %and3A_1181 = vector.broadcast %and3A_1180 : i32 to vector<16xi32>
        %and3A_1182 = arith.andi %shift_right_logical3A_1179, %and3A_1181 : vector<16xi32>
        %add3A_1183 = arith.constant 64 : i32
        %add3A_1184 = vector.broadcast %add3A_1183 : i32 to vector<16xi32>
        %add3A_1185 = arith.addi %add3A_1184, %and3A_1182 : vector<16xi32>
        %unique3A_1186, %unique3A_1187 = tpu.scan_count mask(%eq3A_1176 : vector<16xi1>) value(%add3A_1185 : vector<16xi32>) : vector<16xi1>, vector<16xi32>
        tpu.vector_store_idx %arg18[%add3A_1185], %unique3A_1187 masked %unique3A_1186 {add = true} : memref<128xi32, #tpu.memory_space<vmem>>[vector<16xi32>], vector<16xi32>, vector<16xi1>
        %scan3A_1188 = arith.constant 0 : i32
        scf.yield %scan3A_1188 : i32
      }
      %scan3A_519 = arith.constant 256 : i32
      %get3A_520 = arith.constant 0 : index
      %get3A_521 = tpu.vector_load %arg18[%get3A_520] {strides = array<i32>} : memref<128xi32, #tpu.memory_space<vmem>>, vector<16xi32>,
      %broadcast_in_dim3A_522 = arith.constant true
      %broadcast_in_dim3A_523 = vector.broadcast %broadcast_in_dim3A_522 : i1 to vector<16xi1>
      %masked_cumsum3A_524 = tpu.scan <sum>, %get3A_521 masked %broadcast_in_dim3A_523 : vector<16xi32>, vector<16xi1> -> vector<16xi32>
      %add3A_525 = arith.constant 0 : i32
      %add3A_526 = vector.broadcast %add3A_525 : i32 to vector<16xi32>
      %add3A_527 = arith.addi %masked_cumsum3A_524, %add3A_526 : vector<16xi32>
      %reduce_max3A_528 = arith.constant true
      %reduce_max3A_529 = vector.broadcast %reduce_max3A_528 : i1 to vector<16xi1>
      %reduce_max3A_530 = arith.constant -2147483648 : i32
      %reduce_max3A_531 = vector.broadcast %reduce_max3A_530 : i32 to vector<16xi32>
      %reduce_max3A_532 = arith.xori %add3A_527, %reduce_max3A_531 : vector<16xi32>
      %reduce_max3A_533 = tpu.scan <max>, %reduce_max3A_532 masked %reduce_max3A_529 : vector<16xi32>, vector<16xi1> -> vector<16xi32>
      %reduce_max3A_534 = arith.xori %reduce_max3A_533, %reduce_max3A_531 : vector<16xi32>
      %reduce_max3A_535 = vector.extract %reduce_max3A_534[15] : i32 from vector<16xi32>
      %get3A_536 = arith.constant 16 : index
      %get3A_537 = tpu.vector_load %arg18[%get3A_536] {strides = array<i32>} : memref<128xi32, #tpu.memory_space<vmem>>, vector<16xi32>,
      %broadcast_in_dim3A_538 = arith.constant true
      %broadcast_in_dim3A_539 = vector.broadcast %broadcast_in_dim3A_538 : i1 to vector<16xi1>
      %masked_cumsum3A_540 = tpu.scan <sum>, %get3A_537 masked %broadcast_in_dim3A_539 : vector<16xi32>, vector<16xi1> -> vector<16xi32>
      %add3A_541 = vector.broadcast %reduce_max3A_535 : i32 to vector<16xi32>
      %add3A_542 = arith.addi %masked_cumsum3A_540, %add3A_541 : vector<16xi32>
      %reduce_max3A_543 = arith.constant true
      %reduce_max3A_544 = vector.broadcast %reduce_max3A_543 : i1 to vector<16xi1>
      %reduce_max3A_545 = arith.constant -2147483648 : i32
      %reduce_max3A_546 = vector.broadcast %reduce_max3A_545 : i32 to vector<16xi32>
      %reduce_max3A_547 = arith.xori %add3A_542, %reduce_max3A_546 : vector<16xi32>
      %reduce_max3A_548 = tpu.scan <max>, %reduce_max3A_547 masked %reduce_max3A_544 : vector<16xi32>, vector<16xi1> -> vector<16xi32>
      %reduce_max3A_549 = arith.xori %reduce_max3A_548, %reduce_max3A_546 : vector<16xi32>
      %reduce_max3A_550 = vector.extract %reduce_max3A_549[15] : i32 from vector<16xi32>
      %get3A_551 = arith.constant 32 : index
      %get3A_552 = tpu.vector_load %arg18[%get3A_551] {strides = array<i32>} : memref<128xi32, #tpu.memory_space<vmem>>, vector<16xi32>,
      %broadcast_in_dim3A_553 = arith.constant true
      %broadcast_in_dim3A_554 = vector.broadcast %broadcast_in_dim3A_553 : i1 to vector<16xi1>
      %masked_cumsum3A_555 = tpu.scan <sum>, %get3A_552 masked %broadcast_in_dim3A_554 : vector<16xi32>, vector<16xi1> -> vector<16xi32>
      %add3A_556 = vector.broadcast %reduce_max3A_550 : i32 to vector<16xi32>
      %add3A_557 = arith.addi %masked_cumsum3A_555, %add3A_556 : vector<16xi32>
      %reduce_max3A_558 = arith.constant true
      %reduce_max3A_559 = vector.broadcast %reduce_max3A_558 : i1 to vector<16xi1>
      %reduce_max3A_560 = arith.constant -2147483648 : i32
      %reduce_max3A_561 = vector.broadcast %reduce_max3A_560 : i32 to vector<16xi32>
      %reduce_max3A_562 = arith.xori %add3A_557, %reduce_max3A_561 : vector<16xi32>
      %reduce_max3A_563 = tpu.scan <max>, %reduce_max3A_562 masked %reduce_max3A_559 : vector<16xi32>, vector<16xi1> -> vector<16xi32>
      %reduce_max3A_564 = arith.xori %reduce_max3A_563, %reduce_max3A_561 : vector<16xi32>
      %reduce_max3A_565 = vector.extract %reduce_max3A_564[15] : i32 from vector<16xi32>
      %get3A_566 = arith.constant 48 : index
      %get3A_567 = tpu.vector_load %arg18[%get3A_566] {strides = array<i32>} : memref<128xi32, #tpu.memory_space<vmem>>, vector<16xi32>,
      %broadcast_in_dim3A_568 = arith.constant true
      %broadcast_in_dim3A_569 = vector.broadcast %broadcast_in_dim3A_568 : i1 to vector<16xi1>
      %masked_cumsum3A_570 = tpu.scan <sum>, %get3A_567 masked %broadcast_in_dim3A_569 : vector<16xi32>, vector<16xi1> -> vector<16xi32>
      %add3A_571 = vector.broadcast %reduce_max3A_565 : i32 to vector<16xi32>
      %add3A_572 = arith.addi %masked_cumsum3A_570, %add3A_571 : vector<16xi32>
      %reduce_max3A_573 = arith.constant true
      %reduce_max3A_574 = vector.broadcast %reduce_max3A_573 : i1 to vector<16xi1>
      %reduce_max3A_575 = arith.constant -2147483648 : i32
      %reduce_max3A_576 = vector.broadcast %reduce_max3A_575 : i32 to vector<16xi32>
      %reduce_max3A_577 = arith.xori %add3A_572, %reduce_max3A_576 : vector<16xi32>
      %reduce_max3A_578 = tpu.scan <max>, %reduce_max3A_577 masked %reduce_max3A_574 : vector<16xi32>, vector<16xi1> -> vector<16xi32>
      %reduce_max3A_579 = arith.xori %reduce_max3A_578, %reduce_max3A_576 : vector<16xi32>
      %reduce_max3A_580 = vector.extract %reduce_max3A_579[15] : i32 from vector<16xi32>
      %ge3A_581 = vector.broadcast %sub3A_346 : i32 to vector<16xi32>
      %ge3A_582 = arith.cmpi sge, %add3A_527, %ge3A_581 : vector<16xi32>
      %all_reduce_ffs3A_583 = tpu.all_reduce %ge3A_582 {dim = 0 : i64, kind = #tpu.reduction_kind<find_first_set>} : vector<16xi1> -> vector<16xi32>
      %ge3A_584 = arith.constant 16 : i32
      %ge3A_585 = vector.broadcast %ge3A_584 : i32 to vector<16xi32>
      %ge3A_586 = arith.cmpi sge, %all_reduce_ffs3A_583, %ge3A_585 : vector<16xi32>
      %broadcast_in_dim3A_587 = arith.constant 9999 : i32
      %broadcast_in_dim3A_588 = vector.broadcast %broadcast_in_dim3A_587 : i32 to vector<16xi32>
      %add3A_589 = arith.constant 0 : i32
      %add3A_590 = vector.broadcast %add3A_589 : i32 to vector<16xi32>
      %add3A_591 = arith.addi %all_reduce_ffs3A_583, %add3A_590 : vector<16xi32>
      %select_n3A_592 = arith.select %ge3A_586, %broadcast_in_dim3A_588, %add3A_591 : vector<16xi1>, vector<16xi32>
      %swap3A_593 = arith.constant 0 : index
      %swap3A_594 = tpu.vector_load %arg19[%swap3A_593] {strides = array<i32>} : memref<128xi32, #tpu.memory_space<vmem>>, vector<16xi32>,
      tpu.vector_store %arg19[%swap3A_593], %add3A_527 {strides = array<i32>} : memref<128xi32, #tpu.memory_space<vmem>>, vector<16xi32>,
      %ge3A_595 = vector.broadcast %sub3A_346 : i32 to vector<16xi32>
      %ge3A_596 = arith.cmpi sge, %add3A_542, %ge3A_595 : vector<16xi32>
      %all_reduce_ffs3A_597 = tpu.all_reduce %ge3A_596 {dim = 0 : i64, kind = #tpu.reduction_kind<find_first_set>} : vector<16xi1> -> vector<16xi32>
      %ge3A_598 = arith.constant 16 : i32
      %ge3A_599 = vector.broadcast %ge3A_598 : i32 to vector<16xi32>
      %ge3A_600 = arith.cmpi sge, %all_reduce_ffs3A_597, %ge3A_599 : vector<16xi32>
      %broadcast_in_dim3A_601 = arith.constant 9999 : i32
      %broadcast_in_dim3A_602 = vector.broadcast %broadcast_in_dim3A_601 : i32 to vector<16xi32>
      %add3A_603 = arith.constant 16 : i32
      %add3A_604 = vector.broadcast %add3A_603 : i32 to vector<16xi32>
      %add3A_605 = arith.addi %all_reduce_ffs3A_597, %add3A_604 : vector<16xi32>
      %select_n3A_606 = arith.select %ge3A_600, %broadcast_in_dim3A_602, %add3A_605 : vector<16xi1>, vector<16xi32>
      %min3A_607 = arith.minsi %select_n3A_592, %select_n3A_606 : vector<16xi32>
      %swap3A_608 = arith.constant 16 : index
      %swap3A_609 = tpu.vector_load %arg19[%swap3A_608] {strides = array<i32>} : memref<128xi32, #tpu.memory_space<vmem>>, vector<16xi32>,
      tpu.vector_store %arg19[%swap3A_608], %add3A_542 {strides = array<i32>} : memref<128xi32, #tpu.memory_space<vmem>>, vector<16xi32>,
      %ge3A_610 = vector.broadcast %sub3A_346 : i32 to vector<16xi32>
      %ge3A_611 = arith.cmpi sge, %add3A_557, %ge3A_610 : vector<16xi32>
      %all_reduce_ffs3A_612 = tpu.all_reduce %ge3A_611 {dim = 0 : i64, kind = #tpu.reduction_kind<find_first_set>} : vector<16xi1> -> vector<16xi32>
      %ge3A_613 = arith.constant 16 : i32
      %ge3A_614 = vector.broadcast %ge3A_613 : i32 to vector<16xi32>
      %ge3A_615 = arith.cmpi sge, %all_reduce_ffs3A_612, %ge3A_614 : vector<16xi32>
      %broadcast_in_dim3A_616 = arith.constant 9999 : i32
      %broadcast_in_dim3A_617 = vector.broadcast %broadcast_in_dim3A_616 : i32 to vector<16xi32>
      %add3A_618 = arith.constant 32 : i32
      %add3A_619 = vector.broadcast %add3A_618 : i32 to vector<16xi32>
      %add3A_620 = arith.addi %all_reduce_ffs3A_612, %add3A_619 : vector<16xi32>
      %select_n3A_621 = arith.select %ge3A_615, %broadcast_in_dim3A_617, %add3A_620 : vector<16xi1>, vector<16xi32>
      %min3A_622 = arith.minsi %min3A_607, %select_n3A_621 : vector<16xi32>
      %swap3A_623 = arith.constant 32 : index
      %swap3A_624 = tpu.vector_load %arg19[%swap3A_623] {strides = array<i32>} : memref<128xi32, #tpu.memory_space<vmem>>, vector<16xi32>,
      tpu.vector_store %arg19[%swap3A_623], %add3A_557 {strides = array<i32>} : memref<128xi32, #tpu.memory_space<vmem>>, vector<16xi32>,
      %ge3A_625 = vector.broadcast %sub3A_346 : i32 to vector<16xi32>
      %ge3A_626 = arith.cmpi sge, %add3A_572, %ge3A_625 : vector<16xi32>
      %all_reduce_ffs3A_627 = tpu.all_reduce %ge3A_626 {dim = 0 : i64, kind = #tpu.reduction_kind<find_first_set>} : vector<16xi1> -> vector<16xi32>
      %ge3A_628 = arith.constant 16 : i32
      %ge3A_629 = vector.broadcast %ge3A_628 : i32 to vector<16xi32>
      %ge3A_630 = arith.cmpi sge, %all_reduce_ffs3A_627, %ge3A_629 : vector<16xi32>
      %broadcast_in_dim3A_631 = arith.constant 9999 : i32
      %broadcast_in_dim3A_632 = vector.broadcast %broadcast_in_dim3A_631 : i32 to vector<16xi32>
      %add3A_633 = arith.constant 48 : i32
      %add3A_634 = vector.broadcast %add3A_633 : i32 to vector<16xi32>
      %add3A_635 = arith.addi %all_reduce_ffs3A_627, %add3A_634 : vector<16xi32>
      %select_n3A_636 = arith.select %ge3A_630, %broadcast_in_dim3A_632, %add3A_635 : vector<16xi1>, vector<16xi32>
      %min3A_637 = arith.minsi %min3A_622, %select_n3A_636 : vector<16xi32>
      %swap3A_638 = arith.constant 48 : index
      %swap3A_639 = tpu.vector_load %arg19[%swap3A_638] {strides = array<i32>} : memref<128xi32, #tpu.memory_space<vmem>>, vector<16xi32>,
      tpu.vector_store %arg19[%swap3A_638], %add3A_572 {strides = array<i32>} : memref<128xi32, #tpu.memory_space<vmem>>, vector<16xi32>,
      %reduce_min3A_640 = arith.constant true
      %reduce_min3A_641 = vector.broadcast %reduce_min3A_640 : i1 to vector<16xi1>
      %reduce_min3A_642 = arith.constant -2147483648 : i32
      %reduce_min3A_643 = vector.broadcast %reduce_min3A_642 : i32 to vector<16xi32>
      %reduce_min3A_644 = arith.xori %min3A_637, %reduce_min3A_643 : vector<16xi32>
      %reduce_min3A_645 = tpu.scan <min>, %reduce_min3A_644 masked %reduce_min3A_641 : vector<16xi32>, vector<16xi1> -> vector<16xi32>
      %reduce_min3A_646 = arith.xori %reduce_min3A_645, %reduce_min3A_643 : vector<16xi32>
      %reduce_min3A_647 = vector.extract %reduce_min3A_646[15] : i32 from vector<16xi32>
      %add3A_648 = arith.constant 0 : i32
      %add3A_649 = arith.addi %add3A_648, %reduce_min3A_647 : i32
      %broadcast_in_dim3A_650 = vector.broadcast %add3A_649 : i32 to vector<16xi32>
      %gather3A_651 = tpu.vector_load_idx %arg19[%broadcast_in_dim3A_650] : memref<128xi32, #tpu.memory_space<vmem>>[vector<16xi32>], vector<16xi32>,
      %gather3A_652 = tpu.vector_load_idx %arg18[%broadcast_in_dim3A_650] : memref<128xi32, #tpu.memory_space<vmem>>[vector<16xi32>], vector<16xi32>,
      %sub3A_653 = arith.subi %gather3A_651, %gather3A_652 : vector<16xi32>
      %reduce_max3A_654 = arith.constant true
      %reduce_max3A_655 = vector.broadcast %reduce_max3A_654 : i1 to vector<16xi1>
      %reduce_max3A_656 = arith.constant -2147483648 : i32
      %reduce_max3A_657 = vector.broadcast %reduce_max3A_656 : i32 to vector<16xi32>
      %reduce_max3A_658 = arith.xori %sub3A_653, %reduce_max3A_657 : vector<16xi32>
      %reduce_max3A_659 = tpu.scan <max>, %reduce_max3A_658 masked %reduce_max3A_655 : vector<16xi32>, vector<16xi1> -> vector<16xi32>
      %reduce_max3A_660 = arith.xori %reduce_max3A_659, %reduce_max3A_657 : vector<16xi32>
      %reduce_max3A_661 = vector.extract %reduce_max3A_660[15] : i32 from vector<16xi32>
      %sub3A_662 = arith.subi %sub3A_346, %reduce_max3A_661 : i32
      %get3A_663 = arith.constant 64 : index
      %get3A_664 = tpu.vector_load %arg18[%get3A_663] {strides = array<i32>} : memref<128xi32, #tpu.memory_space<vmem>>, vector<16xi32>,
      %broadcast_in_dim3A_665 = arith.constant true
      %broadcast_in_dim3A_666 = vector.broadcast %broadcast_in_dim3A_665 : i1 to vector<16xi1>
      %masked_cumsum3A_667 = tpu.scan <sum>, %get3A_664 masked %broadcast_in_dim3A_666 : vector<16xi32>, vector<16xi1> -> vector<16xi32>
      %add3A_668 = arith.constant 0 : i32
      %add3A_669 = vector.broadcast %add3A_668 : i32 to vector<16xi32>
      %add3A_670 = arith.addi %masked_cumsum3A_667, %add3A_669 : vector<16xi32>
      %reduce_max3A_671 = arith.constant true
      %reduce_max3A_672 = vector.broadcast %reduce_max3A_671 : i1 to vector<16xi1>
      %reduce_max3A_673 = arith.constant -2147483648 : i32
      %reduce_max3A_674 = vector.broadcast %reduce_max3A_673 : i32 to vector<16xi32>
      %reduce_max3A_675 = arith.xori %add3A_670, %reduce_max3A_674 : vector<16xi32>
      %reduce_max3A_676 = tpu.scan <max>, %reduce_max3A_675 masked %reduce_max3A_672 : vector<16xi32>, vector<16xi1> -> vector<16xi32>
      %reduce_max3A_677 = arith.xori %reduce_max3A_676, %reduce_max3A_674 : vector<16xi32>
      %reduce_max3A_678 = vector.extract %reduce_max3A_677[15] : i32 from vector<16xi32>
      %get3A_679 = arith.constant 80 : index
      %get3A_680 = tpu.vector_load %arg18[%get3A_679] {strides = array<i32>} : memref<128xi32, #tpu.memory_space<vmem>>, vector<16xi32>,
      %broadcast_in_dim3A_681 = arith.constant true
      %broadcast_in_dim3A_682 = vector.broadcast %broadcast_in_dim3A_681 : i1 to vector<16xi1>
      %masked_cumsum3A_683 = tpu.scan <sum>, %get3A_680 masked %broadcast_in_dim3A_682 : vector<16xi32>, vector<16xi1> -> vector<16xi32>
      %add3A_684 = vector.broadcast %reduce_max3A_678 : i32 to vector<16xi32>
      %add3A_685 = arith.addi %masked_cumsum3A_683, %add3A_684 : vector<16xi32>
      %reduce_max3A_686 = arith.constant true
      %reduce_max3A_687 = vector.broadcast %reduce_max3A_686 : i1 to vector<16xi1>
      %reduce_max3A_688 = arith.constant -2147483648 : i32
      %reduce_max3A_689 = vector.broadcast %reduce_max3A_688 : i32 to vector<16xi32>
      %reduce_max3A_690 = arith.xori %add3A_685, %reduce_max3A_689 : vector<16xi32>
      %reduce_max3A_691 = tpu.scan <max>, %reduce_max3A_690 masked %reduce_max3A_687 : vector<16xi32>, vector<16xi1> -> vector<16xi32>
      %reduce_max3A_692 = arith.xori %reduce_max3A_691, %reduce_max3A_689 : vector<16xi32>
      %reduce_max3A_693 = vector.extract %reduce_max3A_692[15] : i32 from vector<16xi32>
      %get3A_694 = arith.constant 96 : index
      %get3A_695 = tpu.vector_load %arg18[%get3A_694] {strides = array<i32>} : memref<128xi32, #tpu.memory_space<vmem>>, vector<16xi32>,
      %broadcast_in_dim3A_696 = arith.constant true
      %broadcast_in_dim3A_697 = vector.broadcast %broadcast_in_dim3A_696 : i1 to vector<16xi1>
      %masked_cumsum3A_698 = tpu.scan <sum>, %get3A_695 masked %broadcast_in_dim3A_697 : vector<16xi32>, vector<16xi1> -> vector<16xi32>
      %add3A_699 = vector.broadcast %reduce_max3A_693 : i32 to vector<16xi32>
      %add3A_700 = arith.addi %masked_cumsum3A_698, %add3A_699 : vector<16xi32>
      %reduce_max3A_701 = arith.constant true
      %reduce_max3A_702 = vector.broadcast %reduce_max3A_701 : i1 to vector<16xi1>
      %reduce_max3A_703 = arith.constant -2147483648 : i32
      %reduce_max3A_704 = vector.broadcast %reduce_max3A_703 : i32 to vector<16xi32>
      %reduce_max3A_705 = arith.xori %add3A_700, %reduce_max3A_704 : vector<16xi32>
      %reduce_max3A_706 = tpu.scan <max>, %reduce_max3A_705 masked %reduce_max3A_702 : vector<16xi32>, vector<16xi1> -> vector<16xi32>
      %reduce_max3A_707 = arith.xori %reduce_max3A_706, %reduce_max3A_704 : vector<16xi32>
      %reduce_max3A_708 = vector.extract %reduce_max3A_707[15] : i32 from vector<16xi32>
      %get3A_709 = arith.constant 112 : index
      %get3A_710 = tpu.vector_load %arg18[%get3A_709] {strides = array<i32>} : memref<128xi32, #tpu.memory_space<vmem>>, vector<16xi32>,
      %broadcast_in_dim3A_711 = arith.constant true
      %broadcast_in_dim3A_712 = vector.broadcast %broadcast_in_dim3A_711 : i1 to vector<16xi1>
      %masked_cumsum3A_713 = tpu.scan <sum>, %get3A_710 masked %broadcast_in_dim3A_712 : vector<16xi32>, vector<16xi1> -> vector<16xi32>
      %add3A_714 = vector.broadcast %reduce_max3A_708 : i32 to vector<16xi32>
      %add3A_715 = arith.addi %masked_cumsum3A_713, %add3A_714 : vector<16xi32>
      %reduce_max3A_716 = arith.constant true
      %reduce_max3A_717 = vector.broadcast %reduce_max3A_716 : i1 to vector<16xi1>
      %reduce_max3A_718 = arith.constant -2147483648 : i32
      %reduce_max3A_719 = vector.broadcast %reduce_max3A_718 : i32 to vector<16xi32>
      %reduce_max3A_720 = arith.xori %add3A_715, %reduce_max3A_719 : vector<16xi32>
      %reduce_max3A_721 = tpu.scan <max>, %reduce_max3A_720 masked %reduce_max3A_717 : vector<16xi32>, vector<16xi1> -> vector<16xi32>
      %reduce_max3A_722 = arith.xori %reduce_max3A_721, %reduce_max3A_719 : vector<16xi32>
      %reduce_max3A_723 = vector.extract %reduce_max3A_722[15] : i32 from vector<16xi32>
      %ge3A_724 = vector.broadcast %sub3A_494 : i32 to vector<16xi32>
      %ge3A_725 = arith.cmpi sge, %add3A_670, %ge3A_724 : vector<16xi32>
      %all_reduce_ffs3A_726 = tpu.all_reduce %ge3A_725 {dim = 0 : i64, kind = #tpu.reduction_kind<find_first_set>} : vector<16xi1> -> vector<16xi32>
      %ge3A_727 = arith.constant 16 : i32
      %ge3A_728 = vector.broadcast %ge3A_727 : i32 to vector<16xi32>
      %ge3A_729 = arith.cmpi sge, %all_reduce_ffs3A_726, %ge3A_728 : vector<16xi32>
      %broadcast_in_dim3A_730 = arith.constant 9999 : i32
      %broadcast_in_dim3A_731 = vector.broadcast %broadcast_in_dim3A_730 : i32 to vector<16xi32>
      %add3A_732 = arith.constant 0 : i32
      %add3A_733 = vector.broadcast %add3A_732 : i32 to vector<16xi32>
      %add3A_734 = arith.addi %all_reduce_ffs3A_726, %add3A_733 : vector<16xi32>
      %select_n3A_735 = arith.select %ge3A_729, %broadcast_in_dim3A_731, %add3A_734 : vector<16xi1>, vector<16xi32>
      %swap3A_736 = arith.constant 64 : index
      %swap3A_737 = tpu.vector_load %arg19[%swap3A_736] {strides = array<i32>} : memref<128xi32, #tpu.memory_space<vmem>>, vector<16xi32>,
      tpu.vector_store %arg19[%swap3A_736], %add3A_670 {strides = array<i32>} : memref<128xi32, #tpu.memory_space<vmem>>, vector<16xi32>,
      %ge3A_738 = vector.broadcast %sub3A_494 : i32 to vector<16xi32>
      %ge3A_739 = arith.cmpi sge, %add3A_685, %ge3A_738 : vector<16xi32>
      %all_reduce_ffs3A_740 = tpu.all_reduce %ge3A_739 {dim = 0 : i64, kind = #tpu.reduction_kind<find_first_set>} : vector<16xi1> -> vector<16xi32>
      %ge3A_741 = arith.constant 16 : i32
      %ge3A_742 = vector.broadcast %ge3A_741 : i32 to vector<16xi32>
      %ge3A_743 = arith.cmpi sge, %all_reduce_ffs3A_740, %ge3A_742 : vector<16xi32>
      %broadcast_in_dim3A_744 = arith.constant 9999 : i32
      %broadcast_in_dim3A_745 = vector.broadcast %broadcast_in_dim3A_744 : i32 to vector<16xi32>
      %add3A_746 = arith.constant 16 : i32
      %add3A_747 = vector.broadcast %add3A_746 : i32 to vector<16xi32>
      %add3A_748 = arith.addi %all_reduce_ffs3A_740, %add3A_747 : vector<16xi32>
      %select_n3A_749 = arith.select %ge3A_743, %broadcast_in_dim3A_745, %add3A_748 : vector<16xi1>, vector<16xi32>
      %min3A_750 = arith.minsi %select_n3A_735, %select_n3A_749 : vector<16xi32>
      %swap3A_751 = arith.constant 80 : index
      %swap3A_752 = tpu.vector_load %arg19[%swap3A_751] {strides = array<i32>} : memref<128xi32, #tpu.memory_space<vmem>>, vector<16xi32>,
      tpu.vector_store %arg19[%swap3A_751], %add3A_685 {strides = array<i32>} : memref<128xi32, #tpu.memory_space<vmem>>, vector<16xi32>,
      %ge3A_753 = vector.broadcast %sub3A_494 : i32 to vector<16xi32>
      %ge3A_754 = arith.cmpi sge, %add3A_700, %ge3A_753 : vector<16xi32>
      %all_reduce_ffs3A_755 = tpu.all_reduce %ge3A_754 {dim = 0 : i64, kind = #tpu.reduction_kind<find_first_set>} : vector<16xi1> -> vector<16xi32>
      %ge3A_756 = arith.constant 16 : i32
      %ge3A_757 = vector.broadcast %ge3A_756 : i32 to vector<16xi32>
      %ge3A_758 = arith.cmpi sge, %all_reduce_ffs3A_755, %ge3A_757 : vector<16xi32>
      %broadcast_in_dim3A_759 = arith.constant 9999 : i32
      %broadcast_in_dim3A_760 = vector.broadcast %broadcast_in_dim3A_759 : i32 to vector<16xi32>
      %add3A_761 = arith.constant 32 : i32
      %add3A_762 = vector.broadcast %add3A_761 : i32 to vector<16xi32>
      %add3A_763 = arith.addi %all_reduce_ffs3A_755, %add3A_762 : vector<16xi32>
      %select_n3A_764 = arith.select %ge3A_758, %broadcast_in_dim3A_760, %add3A_763 : vector<16xi1>, vector<16xi32>
      %min3A_765 = arith.minsi %min3A_750, %select_n3A_764 : vector<16xi32>
      %swap3A_766 = arith.constant 96 : index
      %swap3A_767 = tpu.vector_load %arg19[%swap3A_766] {strides = array<i32>} : memref<128xi32, #tpu.memory_space<vmem>>, vector<16xi32>,
      tpu.vector_store %arg19[%swap3A_766], %add3A_700 {strides = array<i32>} : memref<128xi32, #tpu.memory_space<vmem>>, vector<16xi32>,
      %ge3A_768 = vector.broadcast %sub3A_494 : i32 to vector<16xi32>
      %ge3A_769 = arith.cmpi sge, %add3A_715, %ge3A_768 : vector<16xi32>
      %all_reduce_ffs3A_770 = tpu.all_reduce %ge3A_769 {dim = 0 : i64, kind = #tpu.reduction_kind<find_first_set>} : vector<16xi1> -> vector<16xi32>
      %ge3A_771 = arith.constant 16 : i32
      %ge3A_772 = vector.broadcast %ge3A_771 : i32 to vector<16xi32>
      %ge3A_773 = arith.cmpi sge, %all_reduce_ffs3A_770, %ge3A_772 : vector<16xi32>
      %broadcast_in_dim3A_774 = arith.constant 9999 : i32
      %broadcast_in_dim3A_775 = vector.broadcast %broadcast_in_dim3A_774 : i32 to vector<16xi32>
      %add3A_776 = arith.constant 48 : i32
      %add3A_777 = vector.broadcast %add3A_776 : i32 to vector<16xi32>
      %add3A_778 = arith.addi %all_reduce_ffs3A_770, %add3A_777 : vector<16xi32>
      %select_n3A_779 = arith.select %ge3A_773, %broadcast_in_dim3A_775, %add3A_778 : vector<16xi1>, vector<16xi32>
      %min3A_780 = arith.minsi %min3A_765, %select_n3A_779 : vector<16xi32>
      %swap3A_781 = arith.constant 112 : index
      %swap3A_782 = tpu.vector_load %arg19[%swap3A_781] {strides = array<i32>} : memref<128xi32, #tpu.memory_space<vmem>>, vector<16xi32>,
      tpu.vector_store %arg19[%swap3A_781], %add3A_715 {strides = array<i32>} : memref<128xi32, #tpu.memory_space<vmem>>, vector<16xi32>,
      %reduce_min3A_783 = arith.constant true
      %reduce_min3A_784 = vector.broadcast %reduce_min3A_783 : i1 to vector<16xi1>
      %reduce_min3A_785 = arith.constant -2147483648 : i32
      %reduce_min3A_786 = vector.broadcast %reduce_min3A_785 : i32 to vector<16xi32>
      %reduce_min3A_787 = arith.xori %min3A_780, %reduce_min3A_786 : vector<16xi32>
      %reduce_min3A_788 = tpu.scan <min>, %reduce_min3A_787 masked %reduce_min3A_784 : vector<16xi32>, vector<16xi1> -> vector<16xi32>
      %reduce_min3A_789 = arith.xori %reduce_min3A_788, %reduce_min3A_786 : vector<16xi32>
      %reduce_min3A_790 = vector.extract %reduce_min3A_789[15] : i32 from vector<16xi32>
      %add3A_791 = arith.constant 64 : i32
      %add3A_792 = arith.addi %add3A_791, %reduce_min3A_790 : i32
      %broadcast_in_dim3A_793 = vector.broadcast %add3A_792 : i32 to vector<16xi32>
      %gather3A_794 = tpu.vector_load_idx %arg19[%broadcast_in_dim3A_793] : memref<128xi32, #tpu.memory_space<vmem>>[vector<16xi32>], vector<16xi32>,
      %gather3A_795 = tpu.vector_load_idx %arg18[%broadcast_in_dim3A_793] : memref<128xi32, #tpu.memory_space<vmem>>[vector<16xi32>], vector<16xi32>,
      %sub3A_796 = arith.subi %gather3A_794, %gather3A_795 : vector<16xi32>
      %reduce_max3A_797 = arith.constant true
      %reduce_max3A_798 = vector.broadcast %reduce_max3A_797 : i1 to vector<16xi1>
      %reduce_max3A_799 = arith.constant -2147483648 : i32
      %reduce_max3A_800 = vector.broadcast %reduce_max3A_799 : i32 to vector<16xi32>
      %reduce_max3A_801 = arith.xori %sub3A_796, %reduce_max3A_800 : vector<16xi32>
      %reduce_max3A_802 = tpu.scan <max>, %reduce_max3A_801 masked %reduce_max3A_798 : vector<16xi32>, vector<16xi1> -> vector<16xi32>
      %reduce_max3A_803 = arith.xori %reduce_max3A_802, %reduce_max3A_800 : vector<16xi32>
      %reduce_max3A_804 = vector.extract %reduce_max3A_803[15] : i32 from vector<16xi32>
      %sub3A_805 = arith.subi %sub3A_494, %reduce_max3A_804 : i32
      %shift_left3A = arith.constant 6 : i32
      %shift_left3A_806 = vector.broadcast %shift_left3A : i32 to vector<16xi32>
      %shift_left3A_807 = arith.shli %broadcast_in_dim3A_495, %shift_left3A_806 : vector<16xi32>
      %broadcast_in_dim3A_808 = vector.broadcast %reduce_min3A_647 : i32 to vector<16xi32>
      %or3A = arith.ori %shift_left3A_807, %broadcast_in_dim3A_808 : vector<16xi32>
      %add3A_809 = arith.constant 1 : i32
      %add3A_810 = vector.broadcast %add3A_809 : i32 to vector<16xi32>
      %add3A_811 = arith.addi %or3A, %add3A_810 : vector<16xi32>
      %shift_left3A_812 = arith.constant 20 : i32
      %shift_left3A_813 = vector.broadcast %shift_left3A_812 : i32 to vector<16xi32>
      %shift_left3A_814 = arith.shli %add3A_811, %shift_left3A_813 : vector<16xi32>
      %shift_left3A_815 = arith.constant 6 : i32
      %shift_left3A_816 = vector.broadcast %shift_left3A_815 : i32 to vector<16xi32>
      %shift_left3A_817 = arith.shli %broadcast_in_dim3A_496, %shift_left3A_816 : vector<16xi32>
      %broadcast_in_dim3A_818 = vector.broadcast %reduce_min3A_790 : i32 to vector<16xi32>
      %or3A_819 = arith.ori %shift_left3A_817, %broadcast_in_dim3A_818 : vector<16xi32>
      %add3A_820 = arith.constant 1 : i32
      %add3A_821 = vector.broadcast %add3A_820 : i32 to vector<16xi32>
      %add3A_822 = arith.addi %or3A_819, %add3A_821 : vector<16xi32>
      %shift_left3A_823 = arith.constant 20 : i32
      %shift_left3A_824 = vector.broadcast %shift_left3A_823 : i32 to vector<16xi32>
      %shift_left3A_825 = arith.shli %add3A_822, %shift_left3A_824 : vector<16xi32>
      %broadcast_in_dim3A_826 = arith.constant 2147483647 : i32
      %broadcast_in_dim3A_827 = vector.broadcast %broadcast_in_dim3A_826 : i32 to vector<16xi32>
      %swap3A_828 = arith.constant 0 : index
      %swap3A_829 = tpu.vector_load %arg20[%swap3A_828] {strides = array<i32>} : memref<160xi32, #tpu.memory_space<vmem>>, vector<16xi32>,
      tpu.vector_store %arg20[%swap3A_828], %broadcast_in_dim3A_827 {strides = array<i32>} : memref<160xi32, #tpu.memory_space<vmem>>, vector<16xi32>,
      %broadcast_in_dim3A_830 = arith.constant 2147483647 : i32
      %broadcast_in_dim3A_831 = vector.broadcast %broadcast_in_dim3A_830 : i32 to vector<16xi32>
      %swap3A_832 = arith.constant 0 : index
      %swap3A_833 = tpu.vector_load %arg21[%swap3A_832] {strides = array<i32>} : memref<160xi32, #tpu.memory_space<vmem>>, vector<16xi32>,
      tpu.vector_store %arg21[%swap3A_832], %broadcast_in_dim3A_831 {strides = array<i32>} : memref<160xi32, #tpu.memory_space<vmem>>, vector<16xi32>,
      %broadcast_in_dim3A_834 = arith.constant 2147483647 : i32
      %broadcast_in_dim3A_835 = vector.broadcast %broadcast_in_dim3A_834 : i32 to vector<16xi32>
      %swap3A_836 = arith.constant 16 : index
      %swap3A_837 = tpu.vector_load %arg20[%swap3A_836] {strides = array<i32>} : memref<160xi32, #tpu.memory_space<vmem>>, vector<16xi32>,
      tpu.vector_store %arg20[%swap3A_836], %broadcast_in_dim3A_835 {strides = array<i32>} : memref<160xi32, #tpu.memory_space<vmem>>, vector<16xi32>,
      %broadcast_in_dim3A_838 = arith.constant 2147483647 : i32
      %broadcast_in_dim3A_839 = vector.broadcast %broadcast_in_dim3A_838 : i32 to vector<16xi32>
      %swap3A_840 = arith.constant 16 : index
      %swap3A_841 = tpu.vector_load %arg21[%swap3A_840] {strides = array<i32>} : memref<160xi32, #tpu.memory_space<vmem>>, vector<16xi32>,
      tpu.vector_store %arg21[%swap3A_840], %broadcast_in_dim3A_839 {strides = array<i32>} : memref<160xi32, #tpu.memory_space<vmem>>, vector<16xi32>,
      %broadcast_in_dim3A_842 = arith.constant 2147483647 : i32
      %broadcast_in_dim3A_843 = vector.broadcast %broadcast_in_dim3A_842 : i32 to vector<16xi32>
      %swap3A_844 = arith.constant 32 : index
      %swap3A_845 = tpu.vector_load %arg20[%swap3A_844] {strides = array<i32>} : memref<160xi32, #tpu.memory_space<vmem>>, vector<16xi32>,
      tpu.vector_store %arg20[%swap3A_844], %broadcast_in_dim3A_843 {strides = array<i32>} : memref<160xi32, #tpu.memory_space<vmem>>, vector<16xi32>,
      %broadcast_in_dim3A_846 = arith.constant 2147483647 : i32
      %broadcast_in_dim3A_847 = vector.broadcast %broadcast_in_dim3A_846 : i32 to vector<16xi32>
      %swap3A_848 = arith.constant 32 : index
      %swap3A_849 = tpu.vector_load %arg21[%swap3A_848] {strides = array<i32>} : memref<160xi32, #tpu.memory_space<vmem>>, vector<16xi32>,
      tpu.vector_store %arg21[%swap3A_848], %broadcast_in_dim3A_847 {strides = array<i32>} : memref<160xi32, #tpu.memory_space<vmem>>, vector<16xi32>,
      %broadcast_in_dim3A_850 = arith.constant 2147483647 : i32
      %broadcast_in_dim3A_851 = vector.broadcast %broadcast_in_dim3A_850 : i32 to vector<16xi32>
      %swap3A_852 = arith.constant 48 : index
      %swap3A_853 = tpu.vector_load %arg20[%swap3A_852] {strides = array<i32>} : memref<160xi32, #tpu.memory_space<vmem>>, vector<16xi32>,
      tpu.vector_store %arg20[%swap3A_852], %broadcast_in_dim3A_851 {strides = array<i32>} : memref<160xi32, #tpu.memory_space<vmem>>, vector<16xi32>,
      %broadcast_in_dim3A_854 = arith.constant 2147483647 : i32
      %broadcast_in_dim3A_855 = vector.broadcast %broadcast_in_dim3A_854 : i32 to vector<16xi32>
      %swap3A_856 = arith.constant 48 : index
      %swap3A_857 = tpu.vector_load %arg21[%swap3A_856] {strides = array<i32>} : memref<160xi32, #tpu.memory_space<vmem>>, vector<16xi32>,
      tpu.vector_store %arg21[%swap3A_856], %broadcast_in_dim3A_855 {strides = array<i32>} : memref<160xi32, #tpu.memory_space<vmem>>, vector<16xi32>,
      %broadcast_in_dim3A_858 = arith.constant 2147483647 : i32
      %broadcast_in_dim3A_859 = vector.broadcast %broadcast_in_dim3A_858 : i32 to vector<16xi32>
      %swap3A_860 = arith.constant 64 : index
      %swap3A_861 = tpu.vector_load %arg20[%swap3A_860] {strides = array<i32>} : memref<160xi32, #tpu.memory_space<vmem>>, vector<16xi32>,
      tpu.vector_store %arg20[%swap3A_860], %broadcast_in_dim3A_859 {strides = array<i32>} : memref<160xi32, #tpu.memory_space<vmem>>, vector<16xi32>,
      %broadcast_in_dim3A_862 = arith.constant 2147483647 : i32
      %broadcast_in_dim3A_863 = vector.broadcast %broadcast_in_dim3A_862 : i32 to vector<16xi32>
      %swap3A_864 = arith.constant 64 : index
      %swap3A_865 = tpu.vector_load %arg21[%swap3A_864] {strides = array<i32>} : memref<160xi32, #tpu.memory_space<vmem>>, vector<16xi32>,
      tpu.vector_store %arg21[%swap3A_864], %broadcast_in_dim3A_863 {strides = array<i32>} : memref<160xi32, #tpu.memory_space<vmem>>, vector<16xi32>,
      %broadcast_in_dim3A_866 = arith.constant 2147483647 : i32
      %broadcast_in_dim3A_867 = vector.broadcast %broadcast_in_dim3A_866 : i32 to vector<16xi32>
      %swap3A_868 = arith.constant 80 : index
      %swap3A_869 = tpu.vector_load %arg20[%swap3A_868] {strides = array<i32>} : memref<160xi32, #tpu.memory_space<vmem>>, vector<16xi32>,
      tpu.vector_store %arg20[%swap3A_868], %broadcast_in_dim3A_867 {strides = array<i32>} : memref<160xi32, #tpu.memory_space<vmem>>, vector<16xi32>,
      %broadcast_in_dim3A_870 = arith.constant 2147483647 : i32
      %broadcast_in_dim3A_871 = vector.broadcast %broadcast_in_dim3A_870 : i32 to vector<16xi32>
      %swap3A_872 = arith.constant 80 : index
      %swap3A_873 = tpu.vector_load %arg21[%swap3A_872] {strides = array<i32>} : memref<160xi32, #tpu.memory_space<vmem>>, vector<16xi32>,
      tpu.vector_store %arg21[%swap3A_872], %broadcast_in_dim3A_871 {strides = array<i32>} : memref<160xi32, #tpu.memory_space<vmem>>, vector<16xi32>,
      %broadcast_in_dim3A_874 = arith.constant 2147483647 : i32
      %broadcast_in_dim3A_875 = vector.broadcast %broadcast_in_dim3A_874 : i32 to vector<16xi32>
      %swap3A_876 = arith.constant 96 : index
      %swap3A_877 = tpu.vector_load %arg20[%swap3A_876] {strides = array<i32>} : memref<160xi32, #tpu.memory_space<vmem>>, vector<16xi32>,
      tpu.vector_store %arg20[%swap3A_876], %broadcast_in_dim3A_875 {strides = array<i32>} : memref<160xi32, #tpu.memory_space<vmem>>, vector<16xi32>,
      %broadcast_in_dim3A_878 = arith.constant 2147483647 : i32
      %broadcast_in_dim3A_879 = vector.broadcast %broadcast_in_dim3A_878 : i32 to vector<16xi32>
      %swap3A_880 = arith.constant 96 : index
      %swap3A_881 = tpu.vector_load %arg21[%swap3A_880] {strides = array<i32>} : memref<160xi32, #tpu.memory_space<vmem>>, vector<16xi32>,
      tpu.vector_store %arg21[%swap3A_880], %broadcast_in_dim3A_879 {strides = array<i32>} : memref<160xi32, #tpu.memory_space<vmem>>, vector<16xi32>,
      %broadcast_in_dim3A_882 = arith.constant 2147483647 : i32
      %broadcast_in_dim3A_883 = vector.broadcast %broadcast_in_dim3A_882 : i32 to vector<16xi32>
      %swap3A_884 = arith.constant 112 : index
      %swap3A_885 = tpu.vector_load %arg20[%swap3A_884] {strides = array<i32>} : memref<160xi32, #tpu.memory_space<vmem>>, vector<16xi32>,
      tpu.vector_store %arg20[%swap3A_884], %broadcast_in_dim3A_883 {strides = array<i32>} : memref<160xi32, #tpu.memory_space<vmem>>, vector<16xi32>,
      %broadcast_in_dim3A_886 = arith.constant 2147483647 : i32
      %broadcast_in_dim3A_887 = vector.broadcast %broadcast_in_dim3A_886 : i32 to vector<16xi32>
      %swap3A_888 = arith.constant 112 : index
      %swap3A_889 = tpu.vector_load %arg21[%swap3A_888] {strides = array<i32>} : memref<160xi32, #tpu.memory_space<vmem>>, vector<16xi32>,
      tpu.vector_store %arg21[%swap3A_888], %broadcast_in_dim3A_887 {strides = array<i32>} : memref<160xi32, #tpu.memory_space<vmem>>, vector<16xi32>,
      %broadcast_in_dim3A_890 = arith.constant 2147483647 : i32
      %broadcast_in_dim3A_891 = vector.broadcast %broadcast_in_dim3A_890 : i32 to vector<16xi32>
      %swap3A_892 = arith.constant 128 : index
      %swap3A_893 = tpu.vector_load %arg20[%swap3A_892] {strides = array<i32>} : memref<160xi32, #tpu.memory_space<vmem>>, vector<16xi32>,
      tpu.vector_store %arg20[%swap3A_892], %broadcast_in_dim3A_891 {strides = array<i32>} : memref<160xi32, #tpu.memory_space<vmem>>, vector<16xi32>,
      %broadcast_in_dim3A_894 = arith.constant 2147483647 : i32
      %broadcast_in_dim3A_895 = vector.broadcast %broadcast_in_dim3A_894 : i32 to vector<16xi32>
      %swap3A_896 = arith.constant 128 : index
      %swap3A_897 = tpu.vector_load %arg21[%swap3A_896] {strides = array<i32>} : memref<160xi32, #tpu.memory_space<vmem>>, vector<16xi32>,
      tpu.vector_store %arg21[%swap3A_896], %broadcast_in_dim3A_895 {strides = array<i32>} : memref<160xi32, #tpu.memory_space<vmem>>, vector<16xi32>,
      %broadcast_in_dim3A_898 = arith.constant 2147483647 : i32
      %broadcast_in_dim3A_899 = vector.broadcast %broadcast_in_dim3A_898 : i32 to vector<16xi32>
      %swap3A_900 = arith.constant 144 : index
      %swap3A_901 = tpu.vector_load %arg20[%swap3A_900] {strides = array<i32>} : memref<160xi32, #tpu.memory_space<vmem>>, vector<16xi32>,
      tpu.vector_store %arg20[%swap3A_900], %broadcast_in_dim3A_899 {strides = array<i32>} : memref<160xi32, #tpu.memory_space<vmem>>, vector<16xi32>,
      %broadcast_in_dim3A_902 = arith.constant 2147483647 : i32
      %broadcast_in_dim3A_903 = vector.broadcast %broadcast_in_dim3A_902 : i32 to vector<16xi32>
      %swap3A_904 = arith.constant 144 : index
      %swap3A_905 = tpu.vector_load %arg21[%swap3A_904] {strides = array<i32>} : memref<160xi32, #tpu.memory_space<vmem>>, vector<16xi32>,
      tpu.vector_store %arg21[%swap3A_904], %broadcast_in_dim3A_903 {strides = array<i32>} : memref<160xi32, #tpu.memory_space<vmem>>, vector<16xi32>,
      %scan3A_906 = arith.constant 0 : i32
      %scan3A_907 = arith.constant 0 : i32
      %scan3A_908 = arith.constant 256 : i32
      %scan3A_909 = arith.addi %scan3A_907, %scan3A_908 : i32
      %scan3A_910 = arith.constant 1 : i32
      %scan3A_911 = scf.for %scan3A_1107 = %scan3A_907 to %scan3A_909 step %scan3A_910 iter_args(%scan3A_1108 = %scan3A_906) -> (i32)  : i32 {
        %mul3A_1109 = arith.constant 2 : i32
        %mul3A_1110 = arith.muli %scan3A_1107, %mul3A_1109 : i32
        %add3A_1111 = arith.constant 0 : i32
        %add3A_1112 = arith.addi %mul3A_1110, %add3A_1111 : i32
        %mul3A_1113 = arith.constant 16 : i32
        %mul3A_1114 = arith.muli %add3A_1112, %mul3A_1113 : i32
        %get3A_1115 = arith.index_cast %mul3A_1114 : i32 to index
        %get3A_1116 = tpu.vector_load %arg16[%get3A_1115] {strides = array<i32>} : memref<8192xi32, #tpu.memory_space<vmem>>, vector<16xi32>,
        %lt3A_1117 = arith.cmpi ult, %get3A_1116, %shift_left3A_814 : vector<16xi32>
        %xor3A = arith.constant -2147483648 : i32
        %xor3A_1118 = vector.broadcast %xor3A : i32 to vector<16xi32>
        %xor3A_1119 = arith.xori %get3A_1116, %xor3A_1118 : vector<16xi32>
        %bitcast3A_1120 = vector.bitcast %xor3A_1119 : vector<16xi32> to vector<16xi32>
        %mul3A_1121 = arith.constant 16 : i32
        %mul3A_1122 = arith.muli %add3A_1112, %mul3A_1121 : i32
        %add3A_1123 = vector.broadcast %mul3A_1122 : i32 to vector<16xi32>
        %add3A_1124 = arith.addi %add3A_1123, %iota3A : vector<16xi32>
        %swap3A_1125 = arith.index_cast %scan3A_1108 : i32 to index
        %swap3A_1126 = tpu.vector_load %arg20[%swap3A_1125] masked %lt3A_1117 {strides = array<i32>} : memref<160xi32, #tpu.memory_space<vmem>>, vector<16xi32>, vector<16xi1>
        tpu.vector_store %arg20[%swap3A_1125], %bitcast3A_1120 masked %lt3A_1117 {strides = array<i32>} : memref<160xi32, #tpu.memory_space<vmem>>, vector<16xi32>, vector<16xi1>
        %swap3A_1127 = arith.index_cast %scan3A_1108 : i32 to index
        %swap3A_1128 = tpu.vector_load %arg21[%swap3A_1127] masked %lt3A_1117 {strides = array<i32>} : memref<160xi32, #tpu.memory_space<vmem>>, vector<16xi32>, vector<16xi1>
        tpu.vector_store %arg21[%swap3A_1127], %add3A_1124 masked %lt3A_1117 {strides = array<i32>} : memref<160xi32, #tpu.memory_space<vmem>>, vector<16xi32>, vector<16xi1>
        %all_reduce_population_count3A = tpu.all_reduce %lt3A_1117 {dim = 0 : i64, kind = #tpu.reduction_kind<sum>} : vector<16xi1> -> vector<16xi32>
        %slice3A = vector.extract_strided_slice %all_reduce_population_count3A {offsets = [0], sizes = [1], strides = [1]} : vector<16xi32> to vector<1xi32>
        %squeeze3A = vector.extract %slice3A[0] : i32 from vector<1xi32>
        %add3A_1129 = arith.addi %scan3A_1108, %squeeze3A : i32
        %min3A_1130 = arith.constant 144 : i32
        %min3A_1131 = arith.minsi %add3A_1129, %min3A_1130 : i32
        %mul3A_1132 = arith.constant 2 : i32
        %mul3A_1133 = arith.muli %scan3A_1107, %mul3A_1132 : i32
        %add3A_1134 = arith.constant 1 : i32
        %add3A_1135 = arith.addi %mul3A_1133, %add3A_1134 : i32
        %mul3A_1136 = arith.constant 16 : i32
        %mul3A_1137 = arith.muli %add3A_1135, %mul3A_1136 : i32
        %get3A_1138 = arith.index_cast %mul3A_1137 : i32 to index
        %get3A_1139 = tpu.vector_load %arg16[%get3A_1138] {strides = array<i32>} : memref<8192xi32, #tpu.memory_space<vmem>>, vector<16xi32>,
        %lt3A_1140 = arith.cmpi ult, %get3A_1139, %shift_left3A_814 : vector<16xi32>
        %xor3A_1141 = arith.constant -2147483648 : i32
        %xor3A_1142 = vector.broadcast %xor3A_1141 : i32 to vector<16xi32>
        %xor3A_1143 = arith.xori %get3A_1139, %xor3A_1142 : vector<16xi32>
        %bitcast3A_1144 = vector.bitcast %xor3A_1143 : vector<16xi32> to vector<16xi32>
        %mul3A_1145 = arith.constant 16 : i32
        %mul3A_1146 = arith.muli %add3A_1135, %mul3A_1145 : i32
        %add3A_1147 = vector.broadcast %mul3A_1146 : i32 to vector<16xi32>
        %add3A_1148 = arith.addi %add3A_1147, %iota3A : vector<16xi32>
        %swap3A_1149 = arith.index_cast %min3A_1131 : i32 to index
        %swap3A_1150 = tpu.vector_load %arg20[%swap3A_1149] masked %lt3A_1140 {strides = array<i32>} : memref<160xi32, #tpu.memory_space<vmem>>, vector<16xi32>, vector<16xi1>
        tpu.vector_store %arg20[%swap3A_1149], %bitcast3A_1144 masked %lt3A_1140 {strides = array<i32>} : memref<160xi32, #tpu.memory_space<vmem>>, vector<16xi32>, vector<16xi1>
        %swap3A_1151 = arith.index_cast %min3A_1131 : i32 to index
        %swap3A_1152 = tpu.vector_load %arg21[%swap3A_1151] masked %lt3A_1140 {strides = array<i32>} : memref<160xi32, #tpu.memory_space<vmem>>, vector<16xi32>, vector<16xi1>
        tpu.vector_store %arg21[%swap3A_1151], %add3A_1148 masked %lt3A_1140 {strides = array<i32>} : memref<160xi32, #tpu.memory_space<vmem>>, vector<16xi32>, vector<16xi1>
        %all_reduce_population_count3A_1153 = tpu.all_reduce %lt3A_1140 {dim = 0 : i64, kind = #tpu.reduction_kind<sum>} : vector<16xi1> -> vector<16xi32>
        %slice3A_1154 = vector.extract_strided_slice %all_reduce_population_count3A_1153 {offsets = [0], sizes = [1], strides = [1]} : vector<16xi32> to vector<1xi32>
        %squeeze3A_1155 = vector.extract %slice3A_1154[0] : i32 from vector<1xi32>
        %add3A_1156 = arith.addi %min3A_1131, %squeeze3A_1155 : i32
        %min3A_1157 = arith.constant 144 : i32
        %min3A_1158 = arith.minsi %add3A_1156, %min3A_1157 : i32
        scf.yield %min3A_1158 : i32
      }
      %scan3A_912 = arith.constant 256 : i32
      %scan3A_913 = arith.constant 0 : i32
      %scan3A_914 = arith.constant 0 : i32
      %scan3A_915 = arith.constant 32 : i32
      %scan3A_916 = arith.addi %scan3A_914, %scan3A_915 : i32
      %scan3A_917 = arith.constant 1 : i32
      %scan3A_918 = scf.for %scan3A_1107 = %scan3A_914 to %scan3A_916 step %scan3A_917 iter_args(%scan3A_1108 = %scan3A_913) -> (i32)  : i32 {
        %get3A_1109 = arith.constant 0 : index
        %get3A_1110 = tpu.vector_load %arg20[%get3A_1109] {strides = array<i32>} : memref<160xi32, #tpu.memory_space<vmem>>, vector<16xi32>,
        %get3A_1111 = arith.constant 16 : index
        %get3A_1112 = tpu.vector_load %arg20[%get3A_1111] {strides = array<i32>} : memref<160xi32, #tpu.memory_space<vmem>>, vector<16xi32>,
        %min3A_1113 = arith.minsi %get3A_1110, %get3A_1112 : vector<16xi32>
        %get3A_1114 = arith.constant 32 : index
        %get3A_1115 = tpu.vector_load %arg20[%get3A_1114] {strides = array<i32>} : memref<160xi32, #tpu.memory_space<vmem>>, vector<16xi32>,
        %min3A_1116 = arith.minsi %min3A_1113, %get3A_1115 : vector<16xi32>
        %get3A_1117 = arith.constant 48 : index
        %get3A_1118 = tpu.vector_load %arg20[%get3A_1117] {strides = array<i32>} : memref<160xi32, #tpu.memory_space<vmem>>, vector<16xi32>,
        %min3A_1119 = arith.minsi %min3A_1116, %get3A_1118 : vector<16xi32>
        %get3A_1120 = arith.constant 64 : index
        %get3A_1121 = tpu.vector_load %arg20[%get3A_1120] {strides = array<i32>} : memref<160xi32, #tpu.memory_space<vmem>>, vector<16xi32>,
        %min3A_1122 = arith.minsi %min3A_1119, %get3A_1121 : vector<16xi32>
        %get3A_1123 = arith.constant 80 : index
        %get3A_1124 = tpu.vector_load %arg20[%get3A_1123] {strides = array<i32>} : memref<160xi32, #tpu.memory_space<vmem>>, vector<16xi32>,
        %min3A_1125 = arith.minsi %min3A_1122, %get3A_1124 : vector<16xi32>
        %get3A_1126 = arith.constant 96 : index
        %get3A_1127 = tpu.vector_load %arg20[%get3A_1126] {strides = array<i32>} : memref<160xi32, #tpu.memory_space<vmem>>, vector<16xi32>,
        %min3A_1128 = arith.minsi %min3A_1125, %get3A_1127 : vector<16xi32>
        %get3A_1129 = arith.constant 112 : index
        %get3A_1130 = tpu.vector_load %arg20[%get3A_1129] {strides = array<i32>} : memref<160xi32, #tpu.memory_space<vmem>>, vector<16xi32>,
        %min3A_1131 = arith.minsi %min3A_1128, %get3A_1130 : vector<16xi32>
        %get3A_1132 = arith.constant 128 : index
        %get3A_1133 = tpu.vector_load %arg20[%get3A_1132] {strides = array<i32>} : memref<160xi32, #tpu.memory_space<vmem>>, vector<16xi32>,
        %min3A_1134 = arith.minsi %min3A_1131, %get3A_1133 : vector<16xi32>
        %get3A_1135 = arith.constant 144 : index
        %get3A_1136 = tpu.vector_load %arg20[%get3A_1135] {strides = array<i32>} : memref<160xi32, #tpu.memory_space<vmem>>, vector<16xi32>,
        %min3A_1137 = arith.minsi %min3A_1134, %get3A_1136 : vector<16xi32>
        %reduce_min3A_1138 = arith.constant true
        %reduce_min3A_1139 = vector.broadcast %reduce_min3A_1138 : i1 to vector<16xi1>
        %reduce_min3A_1140 = arith.constant -2147483648 : i32
        %reduce_min3A_1141 = vector.broadcast %reduce_min3A_1140 : i32 to vector<16xi32>
        %reduce_min3A_1142 = arith.xori %min3A_1137, %reduce_min3A_1141 : vector<16xi32>
        %reduce_min3A_1143 = tpu.scan <min>, %reduce_min3A_1142 masked %reduce_min3A_1139 : vector<16xi32>, vector<16xi1> -> vector<16xi32>
        %reduce_min3A_1144 = arith.xori %reduce_min3A_1143, %reduce_min3A_1141 : vector<16xi32>
        %reduce_min3A_1145 = vector.extract %reduce_min3A_1144[15] : i32 from vector<16xi32>
        %broadcast_in_dim3A_1146 = vector.broadcast %reduce_min3A_1145 : i32 to vector<16xi32>
        %get3A_1147 = arith.constant 0 : index
        %get3A_1148 = tpu.vector_load %arg21[%get3A_1147] {strides = array<i32>} : memref<160xi32, #tpu.memory_space<vmem>>, vector<16xi32>,
        %eq3A_1149 = arith.cmpi eq, %get3A_1110, %broadcast_in_dim3A_1146 : vector<16xi32>
        %broadcast_in_dim3A_1150 = arith.constant 2147483647 : i32
        %broadcast_in_dim3A_1151 = vector.broadcast %broadcast_in_dim3A_1150 : i32 to vector<16xi32>
        %select_n3A_1152 = arith.select %eq3A_1149, %get3A_1148, %broadcast_in_dim3A_1151 : vector<16xi1>, vector<16xi32>
        %get3A_1153 = arith.constant 16 : index
        %get3A_1154 = tpu.vector_load %arg21[%get3A_1153] {strides = array<i32>} : memref<160xi32, #tpu.memory_space<vmem>>, vector<16xi32>,
        %eq3A_1155 = arith.cmpi eq, %get3A_1112, %broadcast_in_dim3A_1146 : vector<16xi32>
        %broadcast_in_dim3A_1156 = arith.constant 2147483647 : i32
        %broadcast_in_dim3A_1157 = vector.broadcast %broadcast_in_dim3A_1156 : i32 to vector<16xi32>
        %select_n3A_1158 = arith.select %eq3A_1155, %get3A_1154, %broadcast_in_dim3A_1157 : vector<16xi1>, vector<16xi32>
        %min3A_1159 = arith.minsi %select_n3A_1152, %select_n3A_1158 : vector<16xi32>
        %get3A_1160 = arith.constant 32 : index
        %get3A_1161 = tpu.vector_load %arg21[%get3A_1160] {strides = array<i32>} : memref<160xi32, #tpu.memory_space<vmem>>, vector<16xi32>,
        %eq3A_1162 = arith.cmpi eq, %get3A_1115, %broadcast_in_dim3A_1146 : vector<16xi32>
        %broadcast_in_dim3A_1163 = arith.constant 2147483647 : i32
        %broadcast_in_dim3A_1164 = vector.broadcast %broadcast_in_dim3A_1163 : i32 to vector<16xi32>
        %select_n3A_1165 = arith.select %eq3A_1162, %get3A_1161, %broadcast_in_dim3A_1164 : vector<16xi1>, vector<16xi32>
        %min3A_1166 = arith.minsi %min3A_1159, %select_n3A_1165 : vector<16xi32>
        %get3A_1167 = arith.constant 48 : index
        %get3A_1168 = tpu.vector_load %arg21[%get3A_1167] {strides = array<i32>} : memref<160xi32, #tpu.memory_space<vmem>>, vector<16xi32>,
        %eq3A_1169 = arith.cmpi eq, %get3A_1118, %broadcast_in_dim3A_1146 : vector<16xi32>
        %broadcast_in_dim3A_1170 = arith.constant 2147483647 : i32
        %broadcast_in_dim3A_1171 = vector.broadcast %broadcast_in_dim3A_1170 : i32 to vector<16xi32>
        %select_n3A_1172 = arith.select %eq3A_1169, %get3A_1168, %broadcast_in_dim3A_1171 : vector<16xi1>, vector<16xi32>
        %min3A_1173 = arith.minsi %min3A_1166, %select_n3A_1172 : vector<16xi32>
        %get3A_1174 = arith.constant 64 : index
        %get3A_1175 = tpu.vector_load %arg21[%get3A_1174] {strides = array<i32>} : memref<160xi32, #tpu.memory_space<vmem>>, vector<16xi32>,
        %eq3A_1176 = arith.cmpi eq, %get3A_1121, %broadcast_in_dim3A_1146 : vector<16xi32>
        %broadcast_in_dim3A_1177 = arith.constant 2147483647 : i32
        %broadcast_in_dim3A_1178 = vector.broadcast %broadcast_in_dim3A_1177 : i32 to vector<16xi32>
        %select_n3A_1179 = arith.select %eq3A_1176, %get3A_1175, %broadcast_in_dim3A_1178 : vector<16xi1>, vector<16xi32>
        %min3A_1180 = arith.minsi %min3A_1173, %select_n3A_1179 : vector<16xi32>
        %get3A_1181 = arith.constant 80 : index
        %get3A_1182 = tpu.vector_load %arg21[%get3A_1181] {strides = array<i32>} : memref<160xi32, #tpu.memory_space<vmem>>, vector<16xi32>,
        %eq3A_1183 = arith.cmpi eq, %get3A_1124, %broadcast_in_dim3A_1146 : vector<16xi32>
        %broadcast_in_dim3A_1184 = arith.constant 2147483647 : i32
        %broadcast_in_dim3A_1185 = vector.broadcast %broadcast_in_dim3A_1184 : i32 to vector<16xi32>
        %select_n3A_1186 = arith.select %eq3A_1183, %get3A_1182, %broadcast_in_dim3A_1185 : vector<16xi1>, vector<16xi32>
        %min3A_1187 = arith.minsi %min3A_1180, %select_n3A_1186 : vector<16xi32>
        %get3A_1188 = arith.constant 96 : index
        %get3A_1189 = tpu.vector_load %arg21[%get3A_1188] {strides = array<i32>} : memref<160xi32, #tpu.memory_space<vmem>>, vector<16xi32>,
        %eq3A_1190 = arith.cmpi eq, %get3A_1127, %broadcast_in_dim3A_1146 : vector<16xi32>
        %broadcast_in_dim3A_1191 = arith.constant 2147483647 : i32
        %broadcast_in_dim3A_1192 = vector.broadcast %broadcast_in_dim3A_1191 : i32 to vector<16xi32>
        %select_n3A_1193 = arith.select %eq3A_1190, %get3A_1189, %broadcast_in_dim3A_1192 : vector<16xi1>, vector<16xi32>
        %min3A_1194 = arith.minsi %min3A_1187, %select_n3A_1193 : vector<16xi32>
        %get3A_1195 = arith.constant 112 : index
        %get3A_1196 = tpu.vector_load %arg21[%get3A_1195] {strides = array<i32>} : memref<160xi32, #tpu.memory_space<vmem>>, vector<16xi32>,
        %eq3A_1197 = arith.cmpi eq, %get3A_1130, %broadcast_in_dim3A_1146 : vector<16xi32>
        %broadcast_in_dim3A_1198 = arith.constant 2147483647 : i32
        %broadcast_in_dim3A_1199 = vector.broadcast %broadcast_in_dim3A_1198 : i32 to vector<16xi32>
        %select_n3A_1200 = arith.select %eq3A_1197, %get3A_1196, %broadcast_in_dim3A_1199 : vector<16xi1>, vector<16xi32>
        %min3A_1201 = arith.minsi %min3A_1194, %select_n3A_1200 : vector<16xi32>
        %get3A_1202 = arith.constant 128 : index
        %get3A_1203 = tpu.vector_load %arg21[%get3A_1202] {strides = array<i32>} : memref<160xi32, #tpu.memory_space<vmem>>, vector<16xi32>,
        %eq3A_1204 = arith.cmpi eq, %get3A_1133, %broadcast_in_dim3A_1146 : vector<16xi32>
        %broadcast_in_dim3A_1205 = arith.constant 2147483647 : i32
        %broadcast_in_dim3A_1206 = vector.broadcast %broadcast_in_dim3A_1205 : i32 to vector<16xi32>
        %select_n3A_1207 = arith.select %eq3A_1204, %get3A_1203, %broadcast_in_dim3A_1206 : vector<16xi1>, vector<16xi32>
        %min3A_1208 = arith.minsi %min3A_1201, %select_n3A_1207 : vector<16xi32>
        %get3A_1209 = arith.constant 144 : index
        %get3A_1210 = tpu.vector_load %arg21[%get3A_1209] {strides = array<i32>} : memref<160xi32, #tpu.memory_space<vmem>>, vector<16xi32>,
        %eq3A_1211 = arith.cmpi eq, %get3A_1136, %broadcast_in_dim3A_1146 : vector<16xi32>
        %broadcast_in_dim3A_1212 = arith.constant 2147483647 : i32
        %broadcast_in_dim3A_1213 = vector.broadcast %broadcast_in_dim3A_1212 : i32 to vector<16xi32>
        %select_n3A_1214 = arith.select %eq3A_1211, %get3A_1210, %broadcast_in_dim3A_1213 : vector<16xi1>, vector<16xi32>
        %min3A_1215 = arith.minsi %min3A_1208, %select_n3A_1214 : vector<16xi32>
        %reduce_min3A_1216 = arith.constant true
        %reduce_min3A_1217 = vector.broadcast %reduce_min3A_1216 : i1 to vector<16xi1>
        %reduce_min3A_1218 = arith.constant -2147483648 : i32
        %reduce_min3A_1219 = vector.broadcast %reduce_min3A_1218 : i32 to vector<16xi32>
        %reduce_min3A_1220 = arith.xori %min3A_1215, %reduce_min3A_1219 : vector<16xi32>
        %reduce_min3A_1221 = tpu.scan <min>, %reduce_min3A_1220 masked %reduce_min3A_1217 : vector<16xi32>, vector<16xi1> -> vector<16xi32>
        %reduce_min3A_1222 = arith.xori %reduce_min3A_1221, %reduce_min3A_1219 : vector<16xi32>
        %reduce_min3A_1223 = vector.extract %reduce_min3A_1222[15] : i32 from vector<16xi32>
        %broadcast_in_dim3A_1224 = vector.broadcast %reduce_min3A_1223 : i32 to vector<16xi32>
        %broadcast_in_dim3A_1225 = vector.broadcast %scan3A_1107 : i32 to vector<16xi32>
        %eq3A_1226 = arith.constant 0 : i32
        %eq3A_1227 = vector.broadcast %eq3A_1226 : i32 to vector<16xi32>
        %eq3A_1228 = arith.cmpi eq, %iota3A, %eq3A_1227 : vector<16xi32>
        tpu.vector_store_idx %arg22[%broadcast_in_dim3A_1225], %broadcast_in_dim3A_1224 masked %eq3A_1228 : memref<32xi32, #tpu.memory_space<vmem>>[vector<16xi32>], vector<16xi32>, vector<16xi1>
        %eq3A_1229 = arith.cmpi eq, %get3A_1110, %broadcast_in_dim3A_1146 : vector<16xi32>
        %eq3A_1230 = arith.cmpi eq, %get3A_1148, %broadcast_in_dim3A_1224 : vector<16xi32>
        %and3A_1231 = arith.andi %eq3A_1229, %eq3A_1230 : vector<16xi1>
        %broadcast_in_dim3A_1232 = arith.constant 2147483647 : i32
        %broadcast_in_dim3A_1233 = vector.broadcast %broadcast_in_dim3A_1232 : i32 to vector<16xi32>
        %select_n3A_1234 = arith.select %and3A_1231, %broadcast_in_dim3A_1233, %get3A_1110 : vector<16xi1>, vector<16xi32>
        %swap3A_1235 = arith.constant 0 : index
        %swap3A_1236 = tpu.vector_load %arg20[%swap3A_1235] {strides = array<i32>} : memref<160xi32, #tpu.memory_space<vmem>>, vector<16xi32>,
        tpu.vector_store %arg20[%swap3A_1235], %select_n3A_1234 {strides = array<i32>} : memref<160xi32, #tpu.memory_space<vmem>>, vector<16xi32>,
        %eq3A_1237 = arith.cmpi eq, %get3A_1112, %broadcast_in_dim3A_1146 : vector<16xi32>
        %eq3A_1238 = arith.cmpi eq, %get3A_1154, %broadcast_in_dim3A_1224 : vector<16xi32>
        %and3A_1239 = arith.andi %eq3A_1237, %eq3A_1238 : vector<16xi1>
        %broadcast_in_dim3A_1240 = arith.constant 2147483647 : i32
        %broadcast_in_dim3A_1241 = vector.broadcast %broadcast_in_dim3A_1240 : i32 to vector<16xi32>
        %select_n3A_1242 = arith.select %and3A_1239, %broadcast_in_dim3A_1241, %get3A_1112 : vector<16xi1>, vector<16xi32>
        %swap3A_1243 = arith.constant 16 : index
        %swap3A_1244 = tpu.vector_load %arg20[%swap3A_1243] {strides = array<i32>} : memref<160xi32, #tpu.memory_space<vmem>>, vector<16xi32>,
        tpu.vector_store %arg20[%swap3A_1243], %select_n3A_1242 {strides = array<i32>} : memref<160xi32, #tpu.memory_space<vmem>>, vector<16xi32>,
        %eq3A_1245 = arith.cmpi eq, %get3A_1115, %broadcast_in_dim3A_1146 : vector<16xi32>
        %eq3A_1246 = arith.cmpi eq, %get3A_1161, %broadcast_in_dim3A_1224 : vector<16xi32>
        %and3A_1247 = arith.andi %eq3A_1245, %eq3A_1246 : vector<16xi1>
        %broadcast_in_dim3A_1248 = arith.constant 2147483647 : i32
        %broadcast_in_dim3A_1249 = vector.broadcast %broadcast_in_dim3A_1248 : i32 to vector<16xi32>
        %select_n3A_1250 = arith.select %and3A_1247, %broadcast_in_dim3A_1249, %get3A_1115 : vector<16xi1>, vector<16xi32>
        %swap3A_1251 = arith.constant 32 : index
        %swap3A_1252 = tpu.vector_load %arg20[%swap3A_1251] {strides = array<i32>} : memref<160xi32, #tpu.memory_space<vmem>>, vector<16xi32>,
        tpu.vector_store %arg20[%swap3A_1251], %select_n3A_1250 {strides = array<i32>} : memref<160xi32, #tpu.memory_space<vmem>>, vector<16xi32>,
        %eq3A_1253 = arith.cmpi eq, %get3A_1118, %broadcast_in_dim3A_1146 : vector<16xi32>
        %eq3A_1254 = arith.cmpi eq, %get3A_1168, %broadcast_in_dim3A_1224 : vector<16xi32>
        %and3A_1255 = arith.andi %eq3A_1253, %eq3A_1254 : vector<16xi1>
        %broadcast_in_dim3A_1256 = arith.constant 2147483647 : i32
        %broadcast_in_dim3A_1257 = vector.broadcast %broadcast_in_dim3A_1256 : i32 to vector<16xi32>
        %select_n3A_1258 = arith.select %and3A_1255, %broadcast_in_dim3A_1257, %get3A_1118 : vector<16xi1>, vector<16xi32>
        %swap3A_1259 = arith.constant 48 : index
        %swap3A_1260 = tpu.vector_load %arg20[%swap3A_1259] {strides = array<i32>} : memref<160xi32, #tpu.memory_space<vmem>>, vector<16xi32>,
        tpu.vector_store %arg20[%swap3A_1259], %select_n3A_1258 {strides = array<i32>} : memref<160xi32, #tpu.memory_space<vmem>>, vector<16xi32>,
        %eq3A_1261 = arith.cmpi eq, %get3A_1121, %broadcast_in_dim3A_1146 : vector<16xi32>
        %eq3A_1262 = arith.cmpi eq, %get3A_1175, %broadcast_in_dim3A_1224 : vector<16xi32>
        %and3A_1263 = arith.andi %eq3A_1261, %eq3A_1262 : vector<16xi1>
        %broadcast_in_dim3A_1264 = arith.constant 2147483647 : i32
        %broadcast_in_dim3A_1265 = vector.broadcast %broadcast_in_dim3A_1264 : i32 to vector<16xi32>
        %select_n3A_1266 = arith.select %and3A_1263, %broadcast_in_dim3A_1265, %get3A_1121 : vector<16xi1>, vector<16xi32>
        %swap3A_1267 = arith.constant 64 : index
        %swap3A_1268 = tpu.vector_load %arg20[%swap3A_1267] {strides = array<i32>} : memref<160xi32, #tpu.memory_space<vmem>>, vector<16xi32>,
        tpu.vector_store %arg20[%swap3A_1267], %select_n3A_1266 {strides = array<i32>} : memref<160xi32, #tpu.memory_space<vmem>>, vector<16xi32>,
        %eq3A_1269 = arith.cmpi eq, %get3A_1124, %broadcast_in_dim3A_1146 : vector<16xi32>
        %eq3A_1270 = arith.cmpi eq, %get3A_1182, %broadcast_in_dim3A_1224 : vector<16xi32>
        %and3A_1271 = arith.andi %eq3A_1269, %eq3A_1270 : vector<16xi1>
        %broadcast_in_dim3A_1272 = arith.constant 2147483647 : i32
        %broadcast_in_dim3A_1273 = vector.broadcast %broadcast_in_dim3A_1272 : i32 to vector<16xi32>
        %select_n3A_1274 = arith.select %and3A_1271, %broadcast_in_dim3A_1273, %get3A_1124 : vector<16xi1>, vector<16xi32>
        %swap3A_1275 = arith.constant 80 : index
        %swap3A_1276 = tpu.vector_load %arg20[%swap3A_1275] {strides = array<i32>} : memref<160xi32, #tpu.memory_space<vmem>>, vector<16xi32>,
        tpu.vector_store %arg20[%swap3A_1275], %select_n3A_1274 {strides = array<i32>} : memref<160xi32, #tpu.memory_space<vmem>>, vector<16xi32>,
        %eq3A_1277 = arith.cmpi eq, %get3A_1127, %broadcast_in_dim3A_1146 : vector<16xi32>
        %eq3A_1278 = arith.cmpi eq, %get3A_1189, %broadcast_in_dim3A_1224 : vector<16xi32>
        %and3A_1279 = arith.andi %eq3A_1277, %eq3A_1278 : vector<16xi1>
        %broadcast_in_dim3A_1280 = arith.constant 2147483647 : i32
        %broadcast_in_dim3A_1281 = vector.broadcast %broadcast_in_dim3A_1280 : i32 to vector<16xi32>
        %select_n3A_1282 = arith.select %and3A_1279, %broadcast_in_dim3A_1281, %get3A_1127 : vector<16xi1>, vector<16xi32>
        %swap3A_1283 = arith.constant 96 : index
        %swap3A_1284 = tpu.vector_load %arg20[%swap3A_1283] {strides = array<i32>} : memref<160xi32, #tpu.memory_space<vmem>>, vector<16xi32>,
        tpu.vector_store %arg20[%swap3A_1283], %select_n3A_1282 {strides = array<i32>} : memref<160xi32, #tpu.memory_space<vmem>>, vector<16xi32>,
        %eq3A_1285 = arith.cmpi eq, %get3A_1130, %broadcast_in_dim3A_1146 : vector<16xi32>
        %eq3A_1286 = arith.cmpi eq, %get3A_1196, %broadcast_in_dim3A_1224 : vector<16xi32>
        %and3A_1287 = arith.andi %eq3A_1285, %eq3A_1286 : vector<16xi1>
        %broadcast_in_dim3A_1288 = arith.constant 2147483647 : i32
        %broadcast_in_dim3A_1289 = vector.broadcast %broadcast_in_dim3A_1288 : i32 to vector<16xi32>
        %select_n3A_1290 = arith.select %and3A_1287, %broadcast_in_dim3A_1289, %get3A_1130 : vector<16xi1>, vector<16xi32>
        %swap3A_1291 = arith.constant 112 : index
        %swap3A_1292 = tpu.vector_load %arg20[%swap3A_1291] {strides = array<i32>} : memref<160xi32, #tpu.memory_space<vmem>>, vector<16xi32>,
        tpu.vector_store %arg20[%swap3A_1291], %select_n3A_1290 {strides = array<i32>} : memref<160xi32, #tpu.memory_space<vmem>>, vector<16xi32>,
        %eq3A_1293 = arith.cmpi eq, %get3A_1133, %broadcast_in_dim3A_1146 : vector<16xi32>
        %eq3A_1294 = arith.cmpi eq, %get3A_1203, %broadcast_in_dim3A_1224 : vector<16xi32>
        %and3A_1295 = arith.andi %eq3A_1293, %eq3A_1294 : vector<16xi1>
        %broadcast_in_dim3A_1296 = arith.constant 2147483647 : i32
        %broadcast_in_dim3A_1297 = vector.broadcast %broadcast_in_dim3A_1296 : i32 to vector<16xi32>
        %select_n3A_1298 = arith.select %and3A_1295, %broadcast_in_dim3A_1297, %get3A_1133 : vector<16xi1>, vector<16xi32>
        %swap3A_1299 = arith.constant 128 : index
        %swap3A_1300 = tpu.vector_load %arg20[%swap3A_1299] {strides = array<i32>} : memref<160xi32, #tpu.memory_space<vmem>>, vector<16xi32>,
        tpu.vector_store %arg20[%swap3A_1299], %select_n3A_1298 {strides = array<i32>} : memref<160xi32, #tpu.memory_space<vmem>>, vector<16xi32>,
        %eq3A_1301 = arith.cmpi eq, %get3A_1136, %broadcast_in_dim3A_1146 : vector<16xi32>
        %eq3A_1302 = arith.cmpi eq, %get3A_1210, %broadcast_in_dim3A_1224 : vector<16xi32>
        %and3A_1303 = arith.andi %eq3A_1301, %eq3A_1302 : vector<16xi1>
        %broadcast_in_dim3A_1304 = arith.constant 2147483647 : i32
        %broadcast_in_dim3A_1305 = vector.broadcast %broadcast_in_dim3A_1304 : i32 to vector<16xi32>
        %select_n3A_1306 = arith.select %and3A_1303, %broadcast_in_dim3A_1305, %get3A_1136 : vector<16xi1>, vector<16xi32>
        %swap3A_1307 = arith.constant 144 : index
        %swap3A_1308 = tpu.vector_load %arg20[%swap3A_1307] {strides = array<i32>} : memref<160xi32, #tpu.memory_space<vmem>>, vector<16xi32>,
        tpu.vector_store %arg20[%swap3A_1307], %select_n3A_1306 {strides = array<i32>} : memref<160xi32, #tpu.memory_space<vmem>>, vector<16xi32>,
        %scan3A_1309 = arith.constant 0 : i32
        scf.yield %scan3A_1309 : i32
      }
      %scan3A_919 = arith.constant 32 : i32
      %get3A_920 = arith.constant 0 : index
      %get3A_921 = tpu.vector_load %arg22[%get3A_920] {strides = array<i32>} : memref<32xi32, #tpu.memory_space<vmem>>, vector<16xi32>,
      %gather3A_922 = tpu.vector_load_idx %arg11[%get3A_921] : memref<8192xf32, #tpu.memory_space<vmem>>[vector<16xi32>], vector<16xf32>,
      %gather3A_923 = tpu.vector_load_idx %arg12[%get3A_921] : memref<8192xf32, #tpu.memory_space<vmem>>[vector<16xi32>], vector<16xf32>,
      %gather3A_924 = tpu.vector_load_idx %arg13[%get3A_921] : memref<8192xf32, #tpu.memory_space<vmem>>[vector<16xi32>], vector<16xf32>,
      %mul3A_925 = arith.constant 32 : i32
      %mul3A_926 = arith.muli %mul3A_58, %mul3A_925 : i32
      %add3A_927 = arith.constant 0 : i32
      %add3A_928 = arith.addi %mul3A_926, %add3A_927 : i32
      %add3A_929 = vector.broadcast %add3A_928 : i32 to vector<16xi32>
      %add3A_930 = arith.addi %add3A_929, %iota3A : vector<16xi32>
      %mul3A_931 = arith.constant 3 : i32
      %mul3A_932 = vector.broadcast %mul3A_931 : i32 to vector<16xi32>
      %mul3A_933 = arith.muli %add3A_930, %mul3A_932 : vector<16xi32>
      %sub3A_934 = arith.subf %gather3A_922, %gather3A : vector<16xf32>
      tpu.vector_store_idx %arg23[%mul3A_933], %sub3A_934 : memref<12288xf32, #tpu.memory_space<vmem>>[vector<16xi32>], vector<16xf32>,
      %add3A_935 = arith.constant 1 : i32
      %add3A_936 = vector.broadcast %add3A_935 : i32 to vector<16xi32>
      %add3A_937 = arith.addi %mul3A_933, %add3A_936 : vector<16xi32>
      %sub3A_938 = arith.subf %gather3A_923, %gather3A_69 : vector<16xf32>
      tpu.vector_store_idx %arg23[%add3A_937], %sub3A_938 : memref<12288xf32, #tpu.memory_space<vmem>>[vector<16xi32>], vector<16xf32>,
      %add3A_939 = arith.constant 2 : i32
      %add3A_940 = vector.broadcast %add3A_939 : i32 to vector<16xi32>
      %add3A_941 = arith.addi %mul3A_933, %add3A_940 : vector<16xi32>
      %sub3A_942 = arith.subf %gather3A_924, %gather3A_73 : vector<16xf32>
      tpu.vector_store_idx %arg23[%add3A_941], %sub3A_942 : memref<12288xf32, #tpu.memory_space<vmem>>[vector<16xi32>], vector<16xf32>,
      %get3A_943 = arith.constant 16 : index
      %get3A_944 = tpu.vector_load %arg22[%get3A_943] {strides = array<i32>} : memref<32xi32, #tpu.memory_space<vmem>>, vector<16xi32>,
      %gather3A_945 = tpu.vector_load_idx %arg11[%get3A_944] : memref<8192xf32, #tpu.memory_space<vmem>>[vector<16xi32>], vector<16xf32>,
      %gather3A_946 = tpu.vector_load_idx %arg12[%get3A_944] : memref<8192xf32, #tpu.memory_space<vmem>>[vector<16xi32>], vector<16xf32>,
      %gather3A_947 = tpu.vector_load_idx %arg13[%get3A_944] : memref<8192xf32, #tpu.memory_space<vmem>>[vector<16xi32>], vector<16xf32>,
      %mul3A_948 = arith.constant 32 : i32
      %mul3A_949 = arith.muli %mul3A_58, %mul3A_948 : i32
      %add3A_950 = arith.constant 16 : i32
      %add3A_951 = arith.addi %mul3A_949, %add3A_950 : i32
      %add3A_952 = vector.broadcast %add3A_951 : i32 to vector<16xi32>
      %add3A_953 = arith.addi %add3A_952, %iota3A : vector<16xi32>
      %mul3A_954 = arith.constant 3 : i32
      %mul3A_955 = vector.broadcast %mul3A_954 : i32 to vector<16xi32>
      %mul3A_956 = arith.muli %add3A_953, %mul3A_955 : vector<16xi32>
      %sub3A_957 = arith.subf %gather3A_945, %gather3A : vector<16xf32>
      tpu.vector_store_idx %arg23[%mul3A_956], %sub3A_957 : memref<12288xf32, #tpu.memory_space<vmem>>[vector<16xi32>], vector<16xf32>,
      %add3A_958 = arith.constant 1 : i32
      %add3A_959 = vector.broadcast %add3A_958 : i32 to vector<16xi32>
      %add3A_960 = arith.addi %mul3A_956, %add3A_959 : vector<16xi32>
      %sub3A_961 = arith.subf %gather3A_946, %gather3A_69 : vector<16xf32>
      tpu.vector_store_idx %arg23[%add3A_960], %sub3A_961 : memref<12288xf32, #tpu.memory_space<vmem>>[vector<16xi32>], vector<16xf32>,
      %add3A_962 = arith.constant 2 : i32
      %add3A_963 = vector.broadcast %add3A_962 : i32 to vector<16xi32>
      %add3A_964 = arith.addi %mul3A_956, %add3A_963 : vector<16xi32>
      %sub3A_965 = arith.subf %gather3A_947, %gather3A_73 : vector<16xf32>
      tpu.vector_store_idx %arg23[%add3A_964], %sub3A_965 : memref<12288xf32, #tpu.memory_space<vmem>>[vector<16xi32>], vector<16xf32>,
      %broadcast_in_dim3A_966 = arith.constant 2147483647 : i32
      %broadcast_in_dim3A_967 = vector.broadcast %broadcast_in_dim3A_966 : i32 to vector<16xi32>
      %swap3A_968 = arith.constant 0 : index
      %swap3A_969 = tpu.vector_load %arg20[%swap3A_968] {strides = array<i32>} : memref<160xi32, #tpu.memory_space<vmem>>, vector<16xi32>,
      tpu.vector_store %arg20[%swap3A_968], %broadcast_in_dim3A_967 {strides = array<i32>} : memref<160xi32, #tpu.memory_space<vmem>>, vector<16xi32>,
      %broadcast_in_dim3A_970 = arith.constant 2147483647 : i32
      %broadcast_in_dim3A_971 = vector.broadcast %broadcast_in_dim3A_970 : i32 to vector<16xi32>
      %swap3A_972 = arith.constant 0 : index
      %swap3A_973 = tpu.vector_load %arg21[%swap3A_972] {strides = array<i32>} : memref<160xi32, #tpu.memory_space<vmem>>, vector<16xi32>,
      tpu.vector_store %arg21[%swap3A_972], %broadcast_in_dim3A_971 {strides = array<i32>} : memref<160xi32, #tpu.memory_space<vmem>>, vector<16xi32>,
      %broadcast_in_dim3A_974 = arith.constant 2147483647 : i32
      %broadcast_in_dim3A_975 = vector.broadcast %broadcast_in_dim3A_974 : i32 to vector<16xi32>
      %swap3A_976 = arith.constant 16 : index
      %swap3A_977 = tpu.vector_load %arg20[%swap3A_976] {strides = array<i32>} : memref<160xi32, #tpu.memory_space<vmem>>, vector<16xi32>,
      tpu.vector_store %arg20[%swap3A_976], %broadcast_in_dim3A_975 {strides = array<i32>} : memref<160xi32, #tpu.memory_space<vmem>>, vector<16xi32>,
      %broadcast_in_dim3A_978 = arith.constant 2147483647 : i32
      %broadcast_in_dim3A_979 = vector.broadcast %broadcast_in_dim3A_978 : i32 to vector<16xi32>
      %swap3A_980 = arith.constant 16 : index
      %swap3A_981 = tpu.vector_load %arg21[%swap3A_980] {strides = array<i32>} : memref<160xi32, #tpu.memory_space<vmem>>, vector<16xi32>,
      tpu.vector_store %arg21[%swap3A_980], %broadcast_in_dim3A_979 {strides = array<i32>} : memref<160xi32, #tpu.memory_space<vmem>>, vector<16xi32>,
      %broadcast_in_dim3A_982 = arith.constant 2147483647 : i32
      %broadcast_in_dim3A_983 = vector.broadcast %broadcast_in_dim3A_982 : i32 to vector<16xi32>
      %swap3A_984 = arith.constant 32 : index
      %swap3A_985 = tpu.vector_load %arg20[%swap3A_984] {strides = array<i32>} : memref<160xi32, #tpu.memory_space<vmem>>, vector<16xi32>,
      tpu.vector_store %arg20[%swap3A_984], %broadcast_in_dim3A_983 {strides = array<i32>} : memref<160xi32, #tpu.memory_space<vmem>>, vector<16xi32>,
      %broadcast_in_dim3A_986 = arith.constant 2147483647 : i32
      %broadcast_in_dim3A_987 = vector.broadcast %broadcast_in_dim3A_986 : i32 to vector<16xi32>
      %swap3A_988 = arith.constant 32 : index
      %swap3A_989 = tpu.vector_load %arg21[%swap3A_988] {strides = array<i32>} : memref<160xi32, #tpu.memory_space<vmem>>, vector<16xi32>,
      tpu.vector_store %arg21[%swap3A_988], %broadcast_in_dim3A_987 {strides = array<i32>} : memref<160xi32, #tpu.memory_space<vmem>>, vector<16xi32>,
      %broadcast_in_dim3A_990 = arith.constant 2147483647 : i32
      %broadcast_in_dim3A_991 = vector.broadcast %broadcast_in_dim3A_990 : i32 to vector<16xi32>
      %swap3A_992 = arith.constant 48 : index
      %swap3A_993 = tpu.vector_load %arg20[%swap3A_992] {strides = array<i32>} : memref<160xi32, #tpu.memory_space<vmem>>, vector<16xi32>,
      tpu.vector_store %arg20[%swap3A_992], %broadcast_in_dim3A_991 {strides = array<i32>} : memref<160xi32, #tpu.memory_space<vmem>>, vector<16xi32>,
      %broadcast_in_dim3A_994 = arith.constant 2147483647 : i32
      %broadcast_in_dim3A_995 = vector.broadcast %broadcast_in_dim3A_994 : i32 to vector<16xi32>
      %swap3A_996 = arith.constant 48 : index
      %swap3A_997 = tpu.vector_load %arg21[%swap3A_996] {strides = array<i32>} : memref<160xi32, #tpu.memory_space<vmem>>, vector<16xi32>,
      tpu.vector_store %arg21[%swap3A_996], %broadcast_in_dim3A_995 {strides = array<i32>} : memref<160xi32, #tpu.memory_space<vmem>>, vector<16xi32>,
      %broadcast_in_dim3A_998 = arith.constant 2147483647 : i32
      %broadcast_in_dim3A_999 = vector.broadcast %broadcast_in_dim3A_998 : i32 to vector<16xi32>
      %swap3A_1000 = arith.constant 64 : index
      %swap3A_1001 = tpu.vector_load %arg20[%swap3A_1000] {strides = array<i32>} : memref<160xi32, #tpu.memory_space<vmem>>, vector<16xi32>,
      tpu.vector_store %arg20[%swap3A_1000], %broadcast_in_dim3A_999 {strides = array<i32>} : memref<160xi32, #tpu.memory_space<vmem>>, vector<16xi32>,
      %broadcast_in_dim3A_1002 = arith.constant 2147483647 : i32
      %broadcast_in_dim3A_1003 = vector.broadcast %broadcast_in_dim3A_1002 : i32 to vector<16xi32>
      %swap3A_1004 = arith.constant 64 : index
      %swap3A_1005 = tpu.vector_load %arg21[%swap3A_1004] {strides = array<i32>} : memref<160xi32, #tpu.memory_space<vmem>>, vector<16xi32>,
      tpu.vector_store %arg21[%swap3A_1004], %broadcast_in_dim3A_1003 {strides = array<i32>} : memref<160xi32, #tpu.memory_space<vmem>>, vector<16xi32>,
      %broadcast_in_dim3A_1006 = arith.constant 2147483647 : i32
      %broadcast_in_dim3A_1007 = vector.broadcast %broadcast_in_dim3A_1006 : i32 to vector<16xi32>
      %swap3A_1008 = arith.constant 80 : index
      %swap3A_1009 = tpu.vector_load %arg20[%swap3A_1008] {strides = array<i32>} : memref<160xi32, #tpu.memory_space<vmem>>, vector<16xi32>,
      tpu.vector_store %arg20[%swap3A_1008], %broadcast_in_dim3A_1007 {strides = array<i32>} : memref<160xi32, #tpu.memory_space<vmem>>, vector<16xi32>,
      %broadcast_in_dim3A_1010 = arith.constant 2147483647 : i32
      %broadcast_in_dim3A_1011 = vector.broadcast %broadcast_in_dim3A_1010 : i32 to vector<16xi32>
      %swap3A_1012 = arith.constant 80 : index
      %swap3A_1013 = tpu.vector_load %arg21[%swap3A_1012] {strides = array<i32>} : memref<160xi32, #tpu.memory_space<vmem>>, vector<16xi32>,
      tpu.vector_store %arg21[%swap3A_1012], %broadcast_in_dim3A_1011 {strides = array<i32>} : memref<160xi32, #tpu.memory_space<vmem>>, vector<16xi32>,
      %broadcast_in_dim3A_1014 = arith.constant 2147483647 : i32
      %broadcast_in_dim3A_1015 = vector.broadcast %broadcast_in_dim3A_1014 : i32 to vector<16xi32>
      %swap3A_1016 = arith.constant 96 : index
      %swap3A_1017 = tpu.vector_load %arg20[%swap3A_1016] {strides = array<i32>} : memref<160xi32, #tpu.memory_space<vmem>>, vector<16xi32>,
      tpu.vector_store %arg20[%swap3A_1016], %broadcast_in_dim3A_1015 {strides = array<i32>} : memref<160xi32, #tpu.memory_space<vmem>>, vector<16xi32>,
      %broadcast_in_dim3A_1018 = arith.constant 2147483647 : i32
      %broadcast_in_dim3A_1019 = vector.broadcast %broadcast_in_dim3A_1018 : i32 to vector<16xi32>
      %swap3A_1020 = arith.constant 96 : index
      %swap3A_1021 = tpu.vector_load %arg21[%swap3A_1020] {strides = array<i32>} : memref<160xi32, #tpu.memory_space<vmem>>, vector<16xi32>,
      tpu.vector_store %arg21[%swap3A_1020], %broadcast_in_dim3A_1019 {strides = array<i32>} : memref<160xi32, #tpu.memory_space<vmem>>, vector<16xi32>,
      %broadcast_in_dim3A_1022 = arith.constant 2147483647 : i32
      %broadcast_in_dim3A_1023 = vector.broadcast %broadcast_in_dim3A_1022 : i32 to vector<16xi32>
      %swap3A_1024 = arith.constant 112 : index
      %swap3A_1025 = tpu.vector_load %arg20[%swap3A_1024] {strides = array<i32>} : memref<160xi32, #tpu.memory_space<vmem>>, vector<16xi32>,
      tpu.vector_store %arg20[%swap3A_1024], %broadcast_in_dim3A_1023 {strides = array<i32>} : memref<160xi32, #tpu.memory_space<vmem>>, vector<16xi32>,
      %broadcast_in_dim3A_1026 = arith.constant 2147483647 : i32
      %broadcast_in_dim3A_1027 = vector.broadcast %broadcast_in_dim3A_1026 : i32 to vector<16xi32>
      %swap3A_1028 = arith.constant 112 : index
      %swap3A_1029 = tpu.vector_load %arg21[%swap3A_1028] {strides = array<i32>} : memref<160xi32, #tpu.memory_space<vmem>>, vector<16xi32>,
      tpu.vector_store %arg21[%swap3A_1028], %broadcast_in_dim3A_1027 {strides = array<i32>} : memref<160xi32, #tpu.memory_space<vmem>>, vector<16xi32>,
      %broadcast_in_dim3A_1030 = arith.constant 2147483647 : i32
      %broadcast_in_dim3A_1031 = vector.broadcast %broadcast_in_dim3A_1030 : i32 to vector<16xi32>
      %swap3A_1032 = arith.constant 128 : index
      %swap3A_1033 = tpu.vector_load %arg20[%swap3A_1032] {strides = array<i32>} : memref<160xi32, #tpu.memory_space<vmem>>, vector<16xi32>,
      tpu.vector_store %arg20[%swap3A_1032], %broadcast_in_dim3A_1031 {strides = array<i32>} : memref<160xi32, #tpu.memory_space<vmem>>, vector<16xi32>,
      %broadcast_in_dim3A_1034 = arith.constant 2147483647 : i32
      %broadcast_in_dim3A_1035 = vector.broadcast %broadcast_in_dim3A_1034 : i32 to vector<16xi32>
      %swap3A_1036 = arith.constant 128 : index
      %swap3A_1037 = tpu.vector_load %arg21[%swap3A_1036] {strides = array<i32>} : memref<160xi32, #tpu.memory_space<vmem>>, vector<16xi32>,
      tpu.vector_store %arg21[%swap3A_1036], %broadcast_in_dim3A_1035 {strides = array<i32>} : memref<160xi32, #tpu.memory_space<vmem>>, vector<16xi32>,
      %broadcast_in_dim3A_1038 = arith.constant 2147483647 : i32
      %broadcast_in_dim3A_1039 = vector.broadcast %broadcast_in_dim3A_1038 : i32 to vector<16xi32>
      %swap3A_1040 = arith.constant 144 : index
      %swap3A_1041 = tpu.vector_load %arg20[%swap3A_1040] {strides = array<i32>} : memref<160xi32, #tpu.memory_space<vmem>>, vector<16xi32>,
      tpu.vector_store %arg20[%swap3A_1040], %broadcast_in_dim3A_1039 {strides = array<i32>} : memref<160xi32, #tpu.memory_space<vmem>>, vector<16xi32>,
      %broadcast_in_dim3A_1042 = arith.constant 2147483647 : i32
      %broadcast_in_dim3A_1043 = vector.broadcast %broadcast_in_dim3A_1042 : i32 to vector<16xi32>
      %swap3A_1044 = arith.constant 144 : index
      %swap3A_1045 = tpu.vector_load %arg21[%swap3A_1044] {strides = array<i32>} : memref<160xi32, #tpu.memory_space<vmem>>, vector<16xi32>,
      tpu.vector_store %arg21[%swap3A_1044], %broadcast_in_dim3A_1043 {strides = array<i32>} : memref<160xi32, #tpu.memory_space<vmem>>, vector<16xi32>,
      %scan3A_1046 = arith.constant 0 : i32
      %scan3A_1047 = arith.constant 0 : i32
      %scan3A_1048 = arith.constant 256 : i32
      %scan3A_1049 = arith.addi %scan3A_1047, %scan3A_1048 : i32
      %scan3A_1050 = arith.constant 1 : i32
      %scan3A_1051 = scf.for %scan3A_1107 = %scan3A_1047 to %scan3A_1049 step %scan3A_1050 iter_args(%scan3A_1108 = %scan3A_1046) -> (i32)  : i32 {
        %mul3A_1109 = arith.constant 2 : i32
        %mul3A_1110 = arith.muli %scan3A_1107, %mul3A_1109 : i32
        %add3A_1111 = arith.constant 0 : i32
        %add3A_1112 = arith.addi %mul3A_1110, %add3A_1111 : i32
        %mul3A_1113 = arith.constant 16 : i32
        %mul3A_1114 = arith.muli %add3A_1112, %mul3A_1113 : i32
        %get3A_1115 = arith.index_cast %mul3A_1114 : i32 to index
        %get3A_1116 = tpu.vector_load %arg17[%get3A_1115] {strides = array<i32>} : memref<8192xi32, #tpu.memory_space<vmem>>, vector<16xi32>,
        %lt3A_1117 = arith.cmpi ult, %get3A_1116, %shift_left3A_825 : vector<16xi32>
        %xor3A = arith.constant -2147483648 : i32
        %xor3A_1118 = vector.broadcast %xor3A : i32 to vector<16xi32>
        %xor3A_1119 = arith.xori %get3A_1116, %xor3A_1118 : vector<16xi32>
        %bitcast3A_1120 = vector.bitcast %xor3A_1119 : vector<16xi32> to vector<16xi32>
        %mul3A_1121 = arith.constant 16 : i32
        %mul3A_1122 = arith.muli %add3A_1112, %mul3A_1121 : i32
        %add3A_1123 = vector.broadcast %mul3A_1122 : i32 to vector<16xi32>
        %add3A_1124 = arith.addi %add3A_1123, %iota3A : vector<16xi32>
        %swap3A_1125 = arith.index_cast %scan3A_1108 : i32 to index
        %swap3A_1126 = tpu.vector_load %arg20[%swap3A_1125] masked %lt3A_1117 {strides = array<i32>} : memref<160xi32, #tpu.memory_space<vmem>>, vector<16xi32>, vector<16xi1>
        tpu.vector_store %arg20[%swap3A_1125], %bitcast3A_1120 masked %lt3A_1117 {strides = array<i32>} : memref<160xi32, #tpu.memory_space<vmem>>, vector<16xi32>, vector<16xi1>
        %swap3A_1127 = arith.index_cast %scan3A_1108 : i32 to index
        %swap3A_1128 = tpu.vector_load %arg21[%swap3A_1127] masked %lt3A_1117 {strides = array<i32>} : memref<160xi32, #tpu.memory_space<vmem>>, vector<16xi32>, vector<16xi1>
        tpu.vector_store %arg21[%swap3A_1127], %add3A_1124 masked %lt3A_1117 {strides = array<i32>} : memref<160xi32, #tpu.memory_space<vmem>>, vector<16xi32>, vector<16xi1>
        %all_reduce_population_count3A = tpu.all_reduce %lt3A_1117 {dim = 0 : i64, kind = #tpu.reduction_kind<sum>} : vector<16xi1> -> vector<16xi32>
        %slice3A = vector.extract_strided_slice %all_reduce_population_count3A {offsets = [0], sizes = [1], strides = [1]} : vector<16xi32> to vector<1xi32>
        %squeeze3A = vector.extract %slice3A[0] : i32 from vector<1xi32>
        %add3A_1129 = arith.addi %scan3A_1108, %squeeze3A : i32
        %min3A_1130 = arith.constant 144 : i32
        %min3A_1131 = arith.minsi %add3A_1129, %min3A_1130 : i32
        %mul3A_1132 = arith.constant 2 : i32
        %mul3A_1133 = arith.muli %scan3A_1107, %mul3A_1132 : i32
        %add3A_1134 = arith.constant 1 : i32
        %add3A_1135 = arith.addi %mul3A_1133, %add3A_1134 : i32
        %mul3A_1136 = arith.constant 16 : i32
        %mul3A_1137 = arith.muli %add3A_1135, %mul3A_1136 : i32
        %get3A_1138 = arith.index_cast %mul3A_1137 : i32 to index
        %get3A_1139 = tpu.vector_load %arg17[%get3A_1138] {strides = array<i32>} : memref<8192xi32, #tpu.memory_space<vmem>>, vector<16xi32>,
        %lt3A_1140 = arith.cmpi ult, %get3A_1139, %shift_left3A_825 : vector<16xi32>
        %xor3A_1141 = arith.constant -2147483648 : i32
        %xor3A_1142 = vector.broadcast %xor3A_1141 : i32 to vector<16xi32>
        %xor3A_1143 = arith.xori %get3A_1139, %xor3A_1142 : vector<16xi32>
        %bitcast3A_1144 = vector.bitcast %xor3A_1143 : vector<16xi32> to vector<16xi32>
        %mul3A_1145 = arith.constant 16 : i32
        %mul3A_1146 = arith.muli %add3A_1135, %mul3A_1145 : i32
        %add3A_1147 = vector.broadcast %mul3A_1146 : i32 to vector<16xi32>
        %add3A_1148 = arith.addi %add3A_1147, %iota3A : vector<16xi32>
        %swap3A_1149 = arith.index_cast %min3A_1131 : i32 to index
        %swap3A_1150 = tpu.vector_load %arg20[%swap3A_1149] masked %lt3A_1140 {strides = array<i32>} : memref<160xi32, #tpu.memory_space<vmem>>, vector<16xi32>, vector<16xi1>
        tpu.vector_store %arg20[%swap3A_1149], %bitcast3A_1144 masked %lt3A_1140 {strides = array<i32>} : memref<160xi32, #tpu.memory_space<vmem>>, vector<16xi32>, vector<16xi1>
        %swap3A_1151 = arith.index_cast %min3A_1131 : i32 to index
        %swap3A_1152 = tpu.vector_load %arg21[%swap3A_1151] masked %lt3A_1140 {strides = array<i32>} : memref<160xi32, #tpu.memory_space<vmem>>, vector<16xi32>, vector<16xi1>
        tpu.vector_store %arg21[%swap3A_1151], %add3A_1148 masked %lt3A_1140 {strides = array<i32>} : memref<160xi32, #tpu.memory_space<vmem>>, vector<16xi32>, vector<16xi1>
        %all_reduce_population_count3A_1153 = tpu.all_reduce %lt3A_1140 {dim = 0 : i64, kind = #tpu.reduction_kind<sum>} : vector<16xi1> -> vector<16xi32>
        %slice3A_1154 = vector.extract_strided_slice %all_reduce_population_count3A_1153 {offsets = [0], sizes = [1], strides = [1]} : vector<16xi32> to vector<1xi32>
        %squeeze3A_1155 = vector.extract %slice3A_1154[0] : i32 from vector<1xi32>
        %add3A_1156 = arith.addi %min3A_1131, %squeeze3A_1155 : i32
        %min3A_1157 = arith.constant 144 : i32
        %min3A_1158 = arith.minsi %add3A_1156, %min3A_1157 : i32
        scf.yield %min3A_1158 : i32
      }
      %scan3A_1052 = arith.constant 256 : i32
      %scan3A_1053 = arith.constant 0 : i32
      %scan3A_1054 = arith.constant 0 : i32
      %scan3A_1055 = arith.constant 32 : i32
      %scan3A_1056 = arith.addi %scan3A_1054, %scan3A_1055 : i32
      %scan3A_1057 = arith.constant 1 : i32
      %scan3A_1058 = scf.for %scan3A_1107 = %scan3A_1054 to %scan3A_1056 step %scan3A_1057 iter_args(%scan3A_1108 = %scan3A_1053) -> (i32)  : i32 {
        %get3A_1109 = arith.constant 0 : index
        %get3A_1110 = tpu.vector_load %arg20[%get3A_1109] {strides = array<i32>} : memref<160xi32, #tpu.memory_space<vmem>>, vector<16xi32>,
        %get3A_1111 = arith.constant 16 : index
        %get3A_1112 = tpu.vector_load %arg20[%get3A_1111] {strides = array<i32>} : memref<160xi32, #tpu.memory_space<vmem>>, vector<16xi32>,
        %min3A_1113 = arith.minsi %get3A_1110, %get3A_1112 : vector<16xi32>
        %get3A_1114 = arith.constant 32 : index
        %get3A_1115 = tpu.vector_load %arg20[%get3A_1114] {strides = array<i32>} : memref<160xi32, #tpu.memory_space<vmem>>, vector<16xi32>,
        %min3A_1116 = arith.minsi %min3A_1113, %get3A_1115 : vector<16xi32>
        %get3A_1117 = arith.constant 48 : index
        %get3A_1118 = tpu.vector_load %arg20[%get3A_1117] {strides = array<i32>} : memref<160xi32, #tpu.memory_space<vmem>>, vector<16xi32>,
        %min3A_1119 = arith.minsi %min3A_1116, %get3A_1118 : vector<16xi32>
        %get3A_1120 = arith.constant 64 : index
        %get3A_1121 = tpu.vector_load %arg20[%get3A_1120] {strides = array<i32>} : memref<160xi32, #tpu.memory_space<vmem>>, vector<16xi32>,
        %min3A_1122 = arith.minsi %min3A_1119, %get3A_1121 : vector<16xi32>
        %get3A_1123 = arith.constant 80 : index
        %get3A_1124 = tpu.vector_load %arg20[%get3A_1123] {strides = array<i32>} : memref<160xi32, #tpu.memory_space<vmem>>, vector<16xi32>,
        %min3A_1125 = arith.minsi %min3A_1122, %get3A_1124 : vector<16xi32>
        %get3A_1126 = arith.constant 96 : index
        %get3A_1127 = tpu.vector_load %arg20[%get3A_1126] {strides = array<i32>} : memref<160xi32, #tpu.memory_space<vmem>>, vector<16xi32>,
        %min3A_1128 = arith.minsi %min3A_1125, %get3A_1127 : vector<16xi32>
        %get3A_1129 = arith.constant 112 : index
        %get3A_1130 = tpu.vector_load %arg20[%get3A_1129] {strides = array<i32>} : memref<160xi32, #tpu.memory_space<vmem>>, vector<16xi32>,
        %min3A_1131 = arith.minsi %min3A_1128, %get3A_1130 : vector<16xi32>
        %get3A_1132 = arith.constant 128 : index
        %get3A_1133 = tpu.vector_load %arg20[%get3A_1132] {strides = array<i32>} : memref<160xi32, #tpu.memory_space<vmem>>, vector<16xi32>,
        %min3A_1134 = arith.minsi %min3A_1131, %get3A_1133 : vector<16xi32>
        %get3A_1135 = arith.constant 144 : index
        %get3A_1136 = tpu.vector_load %arg20[%get3A_1135] {strides = array<i32>} : memref<160xi32, #tpu.memory_space<vmem>>, vector<16xi32>,
        %min3A_1137 = arith.minsi %min3A_1134, %get3A_1136 : vector<16xi32>
        %reduce_min3A_1138 = arith.constant true
        %reduce_min3A_1139 = vector.broadcast %reduce_min3A_1138 : i1 to vector<16xi1>
        %reduce_min3A_1140 = arith.constant -2147483648 : i32
        %reduce_min3A_1141 = vector.broadcast %reduce_min3A_1140 : i32 to vector<16xi32>
        %reduce_min3A_1142 = arith.xori %min3A_1137, %reduce_min3A_1141 : vector<16xi32>
        %reduce_min3A_1143 = tpu.scan <min>, %reduce_min3A_1142 masked %reduce_min3A_1139 : vector<16xi32>, vector<16xi1> -> vector<16xi32>
        %reduce_min3A_1144 = arith.xori %reduce_min3A_1143, %reduce_min3A_1141 : vector<16xi32>
        %reduce_min3A_1145 = vector.extract %reduce_min3A_1144[15] : i32 from vector<16xi32>
        %broadcast_in_dim3A_1146 = vector.broadcast %reduce_min3A_1145 : i32 to vector<16xi32>
        %get3A_1147 = arith.constant 0 : index
        %get3A_1148 = tpu.vector_load %arg21[%get3A_1147] {strides = array<i32>} : memref<160xi32, #tpu.memory_space<vmem>>, vector<16xi32>,
        %eq3A_1149 = arith.cmpi eq, %get3A_1110, %broadcast_in_dim3A_1146 : vector<16xi32>
        %broadcast_in_dim3A_1150 = arith.constant 2147483647 : i32
        %broadcast_in_dim3A_1151 = vector.broadcast %broadcast_in_dim3A_1150 : i32 to vector<16xi32>
        %select_n3A_1152 = arith.select %eq3A_1149, %get3A_1148, %broadcast_in_dim3A_1151 : vector<16xi1>, vector<16xi32>
        %get3A_1153 = arith.constant 16 : index
        %get3A_1154 = tpu.vector_load %arg21[%get3A_1153] {strides = array<i32>} : memref<160xi32, #tpu.memory_space<vmem>>, vector<16xi32>,
        %eq3A_1155 = arith.cmpi eq, %get3A_1112, %broadcast_in_dim3A_1146 : vector<16xi32>
        %broadcast_in_dim3A_1156 = arith.constant 2147483647 : i32
        %broadcast_in_dim3A_1157 = vector.broadcast %broadcast_in_dim3A_1156 : i32 to vector<16xi32>
        %select_n3A_1158 = arith.select %eq3A_1155, %get3A_1154, %broadcast_in_dim3A_1157 : vector<16xi1>, vector<16xi32>
        %min3A_1159 = arith.minsi %select_n3A_1152, %select_n3A_1158 : vector<16xi32>
        %get3A_1160 = arith.constant 32 : index
        %get3A_1161 = tpu.vector_load %arg21[%get3A_1160] {strides = array<i32>} : memref<160xi32, #tpu.memory_space<vmem>>, vector<16xi32>,
        %eq3A_1162 = arith.cmpi eq, %get3A_1115, %broadcast_in_dim3A_1146 : vector<16xi32>
        %broadcast_in_dim3A_1163 = arith.constant 2147483647 : i32
        %broadcast_in_dim3A_1164 = vector.broadcast %broadcast_in_dim3A_1163 : i32 to vector<16xi32>
        %select_n3A_1165 = arith.select %eq3A_1162, %get3A_1161, %broadcast_in_dim3A_1164 : vector<16xi1>, vector<16xi32>
        %min3A_1166 = arith.minsi %min3A_1159, %select_n3A_1165 : vector<16xi32>
        %get3A_1167 = arith.constant 48 : index
        %get3A_1168 = tpu.vector_load %arg21[%get3A_1167] {strides = array<i32>} : memref<160xi32, #tpu.memory_space<vmem>>, vector<16xi32>,
        %eq3A_1169 = arith.cmpi eq, %get3A_1118, %broadcast_in_dim3A_1146 : vector<16xi32>
        %broadcast_in_dim3A_1170 = arith.constant 2147483647 : i32
        %broadcast_in_dim3A_1171 = vector.broadcast %broadcast_in_dim3A_1170 : i32 to vector<16xi32>
        %select_n3A_1172 = arith.select %eq3A_1169, %get3A_1168, %broadcast_in_dim3A_1171 : vector<16xi1>, vector<16xi32>
        %min3A_1173 = arith.minsi %min3A_1166, %select_n3A_1172 : vector<16xi32>
        %get3A_1174 = arith.constant 64 : index
        %get3A_1175 = tpu.vector_load %arg21[%get3A_1174] {strides = array<i32>} : memref<160xi32, #tpu.memory_space<vmem>>, vector<16xi32>,
        %eq3A_1176 = arith.cmpi eq, %get3A_1121, %broadcast_in_dim3A_1146 : vector<16xi32>
        %broadcast_in_dim3A_1177 = arith.constant 2147483647 : i32
        %broadcast_in_dim3A_1178 = vector.broadcast %broadcast_in_dim3A_1177 : i32 to vector<16xi32>
        %select_n3A_1179 = arith.select %eq3A_1176, %get3A_1175, %broadcast_in_dim3A_1178 : vector<16xi1>, vector<16xi32>
        %min3A_1180 = arith.minsi %min3A_1173, %select_n3A_1179 : vector<16xi32>
        %get3A_1181 = arith.constant 80 : index
        %get3A_1182 = tpu.vector_load %arg21[%get3A_1181] {strides = array<i32>} : memref<160xi32, #tpu.memory_space<vmem>>, vector<16xi32>,
        %eq3A_1183 = arith.cmpi eq, %get3A_1124, %broadcast_in_dim3A_1146 : vector<16xi32>
        %broadcast_in_dim3A_1184 = arith.constant 2147483647 : i32
        %broadcast_in_dim3A_1185 = vector.broadcast %broadcast_in_dim3A_1184 : i32 to vector<16xi32>
        %select_n3A_1186 = arith.select %eq3A_1183, %get3A_1182, %broadcast_in_dim3A_1185 : vector<16xi1>, vector<16xi32>
        %min3A_1187 = arith.minsi %min3A_1180, %select_n3A_1186 : vector<16xi32>
        %get3A_1188 = arith.constant 96 : index
        %get3A_1189 = tpu.vector_load %arg21[%get3A_1188] {strides = array<i32>} : memref<160xi32, #tpu.memory_space<vmem>>, vector<16xi32>,
        %eq3A_1190 = arith.cmpi eq, %get3A_1127, %broadcast_in_dim3A_1146 : vector<16xi32>
        %broadcast_in_dim3A_1191 = arith.constant 2147483647 : i32
        %broadcast_in_dim3A_1192 = vector.broadcast %broadcast_in_dim3A_1191 : i32 to vector<16xi32>
        %select_n3A_1193 = arith.select %eq3A_1190, %get3A_1189, %broadcast_in_dim3A_1192 : vector<16xi1>, vector<16xi32>
        %min3A_1194 = arith.minsi %min3A_1187, %select_n3A_1193 : vector<16xi32>
        %get3A_1195 = arith.constant 112 : index
        %get3A_1196 = tpu.vector_load %arg21[%get3A_1195] {strides = array<i32>} : memref<160xi32, #tpu.memory_space<vmem>>, vector<16xi32>,
        %eq3A_1197 = arith.cmpi eq, %get3A_1130, %broadcast_in_dim3A_1146 : vector<16xi32>
        %broadcast_in_dim3A_1198 = arith.constant 2147483647 : i32
        %broadcast_in_dim3A_1199 = vector.broadcast %broadcast_in_dim3A_1198 : i32 to vector<16xi32>
        %select_n3A_1200 = arith.select %eq3A_1197, %get3A_1196, %broadcast_in_dim3A_1199 : vector<16xi1>, vector<16xi32>
        %min3A_1201 = arith.minsi %min3A_1194, %select_n3A_1200 : vector<16xi32>
        %get3A_1202 = arith.constant 128 : index
        %get3A_1203 = tpu.vector_load %arg21[%get3A_1202] {strides = array<i32>} : memref<160xi32, #tpu.memory_space<vmem>>, vector<16xi32>,
        %eq3A_1204 = arith.cmpi eq, %get3A_1133, %broadcast_in_dim3A_1146 : vector<16xi32>
        %broadcast_in_dim3A_1205 = arith.constant 2147483647 : i32
        %broadcast_in_dim3A_1206 = vector.broadcast %broadcast_in_dim3A_1205 : i32 to vector<16xi32>
        %select_n3A_1207 = arith.select %eq3A_1204, %get3A_1203, %broadcast_in_dim3A_1206 : vector<16xi1>, vector<16xi32>
        %min3A_1208 = arith.minsi %min3A_1201, %select_n3A_1207 : vector<16xi32>
        %get3A_1209 = arith.constant 144 : index
        %get3A_1210 = tpu.vector_load %arg21[%get3A_1209] {strides = array<i32>} : memref<160xi32, #tpu.memory_space<vmem>>, vector<16xi32>,
        %eq3A_1211 = arith.cmpi eq, %get3A_1136, %broadcast_in_dim3A_1146 : vector<16xi32>
        %broadcast_in_dim3A_1212 = arith.constant 2147483647 : i32
        %broadcast_in_dim3A_1213 = vector.broadcast %broadcast_in_dim3A_1212 : i32 to vector<16xi32>
        %select_n3A_1214 = arith.select %eq3A_1211, %get3A_1210, %broadcast_in_dim3A_1213 : vector<16xi1>, vector<16xi32>
        %min3A_1215 = arith.minsi %min3A_1208, %select_n3A_1214 : vector<16xi32>
        %reduce_min3A_1216 = arith.constant true
        %reduce_min3A_1217 = vector.broadcast %reduce_min3A_1216 : i1 to vector<16xi1>
        %reduce_min3A_1218 = arith.constant -2147483648 : i32
        %reduce_min3A_1219 = vector.broadcast %reduce_min3A_1218 : i32 to vector<16xi32>
        %reduce_min3A_1220 = arith.xori %min3A_1215, %reduce_min3A_1219 : vector<16xi32>
        %reduce_min3A_1221 = tpu.scan <min>, %reduce_min3A_1220 masked %reduce_min3A_1217 : vector<16xi32>, vector<16xi1> -> vector<16xi32>
        %reduce_min3A_1222 = arith.xori %reduce_min3A_1221, %reduce_min3A_1219 : vector<16xi32>
        %reduce_min3A_1223 = vector.extract %reduce_min3A_1222[15] : i32 from vector<16xi32>
        %broadcast_in_dim3A_1224 = vector.broadcast %reduce_min3A_1223 : i32 to vector<16xi32>
        %broadcast_in_dim3A_1225 = vector.broadcast %scan3A_1107 : i32 to vector<16xi32>
        %eq3A_1226 = arith.constant 0 : i32
        %eq3A_1227 = vector.broadcast %eq3A_1226 : i32 to vector<16xi32>
        %eq3A_1228 = arith.cmpi eq, %iota3A, %eq3A_1227 : vector<16xi32>
        tpu.vector_store_idx %arg22[%broadcast_in_dim3A_1225], %broadcast_in_dim3A_1224 masked %eq3A_1228 : memref<32xi32, #tpu.memory_space<vmem>>[vector<16xi32>], vector<16xi32>, vector<16xi1>
        %eq3A_1229 = arith.cmpi eq, %get3A_1110, %broadcast_in_dim3A_1146 : vector<16xi32>
        %eq3A_1230 = arith.cmpi eq, %get3A_1148, %broadcast_in_dim3A_1224 : vector<16xi32>
        %and3A_1231 = arith.andi %eq3A_1229, %eq3A_1230 : vector<16xi1>
        %broadcast_in_dim3A_1232 = arith.constant 2147483647 : i32
        %broadcast_in_dim3A_1233 = vector.broadcast %broadcast_in_dim3A_1232 : i32 to vector<16xi32>
        %select_n3A_1234 = arith.select %and3A_1231, %broadcast_in_dim3A_1233, %get3A_1110 : vector<16xi1>, vector<16xi32>
        %swap3A_1235 = arith.constant 0 : index
        %swap3A_1236 = tpu.vector_load %arg20[%swap3A_1235] {strides = array<i32>} : memref<160xi32, #tpu.memory_space<vmem>>, vector<16xi32>,
        tpu.vector_store %arg20[%swap3A_1235], %select_n3A_1234 {strides = array<i32>} : memref<160xi32, #tpu.memory_space<vmem>>, vector<16xi32>,
        %eq3A_1237 = arith.cmpi eq, %get3A_1112, %broadcast_in_dim3A_1146 : vector<16xi32>
        %eq3A_1238 = arith.cmpi eq, %get3A_1154, %broadcast_in_dim3A_1224 : vector<16xi32>
        %and3A_1239 = arith.andi %eq3A_1237, %eq3A_1238 : vector<16xi1>
        %broadcast_in_dim3A_1240 = arith.constant 2147483647 : i32
        %broadcast_in_dim3A_1241 = vector.broadcast %broadcast_in_dim3A_1240 : i32 to vector<16xi32>
        %select_n3A_1242 = arith.select %and3A_1239, %broadcast_in_dim3A_1241, %get3A_1112 : vector<16xi1>, vector<16xi32>
        %swap3A_1243 = arith.constant 16 : index
        %swap3A_1244 = tpu.vector_load %arg20[%swap3A_1243] {strides = array<i32>} : memref<160xi32, #tpu.memory_space<vmem>>, vector<16xi32>,
        tpu.vector_store %arg20[%swap3A_1243], %select_n3A_1242 {strides = array<i32>} : memref<160xi32, #tpu.memory_space<vmem>>, vector<16xi32>,
        %eq3A_1245 = arith.cmpi eq, %get3A_1115, %broadcast_in_dim3A_1146 : vector<16xi32>
        %eq3A_1246 = arith.cmpi eq, %get3A_1161, %broadcast_in_dim3A_1224 : vector<16xi32>
        %and3A_1247 = arith.andi %eq3A_1245, %eq3A_1246 : vector<16xi1>
        %broadcast_in_dim3A_1248 = arith.constant 2147483647 : i32
        %broadcast_in_dim3A_1249 = vector.broadcast %broadcast_in_dim3A_1248 : i32 to vector<16xi32>
        %select_n3A_1250 = arith.select %and3A_1247, %broadcast_in_dim3A_1249, %get3A_1115 : vector<16xi1>, vector<16xi32>
        %swap3A_1251 = arith.constant 32 : index
        %swap3A_1252 = tpu.vector_load %arg20[%swap3A_1251] {strides = array<i32>} : memref<160xi32, #tpu.memory_space<vmem>>, vector<16xi32>,
        tpu.vector_store %arg20[%swap3A_1251], %select_n3A_1250 {strides = array<i32>} : memref<160xi32, #tpu.memory_space<vmem>>, vector<16xi32>,
        %eq3A_1253 = arith.cmpi eq, %get3A_1118, %broadcast_in_dim3A_1146 : vector<16xi32>
        %eq3A_1254 = arith.cmpi eq, %get3A_1168, %broadcast_in_dim3A_1224 : vector<16xi32>
        %and3A_1255 = arith.andi %eq3A_1253, %eq3A_1254 : vector<16xi1>
        %broadcast_in_dim3A_1256 = arith.constant 2147483647 : i32
        %broadcast_in_dim3A_1257 = vector.broadcast %broadcast_in_dim3A_1256 : i32 to vector<16xi32>
        %select_n3A_1258 = arith.select %and3A_1255, %broadcast_in_dim3A_1257, %get3A_1118 : vector<16xi1>, vector<16xi32>
        %swap3A_1259 = arith.constant 48 : index
        %swap3A_1260 = tpu.vector_load %arg20[%swap3A_1259] {strides = array<i32>} : memref<160xi32, #tpu.memory_space<vmem>>, vector<16xi32>,
        tpu.vector_store %arg20[%swap3A_1259], %select_n3A_1258 {strides = array<i32>} : memref<160xi32, #tpu.memory_space<vmem>>, vector<16xi32>,
        %eq3A_1261 = arith.cmpi eq, %get3A_1121, %broadcast_in_dim3A_1146 : vector<16xi32>
        %eq3A_1262 = arith.cmpi eq, %get3A_1175, %broadcast_in_dim3A_1224 : vector<16xi32>
        %and3A_1263 = arith.andi %eq3A_1261, %eq3A_1262 : vector<16xi1>
        %broadcast_in_dim3A_1264 = arith.constant 2147483647 : i32
        %broadcast_in_dim3A_1265 = vector.broadcast %broadcast_in_dim3A_1264 : i32 to vector<16xi32>
        %select_n3A_1266 = arith.select %and3A_1263, %broadcast_in_dim3A_1265, %get3A_1121 : vector<16xi1>, vector<16xi32>
        %swap3A_1267 = arith.constant 64 : index
        %swap3A_1268 = tpu.vector_load %arg20[%swap3A_1267] {strides = array<i32>} : memref<160xi32, #tpu.memory_space<vmem>>, vector<16xi32>,
        tpu.vector_store %arg20[%swap3A_1267], %select_n3A_1266 {strides = array<i32>} : memref<160xi32, #tpu.memory_space<vmem>>, vector<16xi32>,
        %eq3A_1269 = arith.cmpi eq, %get3A_1124, %broadcast_in_dim3A_1146 : vector<16xi32>
        %eq3A_1270 = arith.cmpi eq, %get3A_1182, %broadcast_in_dim3A_1224 : vector<16xi32>
        %and3A_1271 = arith.andi %eq3A_1269, %eq3A_1270 : vector<16xi1>
        %broadcast_in_dim3A_1272 = arith.constant 2147483647 : i32
        %broadcast_in_dim3A_1273 = vector.broadcast %broadcast_in_dim3A_1272 : i32 to vector<16xi32>
        %select_n3A_1274 = arith.select %and3A_1271, %broadcast_in_dim3A_1273, %get3A_1124 : vector<16xi1>, vector<16xi32>
        %swap3A_1275 = arith.constant 80 : index
        %swap3A_1276 = tpu.vector_load %arg20[%swap3A_1275] {strides = array<i32>} : memref<160xi32, #tpu.memory_space<vmem>>, vector<16xi32>,
        tpu.vector_store %arg20[%swap3A_1275], %select_n3A_1274 {strides = array<i32>} : memref<160xi32, #tpu.memory_space<vmem>>, vector<16xi32>,
        %eq3A_1277 = arith.cmpi eq, %get3A_1127, %broadcast_in_dim3A_1146 : vector<16xi32>
        %eq3A_1278 = arith.cmpi eq, %get3A_1189, %broadcast_in_dim3A_1224 : vector<16xi32>
        %and3A_1279 = arith.andi %eq3A_1277, %eq3A_1278 : vector<16xi1>
        %broadcast_in_dim3A_1280 = arith.constant 2147483647 : i32
        %broadcast_in_dim3A_1281 = vector.broadcast %broadcast_in_dim3A_1280 : i32 to vector<16xi32>
        %select_n3A_1282 = arith.select %and3A_1279, %broadcast_in_dim3A_1281, %get3A_1127 : vector<16xi1>, vector<16xi32>
        %swap3A_1283 = arith.constant 96 : index
        %swap3A_1284 = tpu.vector_load %arg20[%swap3A_1283] {strides = array<i32>} : memref<160xi32, #tpu.memory_space<vmem>>, vector<16xi32>,
        tpu.vector_store %arg20[%swap3A_1283], %select_n3A_1282 {strides = array<i32>} : memref<160xi32, #tpu.memory_space<vmem>>, vector<16xi32>,
        %eq3A_1285 = arith.cmpi eq, %get3A_1130, %broadcast_in_dim3A_1146 : vector<16xi32>
        %eq3A_1286 = arith.cmpi eq, %get3A_1196, %broadcast_in_dim3A_1224 : vector<16xi32>
        %and3A_1287 = arith.andi %eq3A_1285, %eq3A_1286 : vector<16xi1>
        %broadcast_in_dim3A_1288 = arith.constant 2147483647 : i32
        %broadcast_in_dim3A_1289 = vector.broadcast %broadcast_in_dim3A_1288 : i32 to vector<16xi32>
        %select_n3A_1290 = arith.select %and3A_1287, %broadcast_in_dim3A_1289, %get3A_1130 : vector<16xi1>, vector<16xi32>
        %swap3A_1291 = arith.constant 112 : index
        %swap3A_1292 = tpu.vector_load %arg20[%swap3A_1291] {strides = array<i32>} : memref<160xi32, #tpu.memory_space<vmem>>, vector<16xi32>,
        tpu.vector_store %arg20[%swap3A_1291], %select_n3A_1290 {strides = array<i32>} : memref<160xi32, #tpu.memory_space<vmem>>, vector<16xi32>,
        %eq3A_1293 = arith.cmpi eq, %get3A_1133, %broadcast_in_dim3A_1146 : vector<16xi32>
        %eq3A_1294 = arith.cmpi eq, %get3A_1203, %broadcast_in_dim3A_1224 : vector<16xi32>
        %and3A_1295 = arith.andi %eq3A_1293, %eq3A_1294 : vector<16xi1>
        %broadcast_in_dim3A_1296 = arith.constant 2147483647 : i32
        %broadcast_in_dim3A_1297 = vector.broadcast %broadcast_in_dim3A_1296 : i32 to vector<16xi32>
        %select_n3A_1298 = arith.select %and3A_1295, %broadcast_in_dim3A_1297, %get3A_1133 : vector<16xi1>, vector<16xi32>
        %swap3A_1299 = arith.constant 128 : index
        %swap3A_1300 = tpu.vector_load %arg20[%swap3A_1299] {strides = array<i32>} : memref<160xi32, #tpu.memory_space<vmem>>, vector<16xi32>,
        tpu.vector_store %arg20[%swap3A_1299], %select_n3A_1298 {strides = array<i32>} : memref<160xi32, #tpu.memory_space<vmem>>, vector<16xi32>,
        %eq3A_1301 = arith.cmpi eq, %get3A_1136, %broadcast_in_dim3A_1146 : vector<16xi32>
        %eq3A_1302 = arith.cmpi eq, %get3A_1210, %broadcast_in_dim3A_1224 : vector<16xi32>
        %and3A_1303 = arith.andi %eq3A_1301, %eq3A_1302 : vector<16xi1>
        %broadcast_in_dim3A_1304 = arith.constant 2147483647 : i32
        %broadcast_in_dim3A_1305 = vector.broadcast %broadcast_in_dim3A_1304 : i32 to vector<16xi32>
        %select_n3A_1306 = arith.select %and3A_1303, %broadcast_in_dim3A_1305, %get3A_1136 : vector<16xi1>, vector<16xi32>
        %swap3A_1307 = arith.constant 144 : index
        %swap3A_1308 = tpu.vector_load %arg20[%swap3A_1307] {strides = array<i32>} : memref<160xi32, #tpu.memory_space<vmem>>, vector<16xi32>,
        tpu.vector_store %arg20[%swap3A_1307], %select_n3A_1306 {strides = array<i32>} : memref<160xi32, #tpu.memory_space<vmem>>, vector<16xi32>,
        %scan3A_1309 = arith.constant 0 : i32
        scf.yield %scan3A_1309 : i32
      }
      %scan3A_1059 = arith.constant 32 : i32
      %get3A_1060 = arith.constant 0 : index
      %get3A_1061 = tpu.vector_load %arg22[%get3A_1060] {strides = array<i32>} : memref<32xi32, #tpu.memory_space<vmem>>, vector<16xi32>,
      %gather3A_1062 = tpu.vector_load_idx %arg11[%get3A_1061] : memref<8192xf32, #tpu.memory_space<vmem>>[vector<16xi32>], vector<16xf32>,
      %gather3A_1063 = tpu.vector_load_idx %arg12[%get3A_1061] : memref<8192xf32, #tpu.memory_space<vmem>>[vector<16xi32>], vector<16xf32>,
      %gather3A_1064 = tpu.vector_load_idx %arg13[%get3A_1061] : memref<8192xf32, #tpu.memory_space<vmem>>[vector<16xi32>], vector<16xf32>,
      %mul3A_1065 = arith.constant 32 : i32
      %mul3A_1066 = arith.muli %add3A_62, %mul3A_1065 : i32
      %add3A_1067 = arith.constant 0 : i32
      %add3A_1068 = arith.addi %mul3A_1066, %add3A_1067 : i32
      %add3A_1069 = vector.broadcast %add3A_1068 : i32 to vector<16xi32>
      %add3A_1070 = arith.addi %add3A_1069, %iota3A : vector<16xi32>
      %mul3A_1071 = arith.constant 3 : i32
      %mul3A_1072 = vector.broadcast %mul3A_1071 : i32 to vector<16xi32>
      %mul3A_1073 = arith.muli %add3A_1070, %mul3A_1072 : vector<16xi32>
      %sub3A_1074 = arith.subf %gather3A_1062, %gather3A_125 : vector<16xf32>
      tpu.vector_store_idx %arg23[%mul3A_1073], %sub3A_1074 : memref<12288xf32, #tpu.memory_space<vmem>>[vector<16xi32>], vector<16xf32>,
      %add3A_1075 = arith.constant 1 : i32
      %add3A_1076 = vector.broadcast %add3A_1075 : i32 to vector<16xi32>
      %add3A_1077 = arith.addi %mul3A_1073, %add3A_1076 : vector<16xi32>
      %sub3A_1078 = arith.subf %gather3A_1063, %gather3A_129 : vector<16xf32>
      tpu.vector_store_idx %arg23[%add3A_1077], %sub3A_1078 : memref<12288xf32, #tpu.memory_space<vmem>>[vector<16xi32>], vector<16xf32>,
      %add3A_1079 = arith.constant 2 : i32
      %add3A_1080 = vector.broadcast %add3A_1079 : i32 to vector<16xi32>
      %add3A_1081 = arith.addi %mul3A_1073, %add3A_1080 : vector<16xi32>
      %sub3A_1082 = arith.subf %gather3A_1064, %gather3A_133 : vector<16xf32>
      tpu.vector_store_idx %arg23[%add3A_1081], %sub3A_1082 : memref<12288xf32, #tpu.memory_space<vmem>>[vector<16xi32>], vector<16xf32>,
      %get3A_1083 = arith.constant 16 : index
      %get3A_1084 = tpu.vector_load %arg22[%get3A_1083] {strides = array<i32>} : memref<32xi32, #tpu.memory_space<vmem>>, vector<16xi32>,
      %gather3A_1085 = tpu.vector_load_idx %arg11[%get3A_1084] : memref<8192xf32, #tpu.memory_space<vmem>>[vector<16xi32>], vector<16xf32>,
      %gather3A_1086 = tpu.vector_load_idx %arg12[%get3A_1084] : memref<8192xf32, #tpu.memory_space<vmem>>[vector<16xi32>], vector<16xf32>,
      %gather3A_1087 = tpu.vector_load_idx %arg13[%get3A_1084] : memref<8192xf32, #tpu.memory_space<vmem>>[vector<16xi32>], vector<16xf32>,
      %mul3A_1088 = arith.constant 32 : i32
      %mul3A_1089 = arith.muli %add3A_62, %mul3A_1088 : i32
      %add3A_1090 = arith.constant 16 : i32
      %add3A_1091 = arith.addi %mul3A_1089, %add3A_1090 : i32
      %add3A_1092 = vector.broadcast %add3A_1091 : i32 to vector<16xi32>
      %add3A_1093 = arith.addi %add3A_1092, %iota3A : vector<16xi32>
      %mul3A_1094 = arith.constant 3 : i32
      %mul3A_1095 = vector.broadcast %mul3A_1094 : i32 to vector<16xi32>
      %mul3A_1096 = arith.muli %add3A_1093, %mul3A_1095 : vector<16xi32>
      %sub3A_1097 = arith.subf %gather3A_1085, %gather3A_125 : vector<16xf32>
      tpu.vector_store_idx %arg23[%mul3A_1096], %sub3A_1097 : memref<12288xf32, #tpu.memory_space<vmem>>[vector<16xi32>], vector<16xf32>,
      %add3A_1098 = arith.constant 1 : i32
      %add3A_1099 = vector.broadcast %add3A_1098 : i32 to vector<16xi32>
      %add3A_1100 = arith.addi %mul3A_1096, %add3A_1099 : vector<16xi32>
      %sub3A_1101 = arith.subf %gather3A_1086, %gather3A_129 : vector<16xf32>
      tpu.vector_store_idx %arg23[%add3A_1100], %sub3A_1101 : memref<12288xf32, #tpu.memory_space<vmem>>[vector<16xi32>], vector<16xf32>,
      %add3A_1102 = arith.constant 2 : i32
      %add3A_1103 = vector.broadcast %add3A_1102 : i32 to vector<16xi32>
      %add3A_1104 = arith.addi %mul3A_1096, %add3A_1103 : vector<16xi32>
      %sub3A_1105 = arith.subf %gather3A_1087, %gather3A_133 : vector<16xf32>
      tpu.vector_store_idx %arg23[%add3A_1104], %sub3A_1105 : memref<12288xf32, #tpu.memory_space<vmem>>[vector<16xi32>], vector<16xf32>,
      %scan3A_1106 = arith.constant 0 : i32
      scf.yield %scan3A_1106 : i32
    }
    %scan3A_48 = arith.constant 64 : i32
    %mul3A_49 = arith.constant 128 : i32
    %mul3A_50 = arith.muli %select_n3A_30, %mul3A_49 : i32
    %mul3A_51 = arith.constant 32 : i32
    %mul3A_52 = arith.muli %mul3A_50, %mul3A_51 : i32
    %mul3A_53 = arith.constant 3 : i32
    %mul3A_54 = arith.muli %mul3A_52, %mul3A_53 : i32
    "tpu.region"() ({
      %run_scoped3A = tpu.sem_alloc : memref<!tpu.dma_semaphore, #tpu.memory_space<semaphore_mem>>
      %dma_start3A = tpu.memref_slice %arg7[%select_n3A, %mul3A_54] : memref<8x49152xf32, #tpu.memory_space<hbm>> -> memref<1x12288xf32, #tpu.memory_space<hbm>>
      %dma_start3A_55 = tpu.memref_squeeze %dma_start3A : memref<1x12288xf32, #tpu.memory_space<hbm>> -> memref<12288xf32, #tpu.memory_space<hbm>>
      %dma_start3A_56 = tpu.memref_slice %arg7[%select_n3A, %mul3A_54] : memref<8x49152xf32, #tpu.memory_space<hbm>> -> memref<1x12288xf32, #tpu.memory_space<hbm>>
      %dma_start3A_57 = tpu.memref_squeeze %dma_start3A_56 : memref<1x12288xf32, #tpu.memory_space<hbm>> -> memref<12288xf32, #tpu.memory_space<hbm>>
      tpu.enqueue_dma source(%arg23 : memref<12288xf32, #tpu.memory_space<vmem>>) target(%dma_start3A_57 : memref<12288xf32, #tpu.memory_space<hbm>>) target_semaphore(%run_scoped3A : memref<!tpu.dma_semaphore, #tpu.memory_space<semaphore_mem>>)
      %dma_wait3A = tpu.memref_slice %arg7[%select_n3A, %mul3A_54] : memref<8x49152xf32, #tpu.memory_space<hbm>> -> memref<1x12288xf32, #tpu.memory_space<hbm>>
      %dma_wait3A_58 = tpu.memref_squeeze %dma_wait3A : memref<1x12288xf32, #tpu.memory_space<hbm>> -> memref<12288xf32, #tpu.memory_space<hbm>>
      %dma_wait3A_59 = tpu.memref_slice %arg7[%select_n3A, %mul3A_54] : memref<8x49152xf32, #tpu.memory_space<hbm>> -> memref<1x12288xf32, #tpu.memory_space<hbm>>
      %dma_wait3A_60 = tpu.memref_squeeze %dma_wait3A_59 : memref<1x12288xf32, #tpu.memory_space<hbm>> -> memref<12288xf32, #tpu.memory_space<hbm>>
      tpu.wait_dma2 semaphore(%run_scoped3A : memref<!tpu.dma_semaphore, #tpu.memory_space<semaphore_mem>>) src(%arg23 : memref<12288xf32, #tpu.memory_space<vmem>>) dst(%dma_wait3A_60 : memref<12288xf32, #tpu.memory_space<hbm>>)
      tpu.yield
    }) : () -> ()
    return
  }
}

module attributes {stable_mosaic.version = 14 : i64} {
  func.func @_fps_body(%arg0: memref<8x8192xf32, #tpu.memory_space<vmem>>, %arg1: memref<8x8192xf32, #tpu.memory_space<vmem>>, %arg2: memref<8x8192xf32, #tpu.memory_space<vmem>>, %arg3: memref<3x8x512xf32, #tpu.memory_space<vmem>>, %arg4: memref<8x8192xf32, #tpu.memory_space<vmem>>) attributes {dimension_semantics = [], scalar_prefetch = 0 : i64, scratch_operands = 0 : i64, tpu.core_type = #tpu.core_type<tc>} {
    %get3A = arith.constant 0 : index
    %get3A_0 = arith.constant 0 : index
    %get3A_1 = vector.load %arg0[%get3A, %get3A_0] : memref<8x8192xf32, #tpu.memory_space<vmem>>, vector<8x8192xf32>
    %get3A_2 = arith.constant 0 : index
    %get3A_3 = arith.constant 0 : index
    %get3A_4 = vector.load %arg1[%get3A_2, %get3A_3] : memref<8x8192xf32, #tpu.memory_space<vmem>>, vector<8x8192xf32>
    %get3A_5 = arith.constant 0 : index
    %get3A_6 = arith.constant 0 : index
    %get3A_7 = vector.load %arg2[%get3A_5, %get3A_6] : memref<8x8192xf32, #tpu.memory_space<vmem>>, vector<8x8192xf32>
    %mul3A = arith.mulf %get3A_1, %get3A_1 : vector<8x8192xf32>
    %mul3A_8 = arith.mulf %get3A_4, %get3A_4 : vector<8x8192xf32>
    %add3A = arith.addf %mul3A, %mul3A_8 : vector<8x8192xf32>
    %mul3A_9 = arith.mulf %get3A_7, %get3A_7 : vector<8x8192xf32>
    %add3A_10 = arith.addf %add3A, %mul3A_9 : vector<8x8192xf32>
    %swap3A = arith.constant 0 : index
    %swap3A_11 = arith.constant 0 : index
    %swap3A_12 = vector.load %arg4[%swap3A, %swap3A_11] : memref<8x8192xf32, #tpu.memory_space<vmem>>, vector<8x8192xf32>
    tpu.vector_store %arg4[%swap3A, %swap3A_11], %add3A_10 {strides = array<i32>} : memref<8x8192xf32, #tpu.memory_space<vmem>>, vector<8x8192xf32>,
    %iota3A = tpu.iota {dimensions = array<i32: 1>} : vector<8x8192xi32>
    %iota3A_13 = tpu.iota {dimensions = array<i32: 1>} : vector<8x512xi32>
    %broadcast_in_dim3A = arith.constant 1.000000e+10 : f32
    %broadcast_in_dim3A_14 = vector.broadcast %broadcast_in_dim3A : f32 to vector<8x8192xf32>
    %slice3A = vector.extract_strided_slice %get3A_1 {offsets = [0, 0], sizes = [8, 1], strides = [1, 1]} : vector<8x8192xf32> to vector<8x1xf32>
    %slice3A_15 = vector.extract_strided_slice %get3A_4 {offsets = [0, 0], sizes = [8, 1], strides = [1, 1]} : vector<8x8192xf32> to vector<8x1xf32>
    %slice3A_16 = vector.extract_strided_slice %get3A_7 {offsets = [0, 0], sizes = [8, 1], strides = [1, 1]} : vector<8x8192xf32> to vector<8x1xf32>
    %broadcast_in_dim3A_17 = arith.constant 0.000000e+00 : f32
    %broadcast_in_dim3A_18 = vector.broadcast %broadcast_in_dim3A_17 : f32 to vector<8x512xf32>
    %broadcast_in_dim3A_19 = arith.constant 0.000000e+00 : f32
    %broadcast_in_dim3A_20 = vector.broadcast %broadcast_in_dim3A_19 : f32 to vector<8x512xf32>
    %broadcast_in_dim3A_21 = arith.constant 0.000000e+00 : f32
    %broadcast_in_dim3A_22 = vector.broadcast %broadcast_in_dim3A_21 : f32 to vector<8x512xf32>
    %scan3A = arith.constant 0 : i32
    %scan3A_23 = arith.constant 512 : i32
    %scan3A_24 = arith.addi %scan3A, %scan3A_23 : i32
    %scan3A_25 = arith.constant 1 : i32
    %scan3A_26:7 = scf.for %scan3A_46 = %scan3A to %scan3A_24 step %scan3A_25 iter_args(%scan3A_47 = %broadcast_in_dim3A_14, %scan3A_48 = %slice3A, %scan3A_49 = %slice3A_15, %scan3A_50 = %slice3A_16, %scan3A_51 = %broadcast_in_dim3A_18, %scan3A_52 = %broadcast_in_dim3A_20, %scan3A_53 = %broadcast_in_dim3A_22) -> (vector<8x8192xf32>, vector<8x1xf32>, vector<8x1xf32>, vector<8x1xf32>, vector<8x512xf32>, vector<8x512xf32>, vector<8x512xf32>)  : i32 {
      %eq3A = vector.broadcast %scan3A_46 : i32 to vector<8x512xi32>
      %eq3A_54 = arith.cmpi eq, %iota3A_13, %eq3A : vector<8x512xi32>
      %broadcast_in_dim3A_55 = vector.shape_cast %scan3A_48 : vector<8x1xf32> to vector<8x1xf32>
      %broadcast_in_dim3A_56 = vector.broadcast %broadcast_in_dim3A_55 : vector<8x1xf32> to vector<8x512xf32>
      %select_n3A = arith.select %eq3A_54, %broadcast_in_dim3A_56, %scan3A_51 : vector<8x512xi1>, vector<8x512xf32>
      %broadcast_in_dim3A_57 = vector.shape_cast %scan3A_49 : vector<8x1xf32> to vector<8x1xf32>
      %broadcast_in_dim3A_58 = vector.broadcast %broadcast_in_dim3A_57 : vector<8x1xf32> to vector<8x512xf32>
      %select_n3A_59 = arith.select %eq3A_54, %broadcast_in_dim3A_58, %scan3A_52 : vector<8x512xi1>, vector<8x512xf32>
      %broadcast_in_dim3A_60 = vector.shape_cast %scan3A_50 : vector<8x1xf32> to vector<8x1xf32>
      %broadcast_in_dim3A_61 = vector.broadcast %broadcast_in_dim3A_60 : vector<8x1xf32> to vector<8x512xf32>
      %select_n3A_62 = arith.select %eq3A_54, %broadcast_in_dim3A_61, %scan3A_53 : vector<8x512xi1>, vector<8x512xf32>
      %sub3A = vector.broadcast %scan3A_48 : vector<8x1xf32> to vector<8x8192xf32>
      %sub3A_63 = arith.subf %get3A_1, %sub3A : vector<8x8192xf32>
      %sub3A_64 = vector.broadcast %scan3A_49 : vector<8x1xf32> to vector<8x8192xf32>
      %sub3A_65 = arith.subf %get3A_4, %sub3A_64 : vector<8x8192xf32>
      %sub3A_66 = vector.broadcast %scan3A_50 : vector<8x1xf32> to vector<8x8192xf32>
      %sub3A_67 = arith.subf %get3A_7, %sub3A_66 : vector<8x8192xf32>
      %mul3A_68 = arith.mulf %sub3A_63, %sub3A_63 : vector<8x8192xf32>
      %mul3A_69 = arith.mulf %sub3A_65, %sub3A_65 : vector<8x8192xf32>
      %add3A_70 = arith.addf %mul3A_68, %mul3A_69 : vector<8x8192xf32>
      %mul3A_71 = arith.mulf %sub3A_67, %sub3A_67 : vector<8x8192xf32>
      %add3A_72 = arith.addf %add3A_70, %mul3A_71 : vector<8x8192xf32>
      %min3A = arith.minimumf %scan3A_47, %add3A_72 : vector<8x8192xf32>
      %reduce_max3A = arith.constant dense<0xFF800000> : vector<8xf32>
      %reduce_max3A_73 = vector.multi_reduction <maximumf>, %min3A, %reduce_max3A [1] : vector<8x8192xf32> to vector<8xf32>
      %broadcast_in_dim3A_74 = vector.shape_cast %reduce_max3A_73 : vector<8xf32> to vector<8x1xf32>
      %eq3A_75 = vector.broadcast %broadcast_in_dim3A_74 : vector<8x1xf32> to vector<8x8192xf32>
      %eq3A_76 = arith.cmpf oeq, %min3A, %eq3A_75 : vector<8x8192xf32>
      %jit3A = arith.constant 8192 : i32
      %broadcast_in_dim3A_77 = vector.broadcast %jit3A : i32 to vector<8x8192xi32>
      %select_n3A_78 = arith.select %eq3A_76, %iota3A, %broadcast_in_dim3A_77 : vector<8x8192xi1>, vector<8x8192xi32>
      %reduce_min3A = arith.constant dense<2147483647> : vector<8xi32>
      %reduce_min3A_79 = vector.multi_reduction <minsi>, %select_n3A_78, %reduce_min3A [1] : vector<8x8192xi32> to vector<8xi32>
      %broadcast_in_dim3A_80 = vector.shape_cast %reduce_min3A_79 : vector<8xi32> to vector<8x1xi32>
      %eq3A_81 = vector.broadcast %broadcast_in_dim3A_80 : vector<8x1xi32> to vector<8x8192xi32>
      %eq3A_82 = arith.cmpi eq, %iota3A, %eq3A_81 : vector<8x8192xi32>
      %jit3A_83 = arith.constant -3.000000e+38 : f32
      %broadcast_in_dim3A_84 = vector.broadcast %jit3A_83 : f32 to vector<8x8192xf32>
      %select_n3A_85 = arith.select %eq3A_82, %get3A_1, %broadcast_in_dim3A_84 : vector<8x8192xi1>, vector<8x8192xf32>
      %reduce_max3A_86 = arith.constant dense<0xFF800000> : vector<8xf32>
      %reduce_max3A_87 = vector.multi_reduction <maximumf>, %select_n3A_85, %reduce_max3A_86 [1] : vector<8x8192xf32> to vector<8xf32>
      %broadcast_in_dim3A_88 = vector.shape_cast %reduce_max3A_87 : vector<8xf32> to vector<8x1xf32>
      %jit3A_89 = arith.constant -3.000000e+38 : f32
      %broadcast_in_dim3A_90 = vector.broadcast %jit3A_89 : f32 to vector<8x8192xf32>
      %select_n3A_91 = arith.select %eq3A_82, %get3A_4, %broadcast_in_dim3A_90 : vector<8x8192xi1>, vector<8x8192xf32>
      %reduce_max3A_92 = arith.constant dense<0xFF800000> : vector<8xf32>
      %reduce_max3A_93 = vector.multi_reduction <maximumf>, %select_n3A_91, %reduce_max3A_92 [1] : vector<8x8192xf32> to vector<8xf32>
      %broadcast_in_dim3A_94 = vector.shape_cast %reduce_max3A_93 : vector<8xf32> to vector<8x1xf32>
      %jit3A_95 = arith.constant -3.000000e+38 : f32
      %broadcast_in_dim3A_96 = vector.broadcast %jit3A_95 : f32 to vector<8x8192xf32>
      %select_n3A_97 = arith.select %eq3A_82, %get3A_7, %broadcast_in_dim3A_96 : vector<8x8192xi1>, vector<8x8192xf32>
      %reduce_max3A_98 = arith.constant dense<0xFF800000> : vector<8xf32>
      %reduce_max3A_99 = vector.multi_reduction <maximumf>, %select_n3A_97, %reduce_max3A_98 [1] : vector<8x8192xf32> to vector<8xf32>
      %broadcast_in_dim3A_100 = vector.shape_cast %reduce_max3A_99 : vector<8xf32> to vector<8x1xf32>
      scf.yield %min3A, %broadcast_in_dim3A_88, %broadcast_in_dim3A_94, %broadcast_in_dim3A_100, %select_n3A, %select_n3A_59, %select_n3A_62 : vector<8x8192xf32>, vector<8x1xf32>, vector<8x1xf32>, vector<8x1xf32>, vector<8x512xf32>, vector<8x512xf32>, vector<8x512xf32>
    }
    %scan3A_27 = arith.constant 512 : i32
    %swap3A_28 = arith.constant 0 : index
    %swap3A_29 = arith.constant 0 : index
    %swap3A_30 = arith.constant 0 : index
    %swap3A_31 = vector.load %arg3[%swap3A_28, %swap3A_29, %swap3A_30] : memref<3x8x512xf32, #tpu.memory_space<vmem>>, vector<1x8x512xf32>
    %swap3A_32 = vector.shape_cast %swap3A_31 : vector<1x8x512xf32> to vector<8x512xf32>
    %swap3A_33 = vector.shape_cast %scan3A_26#4 : vector<8x512xf32> to vector<1x8x512xf32>
    tpu.vector_store %arg3[%swap3A_28, %swap3A_29, %swap3A_30], %swap3A_33 {strides = array<i32>} : memref<3x8x512xf32, #tpu.memory_space<vmem>>, vector<1x8x512xf32>,
    %swap3A_34 = arith.constant 1 : index
    %swap3A_35 = arith.constant 0 : index
    %swap3A_36 = arith.constant 0 : index
    %swap3A_37 = vector.load %arg3[%swap3A_34, %swap3A_35, %swap3A_36] : memref<3x8x512xf32, #tpu.memory_space<vmem>>, vector<1x8x512xf32>
    %swap3A_38 = vector.shape_cast %swap3A_37 : vector<1x8x512xf32> to vector<8x512xf32>
    %swap3A_39 = vector.shape_cast %scan3A_26#5 : vector<8x512xf32> to vector<1x8x512xf32>
    tpu.vector_store %arg3[%swap3A_34, %swap3A_35, %swap3A_36], %swap3A_39 {strides = array<i32>} : memref<3x8x512xf32, #tpu.memory_space<vmem>>, vector<1x8x512xf32>,
    %swap3A_40 = arith.constant 2 : index
    %swap3A_41 = arith.constant 0 : index
    %swap3A_42 = arith.constant 0 : index
    %swap3A_43 = vector.load %arg3[%swap3A_40, %swap3A_41, %swap3A_42] : memref<3x8x512xf32, #tpu.memory_space<vmem>>, vector<1x8x512xf32>
    %swap3A_44 = vector.shape_cast %swap3A_43 : vector<1x8x512xf32> to vector<8x512xf32>
    %swap3A_45 = vector.shape_cast %scan3A_26#6 : vector<8x512xf32> to vector<1x8x512xf32>
    tpu.vector_store %arg3[%swap3A_40, %swap3A_41, %swap3A_42], %swap3A_45 {strides = array<i32>} : memref<3x8x512xf32, #tpu.memory_space<vmem>>, vector<1x8x512xf32>,
    return
  }
}

</mosaic_0001>

<sc_bundles>
// kernel: kernel.4.cloned.1.call-start
scs
__scs_entry_jumppad:
0x0: {  	(pc) =	sbr.rel $0x88, $3  }
0x1: {  	(tag) =	ssettag $0x0;
	lr =	simm.s32 $0x1  }
0x2: {  	[smem:$0x3FA0] =	sst lr;
	_ =	strace $0xD0000000  }
0x3: {  	_ = 	snop  }
0x4: {  	_ = 	snop  }
0x5: {  	_ = 	snop  }
0x6: {  	_ = 	snop  }
0x7: {  	_ = 	snop  }
__scs_overlays_trampoline_lowered:
0x8: {  	[smem:$0x3FAF] =	sst s0  }
0x9: {  	[smem:$0x3FB0] =	sst s1  }
0xa: {  	[smem:$0x3FB1] =	sst s2  }
0xb: {  	[smem:$0x3FB2] =	sst s3  }
0xc: {  	[smem:$0x3FB3] =	sst s4  }
0xd: {  	[smem:$0x3FB4] =	sst s5  }
0xe: {  	[smem:$0x3FB5] =	sst s6  }
0xf: {  	[smem:$0x3FB6] =	sst s7  }
0x10: {  	[smem:$0x3FB7] =	sst s8  }
0x11: {  	[smem:$0x3FB8] =	sst s9;
	s0 =	simm.s32 @!p0 $0x0  }
0x12: {  	s1 =	sld [smem:$0x3F9E];
	s0 =	simm.s32 @p0 $0x1  }
0x13: {  	[smem:$0x3FB9] =	sst s0;
	s0 =	simm.s32 @!p1 $0x0  }
0x14: {  	s2 =	sld [smem:$0x3F9D];
	s0 =	simm.s32 @p1 $0x1  }
0x15: {  	[smem:$0x3FBA] =	sst s0;
	s0 =	simm.s32 @!p2 $0x0  }
0x16: {  	s3 =	sld [smem:$0x3FDB];
	s0 =	simm.s32 @p2 $0x1  }
0x17: {  	s4 =	simm.s32 $0x1BF5;
	[smem:$0x3FBC] =	sst s0  }
0x18: {  	s0 =	sld [smem:$0x3F9F];
	_ =	swait.ge [sflag:s4], $0x0  }
0x19: {  	s7 =	sld [smem:$0x3FA0]  }
0x1a: {  	s8 =	sadd.s32 $0xFFFFE003, lr  }
0x1b: {  	s9 =	sadd.s32 $0xFFFFFEF7, lr;
	s5 =	simm.s32 $0xFFFFFFFF;
	p2 =	slt.u32 s8, $0xFFFFF086  }
0x1c: {  	p1 =	slt.u32 s9, $0xF7A;
	s5 =	simm.s32 @!p2 $0x0  }
0x1d: {  	s5 =	simm.s32 @p1 $0x1;
	p0 =	seq.s32 s7, s2  }
0x1e: {  	s7 =	smul.u32 @!p0 $0xF7A, s2;
	p2 =	seq.s32 @!p0 s5, $0x0  }
0x1f: {  	s9 =	smul.u32 $0xF7A, s1;
	s8 =	simm.s32 @!p0 $0x1BF5;
	p2 =	por !p2, p0  }
0x20: {  	[sflag:s8] =	ssyncset.s32 @!p0 $0xFFFFF086;
	s6 =	sadd.s32 @!p0 s3, s7;
	s7 =	simm.s32 @!p0 $0x108  }
0x21: {  	s3 =	sadd.s32 s3, s9;
	s6 =	sadd.s32 @!p0 $0x88, s6;
	s7 =	simm.s32 @p2 $0x1082  }
0x22: {  	[simem:s7], [sflag:s8] =	dma.local @!p0 [hbm:s6], $0xF7A  }
0x23: {  	s9 =	sor.u32 $0xD0000000, s2;
	s6 =	simm.s32 $0x108;
	_ =	swait.ge @!p0 [sflag:s8], $0x0  }
0x24: {  	s3 =	sadd.s32 $0x88, s3;
	s6 =	simm.s32 @!p1 $0x1082;
	[sflag:s4] =	ssyncset.s32 $0xFFFFF086  }
0x25: {  	[simem:s6], [sflag:s4] =	dma.local [hbm:s3], $0xF7A  }
0x26: {  	[smem:$0x3FA0] =	sst s1;
	(tag) =	ssettag s2;
	_ =	strace s9  }
0x27: {  	s1 =	sld [smem:$0x3FB0]  }
0x28: {  	s2 =	sld [smem:$0x3FB1]  }
0x29: {  	s4 =	sld [smem:$0x3FB3]  }
0x2a: {  	p0 =	seq.s32 s5, $0x0;
	s5 =	sld [smem:$0x3FB4]  }
0x2b: {  	s6 =	sld [smem:$0x3FB5]  }
0x2c: {  	s7 =	sld [smem:$0x3FB6]  }
0x2d: {  	s3 =	simm.s32 $0x108;
	s8 =	sld [smem:$0x3FB7]  }
0x2e: {  	s3 =	simm.s32 @!p0 $0x1082;
	s9 =	sld [smem:$0x3FB8]  }
0x2f: {  	lr =	sadd.s32 s0, s3;
	s0 =	sld [smem:$0x3FAF]  }
0x30: {  	s3 =	sld [smem:$0x3FB2]  }
0x31: {  	[smem:$0x3FBB] =	sst s10  }
0x32: {  	s10 =	sld [smem:$0x3FB9];
	_ =	sdelay $0x3  }
0x33: {  	p0 =	seq.s32 s10, $0x1;
	s10 =	sld [smem:$0x3FBB];
	_ =	sdelay $0x3  }
0x34: {  	[smem:$0x3FBB] =	sst s10  }
0x35: {  	s10 =	sld [smem:$0x3FBA];
	_ =	sdelay $0x3  }
0x36: {  	p1 =	seq.s32 s10, $0x1;
	s10 =	sld [smem:$0x3FBB];
	_ =	sdelay $0x3  }
0x37: {  	[smem:$0x3FBB] =	sst s10  }
0x38: {  	s10 =	sld [smem:$0x3FBC]  }
0x39: {  	_ = 	snop;
	(pc) =	sbr.ind lr, $3  }
0x3a: {  	_ = 	snop  }
0x3b: {  	_ = 	snop  }
0x3c: {  	p2 =	seq.s32 s10, $0x1;
	s10 =	sld [smem:$0x3FBB]  }
0x3d: {  	_ =	shalt  }
0x3e: {  	_ =	shalt  }
0x3f: {  	_ =	shalt  }
0x40: {  	_ =	shalt  }
0x41: {  	_ =	shalt  }
0x42: {  	_ =	shalt  }
0x43: {  	_ =	shalt  }
0x44: {  	_ =	shalt  }
0x45: {  	_ =	shalt  }
0x46: {  	_ =	shalt  }
0x47: {  	_ =	shalt  }
0x48: {  	_ =	shalt  }
0x49: {  	_ =	shalt  }
0x4a: {  	_ =	shalt  }
0x4b: {  	_ =	shalt  }
0x4c: {  	_ =	shalt  }
0x4d: {  	_ =	shalt  }
0x4e: {  	_ =	shalt  }
0x4f: {  	_ =	shalt  }
0x50: {  	_ =	shalt  }
0x51: {  	_ =	shalt  }
0x52: {  	_ =	shalt  }
0x53: {  	_ =	shalt  }
0x54: {  	_ =	shalt  }
0x55: {  	_ =	shalt  }
0x56: {  	_ =	shalt  }
0x57: {  	_ =	shalt  }
0x58: {  	_ =	shalt  }
0x59: {  	_ =	shalt  }
0x5a: {  	_ =	shalt  }
0x5b: {  	_ =	shalt  }
0x5c: {  	_ =	shalt  }
0x5d: {  	_ =	shalt  }
0x5e: {  	_ =	shalt  }
0x5f: {  	_ =	shalt  }
0x60: {  	_ =	shalt  }
0x61: {  	_ =	shalt  }
0x62: {  	_ =	shalt  }
0x63: {  	_ =	shalt  }
0x64: {  	_ =	shalt  }
0x65: {  	_ =	shalt  }
0x66: {  	_ =	shalt  }
0x67: {  	_ =	shalt  }
0x68: {  	_ =	shalt  }
0x69: {  	_ =	shalt  }
0x6a: {  	_ =	shalt  }
0x6b: {  	_ =	shalt  }
0x6c: {  	_ =	shalt  }
0x6d: {  	_ =	shalt  }
0x6e: {  	_ =	shalt  }
0x6f: {  	_ =	shalt  }
0x70: {  	_ =	shalt  }
0x71: {  	_ =	shalt  }
0x72: {  	_ =	shalt  }
0x73: {  	_ =	shalt  }
0x74: {  	_ =	shalt  }
0x75: {  	_ =	shalt  }
0x76: {  	_ =	shalt  }
0x77: {  	_ =	shalt  }
0x78: {  	_ =	shalt  }
0x79: {  	_ =	shalt  }
0x7a: {  	_ =	shalt  }
0x7b: {  	_ =	shalt  }
0x7c: {  	_ =	shalt  }
0x7d: {  	_ =	shalt  }
0x7e: {  	_ =	shalt  }
0x7f: {  	_ =	shalt  }
0x80: {  	_ =	shalt  }
0x81: {  	_ =	shalt  }
0x82: {  	_ =	shalt  }
0x83: {  	_ =	shalt  }
0x84: {  	_ =	shalt  }
0x85: {  	_ =	shalt  }
0x86: {  	_ =	shalt  }
0x87: {  	_ =	shalt  }
.Lfunc_end0:
.L_simem_size_0:
called_computation_lowered:
.L_overlay_start_0:
0x88: {  	s2 =	sld [smem:$0x3FD9]  }
0x89: {  	s3 =	sld [smem:$0x3FFE];
	_ =	sdelay $0x1  }
0x8a: {  	s1 =	srdreg.scid  }
0x8b: {  	s0 =	sand.u32 $0x1, s1  }
0x8c: {  	s14 =	sshll.u32 s0, $0xA;
	s2 =	sadd.s32 s3, s2  }
0x8d: {  	s2 =	sadd.s32 s2, s14  }
0x8e: {  	[smem:$0x3FC7] =	sst s2  }
0x8f: {  	_ = 	snop  }
0x90: {  	s2 =	sld [smem:$0x3FD0];
	_ =	sdelay $0x2  }
0x91: {  	s15 =	simm.s32 $0xA;
	s4 =	simm.s32 $0x10  }
0x92: {  	[smem:s4], [sflag:s15] =	dma.local [hbm:s2], $0x1  }
0x93: {  	_ =	swait.eq [sflag:s15], $0x1  }
0x94: {  	[sflag:s15] =	ssyncset.done $0x0  }
0x95: {  	[sflag:s15] =	ssyncadd.s32 $0xFFFFFFFF  }
0x96: {  	s16 =	sld [smem:$0x10];
	(tm) =	ssettm $0x1  }
0x97: {  	s17 =	sld [smem:$0x3FFB];
	_ =	sdelay $0x3  }
0x98: {  	_ =	strace s17  }
0x99: {  	s3 =	sld [smem:$0x3FFC];
	_ =	sdelay $0x3  }
0x9a: {  	_ =	strace s3  }
0x9b: {  	s3 =	sld [smem:$0x3FFD];
	_ =	sdelay $0x3  }
0x9c: {  	_ =	strace s3  }
0x9d: {  	_ =	strace $0x8FFFFFFF  }
0x9e: {  	s18 =	sld [smem:$0x3FDB];
	_ =	sdelay $0x1  }
0x9f: {  	s19 =	simm.s32 $_scs_section_size  }
0xa0: {  	s5 =	simm.s32 $_size__tile_overlayer_lowered;
	s6 =	simm.s32 $_tile_overlayer_lowered  }
0xa1: {  	s22 =	simm.s32 $0x1BFF;
	s21 =	sshll.u32 s6, $0x1;
	s3 =	sadd.s32 s19, s18  }
0xa2: {  	s7 =	simm.s32 $0x0;
	s20 =	sshll.u32 s5, $0x1;
	s5 =	sadd.s32 s21, s3  }
0xa3: {  	[timem:s7], [sflag:s22] =	dma.local [hbm:s5], s20  }
0xa4: {  	_ =	swait.ge [sflag:s22], s20  }
0xa5: {  	s4 =	ssub.s32 $0x0, s20;
	[sflag:s22] =	ssyncset.done $0x0  }
0xa6: {  	[sflag:s22] =	ssyncadd.s32 s4;
	_ =	sdelay $0x1  }
0xa7: {  	s23 =	simm.s32 $0x1B8B  }
0xa8: {  	_ =	swait.ge [sflag:s23], $0x1  }
0xa9: {  	[sflag:s23] =	ssyncset.done $0x0  }
0xaa: {  	s25 =	simm.s32 $0x1B8E;
	s24 =	sld [smem:$0x3FFE];
	[sflag:s23] =	ssyncadd.s32 $0xFFFFFFFF  }
0xab: {  	s26 =	simm.s32 $execute0_lowered;
	[smem:$0x3FD2] =	sst s25  }
0xac: {  	s5 =	sshll.u32 s26, $0x1;
	_ =	strace $0x80000046;
	[dreg:$0x1] =	wrdreg $0xFFFFFFFF  }
0xad: {  	s28 =	simm.s32 $_size_execute0_lowered;
	s3 =	sadd.s32 s3, s5;
	[dreg:$0x0] =	wrdreg $0x0  }
0xae: {  	s5 =	sshll.u32 s28, $0x1;
	[dreg:$0x2] =	wrdreg s3  }
0xaf: {  	[dreg:$0x3] =	wrdreg s5  }
0xb0: {  	[dreg:$0x4] =	wrdreg $0xC0  }
0xb1: {  	_ =	task [dreg:s7], $0x5FFFF  }
0xb2: {  	[dreg:$0x1] =	wrdreg $0xFFFFFFFF  }
0xb3: {  	[dreg:$0x0] =	wrdreg $0x60  }
0xb4: {  	[dreg:$0x2] =	wrdreg s24  }
0xb5: {  	[dreg:$0x3] =	wrdreg s16  }
0xb6: {  	[dreg:$0x4] =	wrdreg $0x9  }
0xb7: {  	_ =	task.clear_ibuf [dreg:s7], $0x5FFFF;
	_ =	strace $0x90000046  }
0xb8: {  	s29 =	simm.s32 $0x9;
	_ =	strace $0x80000048  }
0xb9: {  	_ =	swait.ge [sflag:s29], $0x1  }
0xba: {  	[sflag:s29] =	ssyncadd.s32 $0xFFFFFFFF  }
0xbb: {  	_ =	strace $0x90000048  }
0xbc: {  	_ =	sfence  }
0xbd: {  	s30 =	sld [smem:$0x0];
	_ =	sdelay $0x2  }
0xbe: {  	s31 =	sshll.u32 s1, $0xD;
	s1 =	sshrl.u32 s1, $0x2  }
0xbf: {  	s3 =	sand.u32 $0x4000, s31;
	s1 =	sadd.s32 s1, s30  }
0xc0: {  	s0 =	sor.u32 s3, s0;
	s1 =	sshll.u32 s1, $0x11  }
0xc1: {  	s0 =	sor.u32 s1, s0  }
0xc2: {  	s0 =	sadd.s32 $0x8F2B, s0  }
0xc3: {  	[sflag:s0] =	ssyncadd.remote.s32 $0x1  }
0xc4: {  	_ =	sfence.sel $0xFFFF  }
0xc5: {  	[dreg:$0x0] =	wrdreg $0xFFFFFFFF;
	(pc) =	sbr.abs _section_cstart, $3  }
0xc6: {  	[dreg:$0x1] =	wrdreg $0xFFFFFFFF  }
0xc7: {  	_ =	task.clear_ibuf [dreg:s7], $0x2FFFF;
	_ =	strace $0x9FFFFFFF  }
0xc8: {  	(tm) =	ssettm $0x7FFFFFFF  }
0xc9: {  	_ =	shalt  }
tec
execute0_lowered:
.L_overlay_start_1:
0x0: {  	(tag) =	ssettag $0x1  }
0x1: {  	s0 =	stileid.u32  }
0x2: {  	s3 =	rddreg [dreg:$0x0];
	s1 =	srdreg.scid  }
0x3: {  	s8 =	rddreg [dreg:$0x1];
	s12 =	simm.s32 $0x6000;
	s13 =	simm.s32 $0x1  }
0x4: {  	s14 =	simm.s32 $0x8000;
	s15 =	simm.s32 $0xA000;
	s16 =	simm.s32 $0xC000  }
0x5: {  	s17 =	simm.s32 $0xE000;
	s18 =	simm.s32 $0x12180;
	s19 =	simm.s32 $0x12200  }
0x6: {  	s20 =	simm.s32 $0x12480;
	s21 =	simm.s32 $0x12500;
	s2 =	sshll.u32 s0, $0x1  }
0x7: {  	s4 =	sand.u32 $0x1, s1;
	s1 =	rddreg [dreg:$0x2];
	s6 =	sshll.u32 s0, $0x6  }
0x8: {  	s5 =	sand.u32 $0x2, s2;
	s2 =	simm.s32 $0x0;
	s6 =	sand.u32 $0x380, s6  }
0x9: {  	s5 =	sor.u32 s4, s5;
	[smem:$0x7FF] =	sst s2;
	s9 =	sshrl.u32 s6, $0x3  }
0xa: {  	s4 =	ssub.s32 $0x2, s4;
	s7 =	smul.u32 $0xC00, s5;
	_ =	strace $0x80000047  }
0xb: {  	s10 =	sshrl.u32 s4, $0x1;
	s5 =	smul.u32 $0x18000, s5;
	s9 =	sadd.s32 s9, s3  }
0xc: {  	s10 =	ssub.s32 s4, s10;
	s4 =	sadd.s32 $0x5000, s9;
	s7 =	sor.u32 s6, s7  }
0xd: {  	s11 =	sor.u32 s6, s5;
	s5 =	sadd.s32 $0x3000, s9;
	s6 =	sadd.s32 $0x7000, s9  }
0xe: {  	s7 =	sshrl.u32 s7, $0x3;
	s31 =	sshrl.u32 s11, $0x3;
	s11 =	simm.s32 $0x400  }
0xf: {  	s7 =	sadd.s32 s7, s3;
	s3 =	sadd.s32 $0x1000, s9;
	s8 =	sadd.s32 s8, s31  }
0x10: {  	v0 =	vimm.s32 $0x0;
	v1 =	vimm.s32 $0x7FFFFFFF;
	v2 =	vlaneseq.u32;
	s9 =	smax.u32 s10, $0x1;
	s10 =	simm.s32 $0x80;
	s7 =	sadd.s32 $0x9000, s7  }
.LBB2_1:
0x11: {  	[tilespmem:s12], [sflag:$0x1] =	stream.strided.gather [hbm4b:s3+s10], $0x2000, s11, s10, $0x38;
	[tilespmem:$0x15500] =	vst v63  }
0x12: {  	_ =	swait.ge [sflag:s13], $0x2000  }
0x13: {  	[sflag:s13] =	ssyncset.done $0x0  }
0x14: {  	[sflag:s13] =	ssyncadd.s32 $0xFFFFE000  }
0x15: {  	[tilespmem:s14], [sflag:$0x1] =	stream.strided.gather [hbm4b:s4+s10], $0x2000, s11, s10, $0x38;
	[tilespmem:$0x15500] =	vst v63  }
0x16: {  	_ =	swait.ge [sflag:s13], $0x2000  }
0x17: {  	[sflag:s13] =	ssyncset.done $0x0  }
0x18: {  	[sflag:s13] =	ssyncadd.s32 $0xFFFFE000  }
0x19: {  	[tilespmem:s15], [sflag:$0x1] =	stream.strided.gather [hbm4b:s5+s10], $0x2000, s11, s10, $0x38;
	[tilespmem:$0x15500] =	vst v63  }
0x1a: {  	_ =	swait.ge [sflag:s13], $0x2000  }
0x1b: {  	[sflag:s13] =	ssyncset.done $0x0  }
0x1c: {  	[sflag:s13] =	ssyncadd.s32 $0xFFFFE000  }
0x1d: {  	[tilespmem:s16], [sflag:$0x1] =	stream.strided.gather [hbm4b:s6+s10], $0x2000, s11, s10, $0x38;
	[tilespmem:$0x15500] =	vst v63  }
0x1e: {  	_ =	swait.ge [sflag:s13], $0x2000  }
0x1f: {  	[sflag:s13] =	ssyncset.done $0x0  }
0x20: {  	[sflag:s13] =	ssyncadd.s32 $0xFFFFE000  }
0x21: {  	[tilespmem:s17], [sflag:$0x1] =	stream.strided.gather [hbm4b:s7+s10], $0x180, s11, s10, $0x38;
	[tilespmem:$0x15500] =	vst v63  }
0x22: {  	_ =	swait.ge [sflag:s13], $0x180  }
0x23: {  	[sflag:s13] =	ssyncset.done $0x0  }
0x24: {  	s22 =	simm.s32 $0x0;
	[sflag:s13] =	ssyncadd.s32 $0xFFFFFE80  }
0x25: {  	v4 =	vld [tilespmem:s22+$0xA000]  }
0x26: {  	v6 =	vld [tilespmem:s22+$0x6000]  }
0x27: {  	v7 =	vld [tilespmem:s22+$0x8000];
	_ =	sdelay $0x2  }
0x28: {  	s23 =	simm.s32 $0x10;
	v3 =	vshrl.u32 v4, $0x10  }
0x29: {  	v5 =	vshrl.u32 v6, $0x10;
	v8 =	vand.u32 $0x1, v3;
	v3 =	vld [tilespmem:s23+$0xA000]  }
0x2a: {  	v10 =	vshrl.u32 v7, $0x10;
	v9 =	vand.u32 $0x1, v5;
	v5 =	vld [tilespmem:s23+$0x6000];
	v4 =	vadd.s32 v8, v4  }
0x2b: {  	v6 =	vadd.s32 v9, v6;
	v8 =	vand.u32 $0x1, v10;
	v63 =	vadd.s32 $0x7FFF, v4;
	v4 =	vld [tilespmem:s23+$0x8000]  }
0x2c: {  	v6 =	vadd.s32 $0x7FFF, v6;
	v7 =	vadd.s32 v8, v7;
	v8 =	vand.u32 $0xFFFF0000, v63  }
0x2d: {  	s24 =	simm.s32 $0x80;
	v6 =	vand.u32 $0xFFFF0000, v6;
	v7 =	vadd.s32 $0x7FFF, v7;
	[tilespmem:s22+$0x4000] =	vst v8  }
.LBB2_2:
0x2e: {  	s25 =	sshra.s32 s24, $0x2;
	p0 =	sne.s32 s24, $0x7FC0;
	s24 =	sadd.s32 $0x40, s24;
	v12 =	vshrl.u32 v3, $0x10;
	[tilespmem:s22+$0x0] =	vst v6;
	v10 =	vand.u32 $0xFFFF0000, v7;
	v7 =	vmov v3  }
.Ltmp0:
0x2f: {  	v3 =	vld [tilespmem:s25+$0xA000];
	v9 =	vshrl.u32 v5, $0x10;
	v11 =	vand.u32 $0x1, v12;
	[tilespmem:s22+$0x2000] =	vst v10;
	v6 =	vmov v5;
	s22 =	smov.u32 s23;
	s23 =	smov.u32 s25;
	(pc) =	sbr.rel @p0 .LBB2_2-.Ltmp0, $4  }
0x30: {  	v5 =	vld [tilespmem:s23+$0x6000];
	v9 =	vand.u32 $0x1, v9;
	v10 =	vshrl.u32 v4, $0x10;
	v7 =	vadd.s32 v11, v7;
	v8 =	vmovc v4  }
0x31: {  	v4 =	vld [tilespmem:s23+$0x8000];
	v6 =	vadd.s32 v9, v6;
	v9 =	vand.u32 $0x1, v10;
	v7 =	vadd.s32 $0x7FFF, v7  }
0x32: {  	v6 =	vadd.s32 $0x7FFF, v6;
	v8 =	vadd.s32 v9, v8;
	v9 =	vand.u32 $0xFFFF0000, v7  }
0x33: {  	v6 =	vand.u32 $0xFFFF0000, v6;
	v7 =	vadd.s32 $0x7FFF, v8;
	[tilespmem:s22+$0x4000] =	vst v9  }
0x34: {  	v8 =	vshrl.u32 v3, $0x10  }
0x35: {  	v7 =	vand.u32 $0xFFFF0000, v7;
	v9 =	vshrl.u32 v5, $0x10;
	v8 =	vand.u32 $0x1, v8  }
0x36: {  	v9 =	vand.u32 $0x1, v9;
	v3 =	vadd.s32 v8, v3;
	v60 =	vshrl.u32 v4, $0x10  }
0x37: {  	[tilespmem:s22+$0x0] =	vst v6;
	v61 =	vadd.s32 v9, v5;
	v62 =	vand.u32 $0x1, v60;
	v3 =	vadd.s32 $0x7FFF, v3  }
0x38: {  	[tilespmem:s22+$0x2000] =	vst v7;
	v5 =	vadd.s32 $0x7FFF, v61;
	v63 =	vadd.s32 v62, v4;
	v3 =	vand.u32 $0xFFFF0000, v3  }
0x39: {  	v5 =	vand.u32 $0xFFFF0000, v5;
	v4 =	vadd.s32 $0x7FFF, v63;
	[tilespmem:s23+$0x4000] =	vst v3  }
0x3a: {  	[tilespmem:s23+$0x0] =	vst v5;
	v3 =	vand.u32 $0xFFFF0000, v4  }
0x3b: {  	s22 =	simm.s32 $0x0;
	[tilespmem:s23+$0x2000] =	vst v3  }
.LBB2_4:
0x3c: {  	s23 =	smul.u32 $0x6, s22;
	_ =	sdelay $0x1  }
0x3d: {  	v3 =	vmov s23  }
0x3e: {  	v4 =	vor.u32 $0x1, v3  }
0x3f: {  	s23 =	sshllo.u32 s22, $0x1  }
0x40: {  	v5 =	vadd.s32 $0x2, v3;
	s24 =	smul.u32 $0x3, s23;
	_ =	sdelay $0x1  }
0x41: {  	v6 =	vld.idx.msk [tilespmem:v3+s17+$0x0], $0xffff;
	v3 =	vmov s24  }
0x42: {  	v7 =	vld.idx.msk [tilespmem:v4+s17+$0x0], $0xffff;
	v4 =	vadd.s32 $0x1, v3;
	_ =	sdelay $0x1  }
0x43: {  	v8 =	vld.idx.msk [tilespmem:v5+s17+$0x0], $0xffff;
	v5 =	vadd.s32 $0x2, v3;
	_ =	sdelay $0x1  }
0x44: {  	v3 =	vld.idx.msk [tilespmem:v3+s17+$0x0], $0xffff  }
0x45: {  	v9 =	vmul.f32 v6, v6;
	v10 =	vmul.f32 v7, v7;
	v4 =	vld.idx.msk [tilespmem:v4+s17+$0x0], $0xffff;
	_ =	sdelay $0x1  }
0x46: {  	v11 =	vshrl.u32 v6, $0x10;
	v5 =	vld.idx.msk [tilespmem:v5+s17+$0x0], $0xffff;
	v9 =	vadd.f32 v10, v9;
	v10 =	vmul.f32 v8, v8  }
0x47: {  	v11 =	vand.u32 $0x1, v11;
	v12 =	vshrl.u32 v7, $0x10  }
0x48: {  	v9 =	vadd.f32 v10, v9;
	v10 =	vadd.s32 v11, v6;
	v11 =	vand.u32 $0x1, v12  }
0x49: {  	v12 =	vshrl.u32 v8, $0x10;
	v13 =	vmul.f32 v3, v3;
	v14 =	vmul.f32 v4, v4  }
0x4a: {  	v10 =	vadd.s32 $0x7FFF, v10;
	v11 =	vadd.s32 v11, v7;
	v12 =	vand.u32 $0x1, v12  }
0x4b: {  	[tilespmem:$0x12180] =	vst v0;
	v15 =	vshrl.u32 v4, $0x10;
	v16 =	vshrl.u32 v5, $0x10;
	v12 =	vadd.s32 v12, v8  }
0x4c: {  	[tilespmem:$0x12190] =	vst v0;
	v10 =	vand.u32 $0xFFFF0000, v10;
	v13 =	vadd.f32 v14, v13;
	v14 =	vmul.f32 v5, v5  }
0x4d: {  	[tilespmem:$0x121A0] =	vst v0;
	v11 =	vadd.s32 $0x7FFF, v11;
	v15 =	vand.u32 $0x1, v15;
	v16 =	vand.u32 $0x1, v16  }
0x4e: {  	[tilespmem:$0x121B0] =	vst v0;
	v12 =	vadd.s32 $0x7FFF, v12;
	v13 =	vadd.f32 v14, v13;
	v14 =	vshrl.u32 v3, $0x10  }
0x4f: {  	[tilespmem:$0x121C0] =	vst v0;
	v11 =	vand.u32 $0xFFFF0000, v11;
	v15 =	vadd.s32 v15, v4;
	v14 =	vand.u32 $0x1, v14  }
0x50: {  	[tilespmem:$0x121D0] =	vst v0;
	v16 =	vadd.s32 v16, v5;
	v12 =	vand.u32 $0xFFFF0000, v12;
	v14 =	vadd.s32 v14, v3  }
0x51: {  	[tilespmem:$0x121E0] =	vst v0;
	v15 =	vadd.s32 $0x7FFF, v15;
	v16 =	vadd.s32 $0x7FFF, v16;
	v14 =	vadd.s32 $0x7FFF, v14  }
0x52: {  	s24 =	simm.s32 $0x0;
	[tilespmem:$0x121F0] =	vst v0;
	v15 =	vand.u32 $0xFFFF0000, v15;
	v16 =	vand.u32 $0xFFFF0000, v16;
	v14 =	vand.u32 $0xFFFF0000, v14  }
.LBB2_5:
0x53: {  	s25 =	sshra.s32 s24, $0x2  }
0x54: {  	v17 =	vld [tilespmem:s25+$0x0]  }
0x55: {  	v18 =	vld [tilespmem:s25+$0x2000];
	_ =	sdelay $0x1  }
0x56: {  	v19 =	vld [tilespmem:s25+$0x4000];
	_ =	sdelay $0x2  }
0x57: {  	v20 =	vmul.f32 v10, v17;
	v21 =	vmul.f32 v11, v18  }
0x58: {  	v17 =	vmul.f32 v14, v17;
	v18 =	vmul.f32 v15, v18  }
0x59: {  	v42 =	vmul.f32 v12, v19;
	v20 =	vadd.f32 v21, v20  }
0x5a: {  	v17 =	vadd.f32 v18, v17;
	v18 =	vmul.f32 v16, v19  }
0x5b: {  	v19 =	vadd.f32 v42, v20  }
0x5c: {  	v43 =	vld [tilespmem:s25+$0xC000];
	v17 =	vadd.f32 v18, v17  }
0x5d: {  	v18 =	vadd.f32 v19, v19  }
0x5e: {  	v17 =	vadd.f32 v17, v17  }
0x5f: {  	v18 =	vsub.f32 v9, v18  }
0x60: {  	v17 =	vsub.f32 v13, v17  }
0x61: {  	v18 =	vadd.f32 v18, v43  }
0x62: {  	v17 =	vadd.f32 v17, v43  }
0x63: {  	v19 =	vshra.s32 v18, $0x1F  }
0x64: {  	v20 =	vshra.s32 v17, $0x1F;
	v19 =	vor.u32 $0x80000000, v19  }
0x65: {  	v18 =	vxor.u32 v18, v19;
	v19 =	vor.u32 $0x80000000, v20  }
0x66: {  	v44 =	vshrl.u32 v18, $0x1A;
	v17 =	vxor.u32 v17, v19  }
0x67: {  	(xrf1) =	vunique.msk.u32 $0xffff, v44;
	v19 =	vshrl.u32 v17, $0x1A  }
0x68: {  	v19 =	vor.u32 $0x40, v19  }
0x69: {  	(xrf1) =	vunique.msk.u32 $0xffff, v19;
	_ =	sdelay $0xb  }
0x6a: {  	_, v45, vm0 =	vpop (xrf1);
	_ =	sdelay $0x1  }
0x6b: {  	_, v22, vm1 =	vpop (xrf1);
	_ =	sdelay $0x2  }
0x6c: {  	[tilespmem:s25+$0xE180] =	vst v18  }
0x6d: {  	[tilespmem:v44+s18+$0x0] =	vst.idx.add.s32.msk vm0, v45  }
0x6e: {  	[tilespmem:s25+$0x10180] =	vst v17  }
0x6f: {  	[tilespmem:v19+s18+$0x0] =	vst.idx.add.s32.msk vm1, v22  }
0x70: {  	v17 =	vld [tilespmem:s25+$0x10]  }
0x71: {  	v18 =	vld [tilespmem:s25+$0x2010];
	_ =	sdelay $0x1  }
0x72: {  	v19 =	vld [tilespmem:s25+$0x4010];
	_ =	sdelay $0x2  }
0x73: {  	v46 =	vmul.f32 v10, v17;
	v47 =	vmul.f32 v11, v18  }
0x74: {  	v17 =	vmul.f32 v14, v17;
	v18 =	vmul.f32 v15, v18  }
0x75: {  	v48 =	vmul.f32 v12, v19;
	v20 =	vadd.f32 v47, v46  }
0x76: {  	v17 =	vadd.f32 v18, v17;
	v18 =	vmul.f32 v16, v19  }
0x77: {  	v19 =	vadd.f32 v48, v20  }
0x78: {  	v49 =	vld [tilespmem:s25+$0xC010];
	v17 =	vadd.f32 v18, v17  }
0x79: {  	v18 =	vadd.f32 v19, v19  }
0x7a: {  	v17 =	vadd.f32 v17, v17  }
0x7b: {  	v18 =	vsub.f32 v9, v18  }
0x7c: {  	v17 =	vsub.f32 v13, v17  }
0x7d: {  	v18 =	vadd.f32 v18, v49  }
0x7e: {  	v17 =	vadd.f32 v17, v49  }
0x7f: {  	v19 =	vshra.s32 v18, $0x1F  }
0x80: {  	v20 =	vshra.s32 v17, $0x1F;
	v19 =	vor.u32 $0x80000000, v19  }
0x81: {  	v18 =	vxor.u32 v18, v19;
	v19 =	vor.u32 $0x80000000, v20  }
0x82: {  	v50 =	vshrl.u32 v18, $0x1A;
	v17 =	vxor.u32 v17, v19  }
0x83: {  	(xrf1) =	vunique.msk.u32 $0xffff, v50;
	v19 =	vshrl.u32 v17, $0x1A  }
0x84: {  	v19 =	vor.u32 $0x40, v19  }
0x85: {  	(xrf1) =	vunique.msk.u32 $0xffff, v19;
	_ =	sdelay $0xb  }
0x86: {  	_, v51, vm13 =	vpop (xrf1);
	_ =	sdelay $0x1  }
0x87: {  	_, v22, vm1 =	vpop (xrf1);
	_ =	sdelay $0x2  }
0x88: {  	[tilespmem:s25+$0xE190] =	vst v18  }
0x89: {  	[tilespmem:v50+s18+$0x0] =	vst.idx.add.s32.msk vm13, v51  }
0x8a: {  	[tilespmem:s25+$0x10190] =	vst v17  }
0x8b: {  	[tilespmem:v19+s18+$0x0] =	vst.idx.add.s32.msk vm1, v22  }
0x8c: {  	v17 =	vld [tilespmem:s25+$0x20]  }
0x8d: {  	v18 =	vld [tilespmem:s25+$0x2020];
	_ =	sdelay $0x1  }
0x8e: {  	v19 =	vld [tilespmem:s25+$0x4020];
	_ =	sdelay $0x2  }
0x8f: {  	v52 =	vmul.f32 v10, v17;
	v53 =	vmul.f32 v11, v18  }
0x90: {  	v17 =	vmul.f32 v14, v17;
	v18 =	vmul.f32 v15, v18  }
0x91: {  	v54 =	vmul.f32 v12, v19;
	v20 =	vadd.f32 v53, v52  }
0x92: {  	v17 =	vadd.f32 v18, v17;
	v18 =	vmul.f32 v16, v19  }
0x93: {  	v19 =	vadd.f32 v54, v20  }
0x94: {  	v55 =	vld [tilespmem:s25+$0xC020];
	v17 =	vadd.f32 v18, v17  }
0x95: {  	v18 =	vadd.f32 v19, v19  }
0x96: {  	v17 =	vadd.f32 v17, v17  }
0x97: {  	v18 =	vsub.f32 v9, v18  }
0x98: {  	v17 =	vsub.f32 v13, v17  }
0x99: {  	v18 =	vadd.f32 v18, v55  }
0x9a: {  	v17 =	vadd.f32 v17, v55  }
0x9b: {  	v19 =	vshra.s32 v18, $0x1F  }
0x9c: {  	v20 =	vshra.s32 v17, $0x1F;
	v19 =	vor.u32 $0x80000000, v19  }
0x9d: {  	v18 =	vxor.u32 v18, v19;
	v19 =	vor.u32 $0x80000000, v20  }
0x9e: {  	v56 =	vshrl.u32 v18, $0x1A;
	v17 =	vxor.u32 v17, v19  }
0x9f: {  	(xrf1) =	vunique.msk.u32 $0xffff, v56;
	v19 =	vshrl.u32 v17, $0x1A  }
0xa0: {  	v19 =	vor.u32 $0x40, v19  }
0xa1: {  	(xrf1) =	vunique.msk.u32 $0xffff, v19;
	_ =	sdelay $0xb  }
0xa2: {  	_, v57, vm14 =	vpop (xrf1);
	_ =	sdelay $0x1  }
0xa3: {  	_, v22, vm1 =	vpop (xrf1);
	_ =	sdelay $0x2  }
0xa4: {  	[tilespmem:s25+$0xE1A0] =	vst v18  }
0xa5: {  	[tilespmem:v56+s18+$0x0] =	vst.idx.add.s32.msk vm14, v57  }
0xa6: {  	[tilespmem:s25+$0x101A0] =	vst v17  }
0xa7: {  	[tilespmem:v19+s18+$0x0] =	vst.idx.add.s32.msk vm1, v22  }
0xa8: {  	v17 =	vld [tilespmem:s25+$0x30]  }
0xa9: {  	v18 =	vld [tilespmem:s25+$0x2030];
	_ =	sdelay $0x1  }
0xaa: {  	v19 =	vld [tilespmem:s25+$0x4030];
	_ =	sdelay $0x2  }
0xab: {  	v58 =	vmul.f32 v10, v17;
	v59 =	vmul.f32 v11, v18  }
0xac: {  	v17 =	vmul.f32 v14, v17;
	v18 =	vmul.f32 v15, v18  }
0xad: {  	v60 =	vmul.f32 v12, v19;
	v20 =	vadd.f32 v59, v58  }
0xae: {  	v17 =	vadd.f32 v18, v17;
	v18 =	vmul.f32 v16, v19  }
0xaf: {  	v19 =	vadd.f32 v60, v20  }
0xb0: {  	v61 =	vld [tilespmem:s25+$0xC030];
	v17 =	vadd.f32 v18, v17  }
0xb1: {  	v18 =	vadd.f32 v19, v19  }
0xb2: {  	v17 =	vadd.f32 v17, v17  }
0xb3: {  	v18 =	vsub.f32 v9, v18  }
0xb4: {  	v17 =	vsub.f32 v13, v17  }
0xb5: {  	v18 =	vadd.f32 v18, v61  }
0xb6: {  	v17 =	vadd.f32 v17, v61  }
0xb7: {  	v19 =	vshra.s32 v18, $0x1F  }
0xb8: {  	v20 =	vshra.s32 v17, $0x1F;
	v19 =	vor.u32 $0x80000000, v19  }
0xb9: {  	v18 =	vxor.u32 v18, v19;
	v19 =	vor.u32 $0x80000000, v20  }
0xba: {  	v62 =	vshrl.u32 v18, $0x1A;
	v17 =	vxor.u32 v17, v19  }
0xbb: {  	(xrf1) =	vunique.msk.u32 $0xffff, v62;
	v19 =	vshrl.u32 v17, $0x1A  }
0xbc: {  	v19 =	vor.u32 $0x40, v19  }
0xbd: {  	(xrf1) =	vunique.msk.u32 $0xffff, v19;
	_ =	sdelay $0xb  }
0xbe: {  	_, v63, vm15 =	vpop (xrf1);
	_ =	sdelay $0x1  }
0xbf: {  	_, v22, vm1 =	vpop (xrf1)  }
0xc0: {  	p0 =	sne.s32 s24, $0x7F00  }
.Ltmp1:
0xc1: {  	_ = 	snop;
	(pc) =	sbr.rel @p0 .LBB2_5-.Ltmp1, $4  }
0xc2: {  	[tilespmem:s25+$0xE1B0] =	vst v18  }
0xc3: {  	[tilespmem:v62+s18+$0x0] =	vst.idx.add.s32.msk vm15, v63  }
0xc4: {  	[tilespmem:s25+$0x101B0] =	vst v17  }
0xc5: {  	s24 =	sadd.s32 $0x100, s24;
	[tilespmem:v19+s18+$0x0] =	vst.idx.add.s32.msk vm1, v22  }
0xc6: {  	v9 =	vld [tilespmem:$0x12180];
	_ =	sdelay $0x4  }
0xc7: {  	(xrf0) =	vadd.scan.msk.s32 $0xffff, v9;
	_ =	sdelay $0x5  }
0xc8: {  	v9, _, _ =	vpop (xrf0)  }
0xc9: {  	v10 =	vxor.u32 $0x80000000, v9  }
0xca: {  	(xrf0) =	vmax.scan.msk.u32 $0xffff, v10;
	_ =	sdelay $0x5  }
0xcb: {  	v10, _, _ =	vpop (xrf0)  }
0xcc: {  	(v2sf) =	vpush v10, $0xF;
	_ =	sdelay $0x4  }
0xcd: {  	v10 =	vld [tilespmem:$0x12190];
	_ =	sdelay $0x4  }
0xce: {  	(xrf0) =	vadd.scan.msk.s32 $0xffff, v10;
	_ =	sdelay $0x4  }
0xcf: {  	s24 =	spop (v2sf)  }
0xd0: {  	v10, _, _ =	vpop (xrf0);
	s24 =	sxor.u32 $0x80000000, s24  }
0xd1: {  	v11 =	vadd.s32 s24, v10  }
0xd2: {  	v10 =	vxor.u32 $0x80000000, v11  }
0xd3: {  	(xrf0) =	vmax.scan.msk.u32 $0xffff, v10;
	_ =	sdelay $0x5  }
0xd4: {  	v10, _, _ =	vpop (xrf0)  }
0xd5: {  	(v2sf) =	vpush v10, $0xF;
	_ =	sdelay $0x4  }
0xd6: {  	v10 =	vld [tilespmem:$0x121A0];
	_ =	sdelay $0x4  }
0xd7: {  	(xrf0) =	vadd.scan.msk.s32 $0xffff, v10;
	_ =	sdelay $0x4  }
0xd8: {  	s31 =	spop (v2sf)  }
0xd9: {  	v10, _, _ =	vpop (xrf0);
	s24 =	sxor.u32 $0x80000000, s31  }
0xda: {  	v12 =	vadd.s32 s24, v10  }
0xdb: {  	v10 =	vxor.u32 $0x80000000, v12  }
0xdc: {  	(xrf0) =	vmax.scan.msk.u32 $0xffff, v10;
	_ =	sdelay $0x5  }
0xdd: {  	v10, _, _ =	vpop (xrf0)  }
0xde: {  	(v2sf) =	vpush v10, $0xF;
	_ =	sdelay $0x4  }
0xdf: {  	v10 =	vld [tilespmem:$0x121B0];
	_ =	sdelay $0x4  }
0xe0: {  	(xrf0) =	vadd.scan.msk.s32 $0xffff, v10;
	_ =	sdelay $0x2  }
0xe1: {  	vm4 =	vgt.s32 v11, $0x1F;
	vm5 =	vgt.s32 v12, $0x1F  }
0xe2: {  	vm0 =	vgt.s32 v9, $0x1F;
	v13 =	vmctz.xlane vm4;
	v15 =	vmctz.xlane vm5  }
0xe3: {  	v10 =	vmctz.xlane vm0;
	s25 =	spop (v2sf)  }
0xe4: {  	vm7 =	vgt.s32 v15, $0xF;
	vm0 =	vgt.s32 v13, $0xF;
	v14, _, _ =	vpop (xrf0);
	s24 =	sxor.u32 $0x80000000, s25  }
0xe5: {  	v13 =	vadd.s32 $0x10, v13;
	vm1 =	vgt.s32 v10, $0xF;
	v14 =	vadd.s32 s24, v14  }
0xe6: {  	v13 =	vsel vm0, $0x270F, v13;
	v10 =	vsel vm1, $0x270F, v10;
	vm6 =	vgt.s32 v14, $0x1F  }
0xe7: {  	v15 =	vadd.s32 $0x20, v15;
	vm0 =	vlt.s32 v10, v13;
	v16 =	vmctz.xlane vm6  }
0xe8: {  	v10 =	vsel vm0, v10, v13;
	v13 =	vsel vm7, $0x270F, v15  }
0xe9: {  	vm0 =	vlt.s32 v10, v13;
	vm8 =	vgt.s32 v16, $0xF;
	v15 =	vadd.s32 $0x30, v16  }
0xea: {  	v10 =	vsel vm0, v10, v13;
	v13 =	vsel vm8, $0x270F, v15;
	v15 =	vld [tilespmem:$0x121C0]  }
0xeb: {  	vm0 =	vlt.s32 v10, v13  }
0xec: {  	v10 =	vsel vm0, v10, v13  }
0xed: {  	v10 =	vxor.u32 $0x80000000, v10  }
0xee: {  	(xrf0) =	vmin.scan.msk.u32 $0xffff, v10  }
0xef: {  	(xrf0) =	vadd.scan.msk.s32 $0xffff, v15;
	_ =	sdelay $0x4  }
0xf0: {  	v10, _, _ =	vpop (xrf0)  }
0xf1: {  	v13, _, _ =	vpop (xrf0)  }
0xf2: {  	v15 =	vxor.u32 $0x80000000, v13  }
0xf3: {  	(xrf0) =	vmax.scan.msk.u32 $0xffff, v15;
	_ =	sdelay $0x5  }
0xf4: {  	(v2sf) =	vpush v10, $0xF;
	v10, _, _ =	vpop (xrf0)  }
0xf5: {  	(v2sf) =	vpush v10, $0xF;
	_ =	sdelay $0x4  }
0xf6: {  	v10 =	vld [tilespmem:$0x121D0];
	_ =	sdelay $0x4  }
0xf7: {  	(xrf0) =	vadd.scan.msk.s32 $0xffff, v10;
	_ =	sdelay $0x3  }
0xf8: {  	s26 =	spop (v2sf)  }
0xf9: {  	s25 =	spop (v2sf)  }
0xfa: {  	v10, _, _ =	vpop (xrf0);
	s25 =	sxor.u32 $0x80000000, s25  }
0xfb: {  	v15 =	vadd.s32 s25, v10  }
0xfc: {  	v10 =	vxor.u32 $0x80000000, v15  }
0xfd: {  	(xrf0) =	vmax.scan.msk.u32 $0xffff, v10;
	_ =	sdelay $0x5  }
0xfe: {  	v10, _, _ =	vpop (xrf0)  }
0xff: {  	(v2sf) =	vpush v10, $0xF;
	_ =	sdelay $0x4  }
0x100: {  	v10 =	vld [tilespmem:$0x121E0];
	_ =	sdelay $0x4  }
0x101: {  	(xrf0) =	vadd.scan.msk.s32 $0xffff, v10;
	_ =	sdelay $0x4  }
0x102: {  	s28 =	spop (v2sf)  }
0x103: {  	v10, _, _ =	vpop (xrf0);
	s25 =	sxor.u32 $0x80000000, s28  }
0x104: {  	v60 =	vadd.s32 s25, v10  }
0x105: {  	v10 =	vxor.u32 $0x80000000, v60  }
0x106: {  	(xrf0) =	vmax.scan.msk.u32 $0xffff, v10;
	_ =	sdelay $0x5  }
0x107: {  	v10, _, _ =	vpop (xrf0)  }
0x108: {  	(v2sf) =	vpush v10, $0xF;
	_ =	sdelay $0x4  }
0x109: {  	v10 =	vld [tilespmem:$0x121F0];
	_ =	sdelay $0x4  }
0x10a: {  	(xrf0) =	vadd.scan.msk.s32 $0xffff, v10;
	_ =	sdelay $0x2  }
0x10b: {  	vm10 =	vgt.s32 v15, $0x1F  }
0x10c: {  	vm9 =	vgt.s32 v13, $0x1F;
	v17 =	vmctz.xlane vm10  }
0x10d: {  	vm12 =	vgt.s32 v60, $0x1F;
	v10 =	vmctz.xlane vm9;
	s29 =	spop (v2sf)  }
0x10e: {  	vm0 =	vgt.s32 v17, $0xF;
	v17 =	vadd.s32 $0x10, v17;
	v19 =	vmctz.xlane vm12;
	v18, _, _ =	vpop (xrf0);
	s25 =	sxor.u32 $0x80000000, s29  }
0x10f: {  	v17 =	vsel vm0, $0x270F, v17;
	vm11 =	vgt.s32 v10, $0xF;
	v18 =	vadd.s32 s25, v18  }
0x110: {  	vm14 =	vgt.s32 v19, $0xF;
	v10 =	vsel vm11, $0x270F, v10;
	vm13 =	vgt.s32 v18, $0x1F  }
0x111: {  	v19 =	vadd.s32 $0x20, v19;
	vm0 =	vlt.s32 v10, v17;
	v20 =	vmctz.xlane vm13  }
0x112: {  	v61 =	vsel vm14, $0x270F, v19;
	v10 =	vsel vm0, v10, v17  }
0x113: {  	vm0 =	vlt.s32 v10, v61;
	vm15 =	vgt.s32 v20, $0xF;
	v62 =	vadd.s32 $0x30, v20  }
0x114: {  	v10 =	vsel vm0, v10, v61;
	v63 =	vsel vm15, $0x270F, v62  }
0x115: {  	vm0 =	vlt.s32 v10, v63  }
0x116: {  	v10 =	vsel vm0, v10, v63  }
0x117: {  	v10 =	vxor.u32 $0x80000000, v10  }
0x118: {  	(xrf0) =	vmin.scan.msk.u32 $0xffff, v10;
	_ =	sdelay $0x5  }
0x119: {  	v10, _, _ =	vpop (xrf0)  }
0x11a: {  	(v2sf) =	vpush v10, $0xF;
	_ =	sdelay $0xa  }
0x11b: {  	s24 =	sxor.u32 $0x80000000, s26  }
0x11c: {  	v10 =	vmov s24  }
0x11d: {  	[tilespmem:$0x12200] =	vst v9  }
0x11e: {  	[tilespmem:$0x12210] =	vst v11  }
0x11f: {  	[tilespmem:$0x12220] =	vst v12;
	s30 =	spop (v2sf)  }
0x120: {  	[tilespmem:$0x12230] =	vst v14;
	s31 =	sadd.s32 $0x80000040, s30  }
0x121: {  	v11 =	vld.idx.msk [tilespmem:v10+s19+$0x0], $0xffff;
	v9 =	vmov s31  }
0x122: {  	v12 =	vld.idx.msk [tilespmem:v10+s18+$0x0], $0xffff;
	[tilespmem:$0x12240] =	vst v13  }
0x123: {  	[tilespmem:$0x12250] =	vst v15  }
0x124: {  	[tilespmem:$0x12260] =	vst v60  }
0x125: {  	[tilespmem:$0x12270] =	vst v18  }
0x126: {  	v13 =	vld.idx.msk [tilespmem:v9+s19+$0x0], $0xffff  }
0x127: {  	v14 =	vld.idx.msk [tilespmem:v9+s18+$0x0], $0xffff;
	[tilespmem:$0x12180] =	vst v0  }
0x128: {  	[tilespmem:$0x12190] =	vst v0  }
0x129: {  	[tilespmem:$0x121A0] =	vst v0  }
0x12a: {  	[tilespmem:$0x121B0] =	vst v0  }
0x12b: {  	[tilespmem:$0x121C0] =	vst v0  }
0x12c: {  	[tilespmem:$0x121D0] =	vst v0  }
0x12d: {  	s24 =	sxor.u32 $0x80000000, s30;
	[tilespmem:$0x121E0] =	vst v0  }
0x12e: {  	v9 =	vmov s24;
	[tilespmem:$0x121F0] =	vst v0;
	s24 =	simm.s32 $0x0  }
.LBB2_7:
0x12f: {  	s25 =	sshra.s32 s24, $0x2  }
0x130: {  	v15 =	vld [tilespmem:s25+$0xE180];
	_ =	sdelay $0x4  }
0x131: {  	v16 =	vshrl.u32 v15, $0x1A;
	v15 =	vshrl.u32 v15, $0x14  }
0x132: {  	vm0 =	veq.s32 v16, v10;
	v15 =	vand.u32 $0x3F, v15  }
0x133: {  	(xrf1) =	vunique.msk.u32 vm0, v15;
	_ =	sdelay $0xd  }
0x134: {  	_, v16, vm0 =	vpop (xrf1);
	_ =	sdelay $0x5  }
0x135: {  	[tilespmem:v15+s18+$0x0] =	vst.idx.add.s32.msk vm0, v16  }
0x136: {  	v15 =	vld [tilespmem:s25+$0x10180];
	_ =	sdelay $0x4  }
0x137: {  	v59 =	vshrl.u32 v15, $0x14  }
0x138: {  	v15 =	vshrl.u32 v15, $0x1A;
	v16 =	vand.u32 $0x3F, v59  }
0x139: {  	vm13 =	veq.s32 v15, v9;
	v15 =	vor.u32 $0x40, v16  }
0x13a: {  	(xrf1) =	vunique.msk.u32 vm13, v15;
	_ =	sdelay $0xd  }
0x13b: {  	_, v60, vm0 =	vpop (xrf1);
	_ =	sdelay $0x5  }
0x13c: {  	[tilespmem:v15+s18+$0x0] =	vst.idx.add.s32.msk vm0, v60  }
0x13d: {  	v15 =	vld [tilespmem:s25+$0xE190];
	_ =	sdelay $0x4  }
0x13e: {  	v61 =	vshrl.u32 v15, $0x1A;
	v15 =	vshrl.u32 v15, $0x14  }
0x13f: {  	vm14 =	veq.s32 v61, v10;
	v15 =	vand.u32 $0x3F, v15  }
0x140: {  	(xrf1) =	vunique.msk.u32 vm14, v15;
	_ =	sdelay $0xd  }
0x141: {  	_, v16, vm0 =	vpop (xrf1);
	_ =	sdelay $0x5  }
0x142: {  	[tilespmem:v15+s18+$0x0] =	vst.idx.add.s32.msk vm0, v16  }
0x143: {  	v15 =	vld [tilespmem:s25+$0x10190];
	_ =	sdelay $0x4  }
0x144: {  	v62 =	vshrl.u32 v15, $0x14  }
0x145: {  	v15 =	vshrl.u32 v15, $0x1A;
	v16 =	vand.u32 $0x3F, v62  }
0x146: {  	vm15 =	veq.s32 v15, v9;
	v15 =	vor.u32 $0x40, v16  }
0x147: {  	(xrf1) =	vunique.msk.u32 vm15, v15;
	_ =	sdelay $0xd  }
0x148: {  	_, v63, vm0 =	vpop (xrf1)  }
0x149: {  	p0 =	sne.s32 s24, $0x7F80  }
.Ltmp2:
0x14a: {  	_ = 	snop;
	(pc) =	sbr.rel @p0 .LBB2_7-.Ltmp2, $2  }
0x14b: {  	_ =	sdelay $0x2  }
0x14c: {  	s24 =	sadd.s32 $0x80, s24;
	[tilespmem:v15+s18+$0x0] =	vst.idx.add.s32.msk vm0, v63  }
0x14d: {  	v15 =	vld [tilespmem:$0x12180]  }
0x14e: {  	v11 =	vsub.s32 v11, v12  }
0x14f: {  	v12 =	vsub.s32 v13, v14;
	v11 =	vxor.u32 $0x80000000, v11  }
0x150: {  	(xrf0) =	vmax.scan.msk.u32 $0xffff, v11;
	v11 =	vxor.u32 $0x80000000, v12  }
0x151: {  	(xrf0) =	vmax.scan.msk.u32 $0xffff, v11  }
0x152: {  	(xrf0) =	vadd.scan.msk.s32 $0xffff, v15;
	_ =	sdelay $0x3  }
0x153: {  	v11, _, _ =	vpop (xrf0)  }
0x154: {  	v12, _, _ =	vpop (xrf0)  }
0x155: {  	v13, _, _ =	vpop (xrf0)  }
0x156: {  	v14 =	vxor.u32 $0x80000000, v13  }
0x157: {  	(xrf0) =	vmax.scan.msk.u32 $0xffff, v14;
	_ =	sdelay $0x4  }
0x158: {  	(v2sf) =	vpush v11, $0xF  }
0x159: {  	(v2sf) =	vpush v12, $0xF;
	v11, _, _ =	vpop (xrf0)  }
0x15a: {  	(v2sf) =	vpush v11, $0xF;
	_ =	sdelay $0x4  }
0x15b: {  	v11 =	vld [tilespmem:$0x12190];
	_ =	sdelay $0x4  }
0x15c: {  	(xrf0) =	vadd.scan.msk.s32 $0xffff, v11;
	_ =	sdelay $0x2  }
0x15d: {  	s25 =	spop (v2sf)  }
0x15e: {  	s24 =	spop (v2sf)  }
0x15f: {  	s26 =	spop (v2sf)  }
0x160: {  	v11, _, _ =	vpop (xrf0);
	s26 =	sxor.u32 $0x80000000, s26  }
0x161: {  	v11 =	vadd.s32 s26, v11  }
0x162: {  	v12 =	vxor.u32 $0x80000000, v11  }
0x163: {  	(xrf0) =	vmax.scan.msk.u32 $0xffff, v12;
	_ =	sdelay $0x5  }
0x164: {  	v12, _, _ =	vpop (xrf0)  }
0x165: {  	(v2sf) =	vpush v12, $0xF;
	_ =	sdelay $0x4  }
0x166: {  	v12 =	vld [tilespmem:$0x121A0];
	_ =	sdelay $0x4  }
0x167: {  	(xrf0) =	vadd.scan.msk.s32 $0xffff, v12;
	_ =	sdelay $0x4  }
0x168: {  	s30 =	spop (v2sf)  }
0x169: {  	v12, _, _ =	vpop (xrf0);
	s26 =	sxor.u32 $0x80000000, s30  }
0x16a: {  	v12 =	vadd.s32 s26, v12  }
0x16b: {  	v14 =	vxor.u32 $0x80000000, v12  }
0x16c: {  	(xrf0) =	vmax.scan.msk.u32 $0xffff, v14;
	_ =	sdelay $0x5  }
0x16d: {  	v14, _, _ =	vpop (xrf0)  }
0x16e: {  	(v2sf) =	vpush v14, $0xF;
	_ =	sdelay $0x4  }
0x16f: {  	v14 =	vld [tilespmem:$0x121B0];
	_ =	sdelay $0x4  }
0x170: {  	(xrf0) =	vadd.scan.msk.s32 $0xffff, v14  }
0x171: {  	s25 =	sxor.u32 $0x80000000, s25  }
0x172: {  	s25 =	ssub.s32 $0x20, s25  }
0x173: {  	vm15 =	vge.s32 v11, s25  }
0x174: {  	vm0 =	vge.s32 v13, s25;
	v16 =	vmctz.xlane vm15  }
0x175: {  	vm2 =	vge.s32 v12, s25;
	v14 =	vmctz.xlane vm0;
	s31 =	spop (v2sf)  }
0x176: {  	vm1 =	vgt.s32 v16, $0xF;
	v16 =	vadd.s32 $0x10, v16;
	v17 =	vmctz.xlane vm2;
	v15, _, _ =	vpop (xrf0);
	s26 =	sxor.u32 $0x80000000, s31  }
0x177: {  	v16 =	vsel vm1, $0x270F, v16;
	vm4 =	vgt.s32 v14, $0xF;
	v15 =	vadd.s32 s26, v15  }
0x178: {  	vm2 =	vgt.s32 v17, $0xF;
	v14 =	vsel vm4, $0x270F, v14;
	vm5 =	vge.s32 v15, s25  }
0x179: {  	v17 =	vadd.s32 $0x20, v17;
	vm0 =	vlt.s32 v14, v16;
	v18 =	vmctz.xlane vm5  }
0x17a: {  	v54 =	vsel vm2, $0x270F, v17;
	v14 =	vsel vm0, v14, v16  }
0x17b: {  	vm0 =	vlt.s32 v14, v54;
	vm1 =	vgt.s32 v18, $0xF;
	v55 =	vadd.s32 $0x30, v18  }
0x17c: {  	v57 =	vld [tilespmem:$0x121C0];
	v14 =	vsel vm0, v14, v54;
	v56 =	vsel vm1, $0x270F, v55  }
0x17d: {  	vm0 =	vlt.s32 v14, v56  }
0x17e: {  	v14 =	vsel vm0, v14, v56  }
0x17f: {  	v14 =	vxor.u32 $0x80000000, v14  }
0x180: {  	(xrf0) =	vmin.scan.msk.u32 $0xffff, v14  }
0x181: {  	(xrf0) =	vadd.scan.msk.s32 $0xffff, v57;
	_ =	sdelay $0x4  }
0x182: {  	v14, _, _ =	vpop (xrf0)  }
0x183: {  	v58, _, _ =	vpop (xrf0)  }
0x184: {  	v59 =	vxor.u32 $0x80000000, v58  }
0x185: {  	(xrf0) =	vmax.scan.msk.u32 $0xffff, v59;
	_ =	sdelay $0x5  }
0x186: {  	(v2sf) =	vpush v14, $0xF;
	v14, _, _ =	vpop (xrf0)  }
0x187: {  	(v2sf) =	vpush v14, $0xF;
	_ =	sdelay $0x4  }
0x188: {  	v14 =	vld [tilespmem:$0x121D0];
	_ =	sdelay $0x4  }
0x189: {  	(xrf0) =	vadd.scan.msk.s32 $0xffff, v14;
	_ =	sdelay $0x3  }
0x18a: {  	s25 =	spop (v2sf)  }
0x18b: {  	s30 =	spop (v2sf)  }
0x18c: {  	v14, _, _ =	vpop (xrf0);
	s26 =	sxor.u32 $0x80000000, s30  }
0x18d: {  	v14 =	vadd.s32 s26, v14  }
0x18e: {  	v60 =	vxor.u32 $0x80000000, v14  }
0x18f: {  	(xrf0) =	vmax.scan.msk.u32 $0xffff, v60;
	_ =	sdelay $0x5  }
0x190: {  	v17, _, _ =	vpop (xrf0)  }
0x191: {  	(v2sf) =	vpush v17, $0xF;
	_ =	sdelay $0x4  }
0x192: {  	v61 =	vld [tilespmem:$0x121E0];
	_ =	sdelay $0x4  }
0x193: {  	(xrf0) =	vadd.scan.msk.s32 $0xffff, v61;
	_ =	sdelay $0x4  }
0x194: {  	s31 =	spop (v2sf)  }
0x195: {  	v17, _, _ =	vpop (xrf0);
	s26 =	sxor.u32 $0x80000000, s31  }
0x196: {  	v17 =	vadd.s32 s26, v17  }
0x197: {  	v62 =	vxor.u32 $0x80000000, v17  }
0x198: {  	(xrf0) =	vmax.scan.msk.u32 $0xffff, v62;
	_ =	sdelay $0x3  }
0x199: {  	[tilespmem:$0x12280] =	vst v1  }
0x19a: {  	[tilespmem:$0x12380] =	vst v1  }
0x19b: {  	[tilespmem:$0x12290] =	vst v1;
	v18, _, _ =	vpop (xrf0)  }
0x19c: {  	[tilespmem:$0x12390] =	vst v1;
	(v2sf) =	vpush v18, $0xF  }
0x19d: {  	[tilespmem:$0x122A0] =	vst v1  }
0x19e: {  	[tilespmem:$0x123A0] =	vst v1  }
0x19f: {  	[tilespmem:$0x122B0] =	vst v1  }
0x1a0: {  	[tilespmem:$0x123B0] =	vst v1  }
0x1a1: {  	v63 =	vld [tilespmem:$0x121F0];
	[tilespmem:$0x122C0] =	vst v1  }
0x1a2: {  	[tilespmem:$0x123C0] =	vst v1  }
0x1a3: {  	[tilespmem:$0x122D0] =	vst v1  }
0x1a4: {  	[tilespmem:$0x123D0] =	vst v1  }
0x1a5: {  	[tilespmem:$0x122E0] =	vst v1;
	s24 =	sxor.u32 $0x80000000, s24  }
0x1a6: {  	[tilespmem:$0x123E0] =	vst v1;
	s24 =	ssub.s32 $0x20, s24;
	(xrf0) =	vadd.scan.msk.s32 $0xffff, v63  }
0x1a7: {  	[tilespmem:$0x122F0] =	vst v1;
	vm6 =	vge.s32 v58, s24  }
0x1a8: {  	[tilespmem:$0x12220] =	vst v12;
	v12 =	vmctz.xlane vm6  }
0x1a9: {  	[tilespmem:$0x123F0] =	vst v1;
	vm7 =	vge.s32 v14, s24  }
0x1aa: {  	[tilespmem:$0x12200] =	vst v13;
	vm8 =	vgt.s32 v12, $0xF;
	v13 =	vmctz.xlane vm7  }
0x1ab: {  	[tilespmem:$0x12300] =	vst v1;
	v12 =	vsel vm8, $0x270F, v12;
	s30 =	spop (v2sf)  }
0x1ac: {  	[tilespmem:$0x12210] =	vst v11;
	vm9 =	vgt.s32 v13, $0xF;
	v13 =	vadd.s32 $0x10, v13;
	vm10 =	vge.s32 v17, s24;
	v11, _, _ =	vpop (xrf0);
	s26 =	sxor.u32 $0x80000000, s30  }
0x1ad: {  	[tilespmem:$0x12250] =	vst v14;
	v13 =	vsel vm9, $0x270F, v13;
	v14 =	vmctz.xlane vm10;
	v11 =	vadd.s32 s26, v11  }
0x1ae: {  	[tilespmem:$0x12400] =	vst v1;
	vm0 =	vlt.s32 v12, v13;
	vm11 =	vge.s32 v11, s24  }
0x1af: {  	vm12 =	vgt.s32 v14, $0xF;
	v14 =	vadd.s32 $0x20, v14;
	[tilespmem:$0x12270] =	vst v11;
	v11 =	vmctz.xlane vm11  }
0x1b0: {  	[tilespmem:$0x12310] =	vst v1;
	v12 =	vsel vm0, v12, v13;
	v13 =	vsel vm12, $0x270F, v14  }
0x1b1: {  	[tilespmem:$0x12410] =	vst v1;
	vm0 =	vlt.s32 v12, v13;
	vm13 =	vgt.s32 v11, $0xF;
	v11 =	vadd.s32 $0x30, v11  }
0x1b2: {  	[tilespmem:$0x12230] =	vst v15;
	v12 =	vsel vm0, v12, v13;
	v11 =	vsel vm13, $0x270F, v11  }
0x1b3: {  	[tilespmem:$0x12240] =	vst v58;
	vm0 =	vlt.s32 v12, v11  }
0x1b4: {  	s31 =	simm.s32 $0xE190;
	[tilespmem:$0x12260] =	vst v17;
	v11 =	vsel vm0, v12, v11  }
0x1b5: {  	s25 =	sxor.u32 $0x80000000, s25;
	v13 =	vld [tilespmem:s31+$0xFFFFFFF0];
	v11 =	vxor.u32 $0x80000000, v11  }
0x1b6: {  	v14 =	vmov s25;
	(xrf0) =	vmin.scan.msk.u32 $0xffff, v11  }
0x1b7: {  	v10 =	vshll.u32 v10, $0x1A;
	v12 =	vshll.u32 v14, $0x14  }
0x1b8: {  	v10 =	vor.u32 v10, v12  }
0x1b9: {  	v10 =	vadd.s32 $0x100000, v10  }
0x1ba: {  	s24 =	simm.s32 $0x0;
	v11 =	vxor.u32 $0x80000000, v13;
	vm14 =	vlt.u32 v13, v10  }
0x1bb: {  	v12 =	vor.u32 s24, v2;
	[tilespmem:s24+$0x12280] =	vst.msk vm14, v11  }
0x1bc: {  	[tilespmem:s24+$0x12380] =	vst.msk vm14, v12;
	v12 =	vmpcnt.ones.xlane vm14;
	v13, _, _ =	vpop (xrf0)  }
0x1bd: {  	v11 =	vld [tilespmem:s31+$0x0];
	(v2sf) =	vpush v13, $0xF  }
0x1be: {  	(v2sf) =	vpush v12, $0x0;
	_ =	sdelay $0x3  }
0x1bf: {  	vm15 =	vlt.u32 v11, v10  }
0x1c0: {  	v12 =	vmpcnt.ones.xlane vm15;
	_ =	sdelay $0x1  }
0x1c1: {  	(v2sf) =	vpush v12, $0x0;
	_ =	sdelay $0x6  }
0x1c2: {  	s30 =	spop (v2sf)  }
0x1c3: {  	s25 =	spop (v2sf)  }
0x1c4: {  	s25 =	sadd.s32 $0x0, s25  }
0x1c5: {  	p0 =	slt.s32 s25, $0x90  }
0x1c6: {  	s31 =	simm.s32 $0x10;
	v11 =	vxor.u32 $0x80000000, v11;
	s25 =	simm.s32 @!p0 $0x90  }
0x1c7: {  	v12 =	vor.u32 s31, v2;
	[tilespmem:s25+$0x12280] =	vst.msk vm15, v11  }
0x1c8: {  	s26 =	simm.s32 $0xE1B0;
	[tilespmem:s25+$0x12380] =	vst.msk vm15, v12  }
0x1c9: {  	v11 =	vld [tilespmem:s26+$0xFFFFFFF0]  }
0x1ca: {  	s28 =	spop (v2sf)  }
0x1cb: {  	s29 =	sadd.s32 s25, s28  }
0x1cc: {  	s25 =	simm.s32 $0x20;
	s28 =	simm.s32 $0x40;
	p1 =	slt.s32 s29, $0x90  }
.LBB2_9:
0x1cd: {  	p0 =	sne.s32 s28, $0x1FE0  }
0x1ce: {  	vm0 =	vlt.u32 v11, v10;
	v11 =	vxor.u32 $0x80000000, v11;
	s29 =	simm.s32 @!p1 $0x90;
	s30 =	smov.u32 s28;
	s28 =	sadd.s32 $0x20, s28  }
0x1cf: {  	v12 =	vor.u32 s25, v2;
	[tilespmem:s29+$0x12280] =	vst.msk vm0, v11;
	v11 =	vmpcnt.ones.xlane vm0  }
0x1d0: {  	[tilespmem:s29+$0x12380] =	vst.msk vm0, v12  }
0x1d1: {  	v12 =	vld [tilespmem:s26+$0x0];
	(v2sf) =	vpush v11, $0x0;
	_ =	sdelay $0x4  }
0x1d2: {  	vm0 =	vlt.u32 v12, v10  }
0x1d3: {  	v11 =	vmpcnt.ones.xlane vm0;
	_ =	sdelay $0x1  }
0x1d4: {  	(v2sf) =	vpush v11, $0x0;
	_ =	sdelay $0x6  }
0x1d5: {  	s31 =	spop (v2sf)  }
0x1d6: {  	s29 =	sadd.s32 s29, s31  }
0x1d7: {  	p1 =	slt.s32 s29, $0x90  }
0x1d8: {  	v11 =	vxor.u32 $0x80000000, v12;
	s31 =	sadd.s32 $0x10, s25;
	s25 =	smov.u32 s30;
	s29 =	simm.s32 @!p1 $0x90  }
0x1d9: {  	v12 =	vor.u32 s31, v2;
	[tilespmem:s29+$0x12280] =	vst.msk vm0, v11  }
0x1da: {  	s26 =	sadd.s32 $0x20, s26;
	[tilespmem:s29+$0x12380] =	vst.msk vm0, v12  }
.Ltmp3:
0x1db: {  	v11 =	vld [tilespmem:s26+$0xFFFFFFF0];
	(pc) =	sbr.rel @p0 .LBB2_9-.Ltmp3, $4  }
0x1dc: {  	_ = 	snop  }
0x1dd: {  	s30 =	spop (v2sf)  }
0x1de: {  	s29 =	sadd.s32 s29, s30  }
0x1df: {  	p1 =	slt.s32 s29, $0x90  }
0x1e0: {  	vm0 =	vlt.u32 v11, v10  }
0x1e1: {  	v12 =	vmpcnt.ones.xlane vm0;
	_ =	sdelay $0x1  }
0x1e2: {  	(v2sf) =	vpush v12, $0x0;
	_ =	sdelay $0x9  }
0x1e3: {  	v11 =	vxor.u32 $0x80000000, v11;
	s29 =	simm.s32 @!p1 $0x90  }
0x1e4: {  	[tilespmem:s29+$0x12280] =	vst.msk vm0, v11;
	v12 =	vor.u32 s25, v2  }
0x1e5: {  	[tilespmem:s29+$0x12380] =	vst.msk vm0, v12  }
0x1e6: {  	v11 =	vld [tilespmem:s26+$0x0];
	_ =	sdelay $0x1  }
0x1e7: {  	s28 =	spop (v2sf)  }
0x1e8: {  	s26 =	sadd.s32 s29, s28  }
0x1e9: {  	p0 =	slt.s32 s26, $0x90  }
0x1ea: {  	s30 =	sadd.s32 $0x10, s25;
	vm0 =	vlt.u32 v11, v10;
	v10 =	vxor.u32 $0x80000000, v11;
	s26 =	simm.s32 @!p0 $0x90  }
0x1eb: {  	v11 =	vor.u32 s30, v2;
	[tilespmem:s26+$0x12280] =	vst.msk vm0, v10  }
0x1ec: {  	[tilespmem:s26+$0x12380] =	vst.msk vm0, v11  }
0x1ed: {  	v16 =	vld [tilespmem:$0x12280]  }
0x1ee: {  	v15 =	vld [tilespmem:$0x12290];
	_ =	sdelay $0x1  }
0x1ef: {  	v17 =	vld [tilespmem:$0x122A0];
	_ =	sdelay $0x1  }
0x1f0: {  	v11 =	vld [tilespmem:$0x122B0]  }
0x1f1: {  	vm1 =	vlt.s32 v16, v15  }
0x1f2: {  	v10 =	vld [tilespmem:$0x122C0];
	v12 =	vsel vm1, v16, v15  }
0x1f3: {  	vm1 =	vlt.s32 v12, v17  }
0x1f4: {  	v14 =	vsel vm1, v12, v17;
	v12 =	vld [tilespmem:$0x122D0]  }
0x1f5: {  	vm1 =	vlt.s32 v14, v11  }
0x1f6: {  	v18 =	vsel vm1, v14, v11;
	v14 =	vld [tilespmem:$0x122E0]  }
0x1f7: {  	vm1 =	vlt.s32 v18, v10  }
0x1f8: {  	v19 =	vsel vm1, v18, v10;
	v18 =	vld [tilespmem:$0x122F0]  }
0x1f9: {  	vm1 =	vlt.s32 v19, v12  }
0x1fa: {  	v20 =	vsel vm1, v19, v12;
	v19 =	vld [tilespmem:$0x12300]  }
0x1fb: {  	vm1 =	vlt.s32 v20, v14  }
0x1fc: {  	v21 =	vsel vm1, v20, v14;
	v20 =	vld [tilespmem:$0x12310]  }
0x1fd: {  	vm1 =	vlt.s32 v21, v18  }
0x1fe: {  	v21 =	vsel vm1, v21, v18  }
0x1ff: {  	vm1 =	vlt.s32 v21, v19  }
0x200: {  	v21 =	vsel vm1, v21, v19  }
0x201: {  	vm1 =	vlt.s32 v21, v20  }
0x202: {  	v21 =	vsel vm1, v21, v20  }
0x203: {  	v21 =	vxor.u32 $0x80000000, v21  }
0x204: {  	(xrf0) =	vmin.scan.msk.u32 $0xffff, v21;
	_ =	sdelay $0x1  }
0x205: {  	v21 =	vmpcnt.ones.xlane vm0;
	_ =	sdelay $0x3  }
0x206: {  	(v2sf) =	vpush v21, $0x0;
	v21, _, _ =	vpop (xrf0)  }
0x207: {  	(v2sf) =	vpush v21, $0xF;
	_ =	sdelay $0xc  }
0x208: {  	v24 =	vld [tilespmem:$0x12390]  }
0x209: {  	v26 =	vld [tilespmem:$0x12380];
	s31 =	spop (v2sf)  }
0x20a: {  	s25 =	spop (v2sf)  }
0x20b: {  	s26 =	sxor.u32 $0x80000000, s25  }
0x20c: {  	v27 =	vld [tilespmem:$0x123A0];
	vm3 =	veq.s32 v15, s26  }
0x20d: {  	v21 =	vnsel vm3, $0x7FFFFFFF, v24  }
0x20e: {  	vm0 =	vlt.s32 v26, v21  }
0x20f: {  	v22 =	vld [tilespmem:$0x123B0];
	vm5 =	veq.s32 v16, s26;
	v23 =	vsel vm0, v26, v21  }
0x210: {  	v21 =	vsel vm5, v23, v21  }
0x211: {  	vm0 =	vlt.s32 v21, v27  }
0x212: {  	vm4 =	veq.s32 v17, s26;
	v23 =	vld [tilespmem:$0x123C0];
	v25 =	vsel vm0, v21, v27  }
0x213: {  	v21 =	vsel vm4, v25, v21  }
0x214: {  	vm0 =	vlt.s32 v21, v22  }
0x215: {  	vm1 =	veq.s32 v11, s26;
	v28 =	vsel vm0, v21, v22  }
0x216: {  	v25 =	vld [tilespmem:$0x123D0];
	v28 =	vsel vm1, v28, v21  }
0x217: {  	vm0 =	vlt.s32 v28, v23  }
0x218: {  	vm2 =	veq.s32 v10, s26;
	v29 =	vsel vm0, v28, v23  }
0x219: {  	v29 =	vsel vm2, v29, v28;
	v28 =	vld [tilespmem:$0x123E0];
	_ =	sdelay $0x1  }
0x21a: {  	s25 =	simm.s32 $0x1;
	v21 =	vld [tilespmem:$0x123F0];
	vm0 =	veq.s32 v12, s26;
	vm6 =	vlt.s32 v29, v25  }
.LBB2_11:
0x21b: {  	p0 =	sne.s32 s25, $0x1F;
	v30 =	vsel vm6, v29, v25;
	s28 =	smov.u32 s25;
	s25 =	sadd.s32 $0x1, s25  }
0x21c: {  	v29 =	vsel vm0, v30, v29  }
0x21d: {  	vm7 =	vlt.s32 v29, v28  }
0x21e: {  	vm6 =	veq.s32 v14, s26;
	v30 =	vsel vm7, v29, v28;
	v31 =	vld [tilespmem:$0x12400]  }
0x21f: {  	v29 =	vsel vm6, v30, v29  }
0x220: {  	vm8 =	vlt.s32 v29, v21  }
0x221: {  	vm7 =	veq.s32 v18, s26;
	v30 =	vsel vm8, v29, v21;
	v32 =	vld [tilespmem:$0x12410]  }
0x222: {  	v29 =	vsel vm7, v30, v29  }
0x223: {  	vm9 =	vlt.s32 v29, v31  }
0x224: {  	vm8 =	veq.s32 v19, s26;
	v30 =	vsel vm9, v29, v31  }
0x225: {  	v29 =	vsel vm8, v30, v29  }
0x226: {  	vm10 =	vlt.s32 v29, v32  }
0x227: {  	vm9 =	veq.s32 v20, s26;
	v30 =	vsel vm10, v29, v32  }
0x228: {  	v29 =	vsel vm9, v30, v29  }
0x229: {  	v29 =	vxor.u32 $0x80000000, v29  }
0x22a: {  	(xrf0) =	vmin.scan.msk.u32 $0xffff, v29;
	_ =	sdelay $0x5  }
0x22b: {  	v29, _, _ =	vpop (xrf0)  }
0x22c: {  	(v2sf) =	vpush v29, $0xF;
	_ =	sdelay $0xc  }
0x22d: {  	v29 =	vmov s24;
	s24 =	smov.u32 s28;
	_ =	sdelay $0x1  }
0x22e: {  	s26 =	spop (v2sf)  }
0x22f: {  	s26 =	sxor.u32 $0x80000000, s26  }
0x230: {  	v30 =	vmov s26;
	vm10 =	veq.s32 v26, s26;
	vm11 =	veq.s32 v32, s26  }
0x231: {  	vm12 =	veq.s32 v27, s26;
	[tilespmem:v29+s20+$0x0] =	vst.idx.msk $0x1, v30;
	vm5 =	vmand vm5, vm10;
	vm10 =	veq.s32 v24, s26  }
0x232: {  	v24 =	vld [tilespmem:$0x123F0];
	v16 =	vsel vm5, $0x7FFFFFFF, v16;
	vm3 =	vmand vm3, vm10;
	vm5 =	veq.s32 v31, s26  }
0x233: {  	[tilespmem:$0x12280] =	vst v16;
	v15 =	vsel vm3, $0x7FFFFFFF, v15;
	vm3 =	vmand vm4, vm12;
	vm4 =	veq.s32 v21, s26  }
0x234: {  	vm9 =	vmand vm9, vm11;
	v16 =	vld [tilespmem:$0x12280];
	[tilespmem:$0x12290] =	vst v15;
	v17 =	vsel vm3, $0x7FFFFFFF, v17;
	vm3 =	veq.s32 v28, s26  }
0x235: {  	vm10 =	veq.s32 v25, s26;
	vm5 =	vmand vm8, vm5;
	v15 =	vld [tilespmem:$0x12290];
	[tilespmem:$0x122A0] =	vst v17;
	v17 =	vsel vm9, $0x7FFFFFFF, v20  }
0x236: {  	vm8 =	veq.s32 v23, s26;
	v19 =	vsel vm5, $0x7FFFFFFF, v19;
	vm3 =	vmand vm6, vm3  }
0x237: {  	vm5 =	veq.s32 v22, s26;
	vm2 =	vmand vm2, vm8;
	vm4 =	vmand vm7, vm4;
	[tilespmem:$0x12310] =	vst v17;
	v21 =	vmovc v24  }
0x238: {  	vm0 =	vmand vm0, vm10;
	vm1 =	vmand vm1, vm5;
	v18 =	vsel vm4, $0x7FFFFFFF, v18;
	[tilespmem:$0x12300] =	vst v19  }
0x239: {  	v12 =	vsel vm0, $0x7FFFFFFF, v12;
	v11 =	vsel vm1, $0x7FFFFFFF, v11;
	v14 =	vsel vm3, $0x7FFFFFFF, v14;
	v17 =	vld [tilespmem:$0x122A0];
	[tilespmem:$0x122F0] =	vst v18  }
0x23a: {  	v10 =	vsel vm2, $0x7FFFFFFF, v10;
	vm0 =	vlt.s32 v16, v15;
	[tilespmem:$0x122B0] =	vst v11  }
0x23b: {  	v18 =	vsel vm0, v16, v15;
	v11 =	vld [tilespmem:$0x122B0];
	[tilespmem:$0x122E0] =	vst v14  }
0x23c: {  	[tilespmem:$0x122C0] =	vst v10  }
0x23d: {  	v10 =	vld [tilespmem:$0x122C0];
	[tilespmem:$0x122D0] =	vst v12  }
0x23e: {  	vm0 =	vlt.s32 v18, v17  }
0x23f: {  	v14 =	vsel vm0, v18, v17;
	v12 =	vld [tilespmem:$0x122D0]  }
0x240: {  	vm0 =	vlt.s32 v14, v11  }
0x241: {  	v18 =	vsel vm0, v14, v11;
	v14 =	vld [tilespmem:$0x122E0]  }
0x242: {  	vm0 =	vlt.s32 v18, v10  }
0x243: {  	v19 =	vsel vm0, v18, v10;
	v18 =	vld [tilespmem:$0x122F0]  }
0x244: {  	vm0 =	vlt.s32 v19, v12  }
0x245: {  	v20 =	vsel vm0, v19, v12;
	v19 =	vld [tilespmem:$0x12300]  }
0x246: {  	vm0 =	vlt.s32 v20, v14  }
0x247: {  	v22 =	vsel vm0, v20, v14;
	v20 =	vld [tilespmem:$0x12310]  }
0x248: {  	vm0 =	vlt.s32 v22, v18  }
0x249: {  	v22 =	vsel vm0, v22, v18  }
0x24a: {  	vm0 =	vlt.s32 v22, v19  }
0x24b: {  	v22 =	vsel vm0, v22, v19  }
0x24c: {  	vm0 =	vlt.s32 v22, v20  }
0x24d: {  	v22 =	vsel vm0, v22, v20  }
0x24e: {  	v22 =	vxor.u32 $0x80000000, v22  }
0x24f: {  	(xrf0) =	vmin.scan.msk.u32 $0xffff, v22;
	_ =	sdelay $0x5  }
0x250: {  	v22, _, _ =	vpop (xrf0)  }
0x251: {  	(v2sf) =	vpush v22, $0xF;
	_ =	sdelay $0xc  }
0x252: {  	v24 =	vld [tilespmem:$0x12390]  }
0x253: {  	v26 =	vld [tilespmem:$0x12380]  }
0x254: {  	s26 =	spop (v2sf)  }
0x255: {  	s26 =	sxor.u32 $0x80000000, s26  }
0x256: {  	vm3 =	veq.s32 v15, s26;
	v27 =	vld [tilespmem:$0x123A0];
	vm0 =	veq.s32 v12, s26  }
0x257: {  	v23 =	vnsel vm3, $0x7FFFFFFF, v24  }
0x258: {  	vm1 =	vlt.s32 v26, v23  }
0x259: {  	vm5 =	veq.s32 v16, s26;
	v25 =	vsel vm1, v26, v23;
	v22 =	vld [tilespmem:$0x123B0]  }
0x25a: {  	v25 =	vsel vm5, v25, v23  }
0x25b: {  	vm1 =	vlt.s32 v25, v27  }
0x25c: {  	vm4 =	veq.s32 v17, s26;
	v28 =	vsel vm1, v25, v27;
	v23 =	vld [tilespmem:$0x123C0]  }
0x25d: {  	v28 =	vsel vm4, v28, v25  }
0x25e: {  	vm2 =	vlt.s32 v28, v22  }
0x25f: {  	vm1 =	veq.s32 v11, s26;
	v29 =	vsel vm2, v28, v22;
	v25 =	vld [tilespmem:$0x123D0]  }
.Ltmp4:
0x260: {  	v29 =	vsel vm1, v29, v28;
	(pc) =	sbr.rel @p0 .LBB2_11-.Ltmp4, $4  }
0x261: {  	vm6 =	vlt.s32 v29, v23  }
0x262: {  	vm2 =	veq.s32 v10, s26;
	v30 =	vsel vm6, v29, v23;
	v28 =	vld [tilespmem:$0x123E0]  }
0x263: {  	v29 =	vsel vm2, v30, v29  }
0x264: {  	vm6 =	vlt.s32 v29, v25  }
0x265: {  	v30 =	vsel vm6, v29, v25  }
0x266: {  	v29 =	vsel vm0, v30, v29  }
0x267: {  	vm7 =	vlt.s32 v29, v28  }
0x268: {  	vm6 =	veq.s32 v14, s26;
	v31 =	vld [tilespmem:$0x12400];
	v30 =	vsel vm7, v29, v28  }
0x269: {  	v29 =	vsel vm6, v30, v29  }
0x26a: {  	vm8 =	vlt.s32 v29, v21  }
0x26b: {  	v32 =	vld [tilespmem:$0x12410];
	vm7 =	veq.s32 v18, s26;
	v30 =	vsel vm8, v29, v21  }
0x26c: {  	v29 =	vsel vm7, v30, v29  }
0x26d: {  	vm12 =	vlt.s32 v29, v31  }
0x26e: {  	vm9 =	veq.s32 v19, s26;
	v30 =	vsel vm12, v29, v31  }
0x26f: {  	v29 =	vsel vm9, v30, v29  }
0x270: {  	vm13 =	vlt.s32 v29, v32  }
0x271: {  	vm10 =	veq.s32 v20, s26;
	v30 =	vsel vm13, v29, v32  }
0x272: {  	v29 =	vsel vm10, v30, v29  }
0x273: {  	v29 =	vxor.u32 $0x80000000, v29  }
0x274: {  	(xrf0) =	vmin.scan.msk.u32 $0xffff, v29;
	_ =	sdelay $0x5  }
0x275: {  	v29, _, _ =	vpop (xrf0)  }
0x276: {  	(v2sf) =	vpush v29, $0xF;
	_ =	sdelay $0xd  }
0x277: {  	v55 =	vmov s24  }
0x278: {  	s25 =	spop (v2sf)  }
0x279: {  	s24 =	sxor.u32 $0x80000000, s25  }
0x27a: {  	vm14 =	veq.s32 v26, s24;
	v56 =	vmov s24;
	vm15 =	veq.s32 v24, s24  }
0x27b: {  	vm11 =	veq.s32 v27, s24;
	vm8 =	veq.s32 v32, s24;
	vm5 =	vmand vm5, vm14  }
0x27c: {  	vm12 =	veq.s32 v31, s24;
	[tilespmem:v55+s20+$0x0] =	vst.idx.msk $0x1, v56;
	vm3 =	vmand vm3, vm15;
	v16 =	vsel vm5, $0x7FFFFFFF, v16  }
0x27d: {  	vm11 =	vmand vm4, vm11;
	vm4 =	vmand vm9, vm12;
	v15 =	vsel vm3, $0x7FFFFFFF, v15;
	[tilespmem:$0x12280] =	vst v16  }
0x27e: {  	vm13 =	vmand vm10, vm8;
	vm15 =	veq.s32 v22, s24;
	v58 =	vsel vm4, $0x7FFFFFFF, v19;
	[tilespmem:$0x12290] =	vst v15  }
0x27f: {  	vm10 =	veq.s32 v23, s24;
	v57 =	vld [tilespmem:$0x12480];
	vm1 =	vmand vm1, vm15;
	v15 =	vsel vm11, $0x7FFFFFFF, v17;
	[tilespmem:$0x12300] =	vst v58  }
0x280: {  	vm2 =	vmand vm2, vm10;
	v11 =	vsel vm1, $0x7FFFFFFF, v11;
	[tilespmem:$0x122A0] =	vst v15  }
0x281: {  	vm9 =	veq.s32 v28, s24;
	v10 =	vsel vm2, $0x7FFFFFFF, v10;
	[tilespmem:$0x122B0] =	vst v11  }
0x282: {  	vm14 =	veq.s32 v21, s24;
	vm11 =	vmand vm6, vm9;
	v15 =	vsel vm13, $0x7FFFFFFF, v20;
	[tilespmem:$0x122C0] =	vst v10  }
0x283: {  	s26 =	sshll.u32 s22, $0x6;
	vm12 =	veq.s32 v25, s24;
	vm8 =	vmand vm7, vm14;
	v14 =	vsel vm11, $0x7FFFFFFF, v14;
	[tilespmem:$0x12310] =	vst v15  }
0x284: {  	vm13 =	vmand vm0, vm12;
	v11 =	vmov s26;
	v15 =	vsel vm8, $0x7FFFFFFF, v18;
	[tilespmem:$0x122E0] =	vst v14  }
0x285: {  	v12 =	vsel vm13, $0x7FFFFFFF, v12;
	v10 =	vmul.u32 $0x3, v11;
	[tilespmem:$0x122F0] =	vst v15  }
0x286: {  	[tilespmem:$0x122D0] =	vst v12  }
0x287: {  	v15 =	vbroadcast v10, $0x0;
	v10 =	vmul.u32 $0x3, v2;
	v14 =	vld.idx.msk [tilespmem:v57+s12+$0x0], $0xffff  }
0x288: {  	v17 =	vld.idx.msk [tilespmem:v57+s14+$0x0], $0xffff  }
0x289: {  	v59 =	vor.u32 v10, v15;
	v11 =	vadd.s32 $0x1, v10;
	v16 =	vld.idx.msk [tilespmem:v57+s15+$0x0], $0xffff  }
0x28a: {  	v12 =	vadd.s32 $0x2, v10;
	v60 =	vor.u32 v11, v15  }
0x28b: {  	v15 =	vor.u32 v12, v15  }
0x28c: {  	v14 =	vsub.f32 v14, v6  }
0x28d: {  	v17 =	vsub.f32 v17, v7  }
0x28e: {  	[tilespmem:v59+s21+$0x0] =	vst.idx.msk $0xffff, v14;
	v14 =	vsub.f32 v16, v8  }
0x28f: {  	[tilespmem:v60+s21+$0x0] =	vst.idx.msk $0xffff, v17  }
0x290: {  	[tilespmem:v15+s21+$0x0] =	vst.idx.msk $0xffff, v14  }
0x291: {  	v14 =	vld [tilespmem:$0x12490];
	_ =	sdelay $0x3  }
0x292: {  	s24 =	sor.u32 $0x10, s26  }
0x293: {  	v15 =	vmov s24  }
0x294: {  	v15 =	vmul.u32 $0x3, v15;
	_ =	sdelay $0x1  }
0x295: {  	v15 =	vbroadcast v15, $0x0;
	v61 =	vld.idx.msk [tilespmem:v14+s12+$0x0], $0xffff  }
0x296: {  	v17 =	vld.idx.msk [tilespmem:v14+s14+$0x0], $0xffff  }
0x297: {  	v62 =	vadd.s32 v10, v15;
	v14 =	vld.idx.msk [tilespmem:v14+s15+$0x0], $0xffff  }
0x298: {  	v63 =	vadd.s32 v11, v15  }
0x299: {  	v15 =	vadd.s32 v12, v15  }
0x29a: {  	v6 =	vsub.f32 v61, v6  }
0x29b: {  	v7 =	vsub.f32 v17, v7  }
0x29c: {  	[tilespmem:v62+s21+$0x0] =	vst.idx.msk $0xffff, v6;
	v6 =	vsub.f32 v14, v8  }
0x29d: {  	[tilespmem:v63+s21+$0x0] =	vst.idx.msk $0xffff, v7  }
0x29e: {  	[tilespmem:v15+s21+$0x0] =	vst.idx.msk $0xffff, v6  }
0x29f: {  	[tilespmem:$0x12280] =	vst v1  }
0x2a0: {  	[tilespmem:$0x12380] =	vst v1  }
0x2a1: {  	[tilespmem:$0x12290] =	vst v1  }
0x2a2: {  	[tilespmem:$0x12390] =	vst v1  }
0x2a3: {  	[tilespmem:$0x122A0] =	vst v1  }
0x2a4: {  	[tilespmem:$0x123A0] =	vst v1  }
0x2a5: {  	[tilespmem:$0x122B0] =	vst v1  }
0x2a6: {  	[tilespmem:$0x123B0] =	vst v1  }
0x2a7: {  	[tilespmem:$0x122C0] =	vst v1  }
0x2a8: {  	[tilespmem:$0x123C0] =	vst v1  }
0x2a9: {  	[tilespmem:$0x122D0] =	vst v1  }
0x2aa: {  	[tilespmem:$0x123D0] =	vst v1  }
0x2ab: {  	[tilespmem:$0x122E0] =	vst v1  }
0x2ac: {  	[tilespmem:$0x123E0] =	vst v1  }
0x2ad: {  	[tilespmem:$0x122F0] =	vst v1  }
0x2ae: {  	[tilespmem:$0x123F0] =	vst v1  }
0x2af: {  	[tilespmem:$0x12300] =	vst v1  }
0x2b0: {  	[tilespmem:$0x12400] =	vst v1  }
0x2b1: {  	[tilespmem:$0x12310] =	vst v1  }
0x2b2: {  	s25 =	simm.s32 $0x10190;
	[tilespmem:$0x12410] =	vst v1  }
0x2b3: {  	v6 =	vshll.u32 v13, $0x14;
	v7 =	vld [tilespmem:s25+$0xFFFFFFF0]  }
0x2b4: {  	v6 =	vbroadcast v6, $0xF  }
0x2b5: {  	v8 =	vshll.u32 v9, $0x1A  }
0x2b6: {  	v6 =	vor.u32 v8, v6  }
0x2b7: {  	v6 =	vadd.s32 $0x100000, v6  }
0x2b8: {  	s24 =	simm.s32 $0x0;
	vm14 =	vlt.u32 v7, v6;
	v7 =	vxor.u32 $0x80000000, v7  }
0x2b9: {  	v8 =	vor.u32 s24, v2;
	[tilespmem:s24+$0x12280] =	vst.msk vm14, v7  }
0x2ba: {  	[tilespmem:s24+$0x12380] =	vst.msk vm14, v8;
	v8 =	vmpcnt.ones.xlane vm14  }
0x2bb: {  	v7 =	vld [tilespmem:s25+$0x0]  }
0x2bc: {  	(v2sf) =	vpush v8, $0x0;
	_ =	sdelay $0x3  }
0x2bd: {  	vm15 =	vlt.u32 v7, v6  }
0x2be: {  	v8 =	vmpcnt.ones.xlane vm15;
	_ =	sdelay $0x1  }
0x2bf: {  	(v2sf) =	vpush v8, $0x0;
	_ =	sdelay $0x7  }
0x2c0: {  	s30 =	spop (v2sf)  }
0x2c1: {  	s25 =	sadd.s32 $0x0, s30  }
0x2c2: {  	p0 =	slt.s32 s25, $0x90  }
0x2c3: {  	s31 =	simm.s32 $0x10;
	v7 =	vxor.u32 $0x80000000, v7;
	s25 =	simm.s32 @!p0 $0x90  }
0x2c4: {  	v8 =	vor.u32 s31, v2;
	[tilespmem:s25+$0x12280] =	vst.msk vm15, v7  }
0x2c5: {  	s26 =	simm.s32 $0x101B0;
	[tilespmem:s25+$0x12380] =	vst.msk vm15, v8  }
0x2c6: {  	v7 =	vld [tilespmem:s26+$0xFFFFFFF0]  }
0x2c7: {  	s28 =	spop (v2sf)  }
0x2c8: {  	s29 =	sadd.s32 s25, s28  }
0x2c9: {  	s25 =	simm.s32 $0x20;
	s28 =	simm.s32 $0x40;
	p1 =	slt.s32 s29, $0x90  }
.LBB2_13:
0x2ca: {  	p0 =	sne.s32 s28, $0x1FE0  }
0x2cb: {  	vm0 =	vlt.u32 v7, v6;
	v7 =	vxor.u32 $0x80000000, v7;
	s29 =	simm.s32 @!p1 $0x90;
	s30 =	smov.u32 s28;
	s28 =	sadd.s32 $0x20, s28  }
0x2cc: {  	v8 =	vor.u32 s25, v2;
	[tilespmem:s29+$0x12280] =	vst.msk vm0, v7;
	v7 =	vmpcnt.ones.xlane vm0  }
0x2cd: {  	[tilespmem:s29+$0x12380] =	vst.msk vm0, v8  }
0x2ce: {  	v8 =	vld [tilespmem:s26+$0x0];
	(v2sf) =	vpush v7, $0x0;
	_ =	sdelay $0x4  }
0x2cf: {  	vm0 =	vlt.u32 v8, v6  }
0x2d0: {  	v7 =	vmpcnt.ones.xlane vm0;
	_ =	sdelay $0x1  }
0x2d1: {  	(v2sf) =	vpush v7, $0x0;
	_ =	sdelay $0x6  }
0x2d2: {  	s31 =	spop (v2sf)  }
0x2d3: {  	s29 =	sadd.s32 s29, s31  }
0x2d4: {  	p1 =	slt.s32 s29, $0x90  }
0x2d5: {  	v7 =	vxor.u32 $0x80000000, v8;
	s31 =	sadd.s32 $0x10, s25;
	s25 =	smov.u32 s30;
	s29 =	simm.s32 @!p1 $0x90  }
0x2d6: {  	v8 =	vor.u32 s31, v2;
	[tilespmem:s29+$0x12280] =	vst.msk vm0, v7  }
0x2d7: {  	s26 =	sadd.s32 $0x20, s26;
	[tilespmem:s29+$0x12380] =	vst.msk vm0, v8  }
.Ltmp5:
0x2d8: {  	v7 =	vld [tilespmem:s26+$0xFFFFFFF0];
	(pc) =	sbr.rel @p0 .LBB2_13-.Ltmp5, $4  }
0x2d9: {  	_ = 	snop  }
0x2da: {  	s30 =	spop (v2sf)  }
0x2db: {  	s29 =	sadd.s32 s29, s30  }
0x2dc: {  	p1 =	slt.s32 s29, $0x90  }
0x2dd: {  	vm0 =	vlt.u32 v7, v6  }
0x2de: {  	v8 =	vmpcnt.ones.xlane vm0;
	_ =	sdelay $0x1  }
0x2df: {  	(v2sf) =	vpush v8, $0x0;
	_ =	sdelay $0x9  }
0x2e0: {  	v7 =	vxor.u32 $0x80000000, v7;
	s29 =	simm.s32 @!p1 $0x90  }
0x2e1: {  	[tilespmem:s29+$0x12280] =	vst.msk vm0, v7;
	v8 =	vor.u32 s25, v2  }
0x2e2: {  	[tilespmem:s29+$0x12380] =	vst.msk vm0, v8  }
0x2e3: {  	v7 =	vld [tilespmem:s26+$0x0];
	_ =	sdelay $0x1  }
0x2e4: {  	s28 =	spop (v2sf)  }
0x2e5: {  	s26 =	sadd.s32 s29, s28  }
0x2e6: {  	p0 =	slt.s32 s26, $0x90  }
0x2e7: {  	s30 =	sadd.s32 $0x10, s25;
	vm0 =	vlt.u32 v7, v6;
	v6 =	vxor.u32 $0x80000000, v7;
	s26 =	simm.s32 @!p0 $0x90  }
0x2e8: {  	v7 =	vor.u32 s30, v2;
	[tilespmem:s26+$0x12280] =	vst.msk vm0, v6  }
0x2e9: {  	[tilespmem:s26+$0x12380] =	vst.msk vm0, v7  }
0x2ea: {  	v14 =	vld [tilespmem:$0x12280]  }
0x2eb: {  	v13 =	vld [tilespmem:$0x12290];
	_ =	sdelay $0x1  }
0x2ec: {  	v15 =	vld [tilespmem:$0x122A0];
	_ =	sdelay $0x1  }
0x2ed: {  	v7 =	vld [tilespmem:$0x122B0]  }
0x2ee: {  	vm1 =	vlt.s32 v14, v13  }
0x2ef: {  	v6 =	vld [tilespmem:$0x122C0];
	v8 =	vsel vm1, v14, v13  }
0x2f0: {  	vm1 =	vlt.s32 v8, v15  }
0x2f1: {  	v9 =	vsel vm1, v8, v15;
	v8 =	vld [tilespmem:$0x122D0]  }
0x2f2: {  	vm1 =	vlt.s32 v9, v7  }
0x2f3: {  	v16 =	vsel vm1, v9, v7;
	v9 =	vld [tilespmem:$0x122E0]  }
0x2f4: {  	vm1 =	vlt.s32 v16, v6  }
0x2f5: {  	v17 =	vsel vm1, v16, v6;
	v16 =	vld [tilespmem:$0x122F0]  }
0x2f6: {  	vm1 =	vlt.s32 v17, v8  }
0x2f7: {  	v18 =	vsel vm1, v17, v8;
	v17 =	vld [tilespmem:$0x12300]  }
0x2f8: {  	vm1 =	vlt.s32 v18, v9  }
0x2f9: {  	v19 =	vsel vm1, v18, v9;
	v18 =	vld [tilespmem:$0x12310]  }
0x2fa: {  	vm1 =	vlt.s32 v19, v16  }
0x2fb: {  	v19 =	vsel vm1, v19, v16  }
0x2fc: {  	vm1 =	vlt.s32 v19, v17  }
0x2fd: {  	v19 =	vsel vm1, v19, v17  }
0x2fe: {  	vm1 =	vlt.s32 v19, v18  }
0x2ff: {  	v19 =	vsel vm1, v19, v18  }
0x300: {  	v19 =	vxor.u32 $0x80000000, v19  }
0x301: {  	(xrf0) =	vmin.scan.msk.u32 $0xffff, v19;
	_ =	sdelay $0x1  }
0x302: {  	v19 =	vmpcnt.ones.xlane vm0;
	_ =	sdelay $0x3  }
0x303: {  	(v2sf) =	vpush v19, $0x0;
	v19, _, _ =	vpop (xrf0)  }
0x304: {  	(v2sf) =	vpush v19, $0xF;
	_ =	sdelay $0xc  }
0x305: {  	v22 =	vld [tilespmem:$0x12390]  }
0x306: {  	v24 =	vld [tilespmem:$0x12380];
	s31 =	spop (v2sf)  }
0x307: {  	s25 =	spop (v2sf)  }
0x308: {  	s26 =	sxor.u32 $0x80000000, s25  }
0x309: {  	v25 =	vld [tilespmem:$0x123A0];
	vm3 =	veq.s32 v13, s26  }
0x30a: {  	v19 =	vnsel vm3, $0x7FFFFFFF, v22  }
0x30b: {  	vm0 =	vlt.s32 v24, v19  }
0x30c: {  	v20 =	vld [tilespmem:$0x123B0];
	vm5 =	veq.s32 v14, s26;
	v21 =	vsel vm0, v24, v19  }
0x30d: {  	v19 =	vsel vm5, v21, v19  }
0x30e: {  	vm0 =	vlt.s32 v19, v25  }
0x30f: {  	vm4 =	veq.s32 v15, s26;
	v21 =	vld [tilespmem:$0x123C0];
	v23 =	vsel vm0, v19, v25  }
0x310: {  	v19 =	vsel vm4, v23, v19  }
0x311: {  	vm0 =	vlt.s32 v19, v20  }
0x312: {  	vm1 =	veq.s32 v7, s26;
	v26 =	vsel vm0, v19, v20  }
0x313: {  	v23 =	vld [tilespmem:$0x123D0];
	v26 =	vsel vm1, v26, v19  }
0x314: {  	vm0 =	vlt.s32 v26, v21  }
0x315: {  	vm2 =	veq.s32 v6, s26;
	v27 =	vsel vm0, v26, v21  }
0x316: {  	v27 =	vsel vm2, v27, v26;
	v26 =	vld [tilespmem:$0x123E0];
	_ =	sdelay $0x1  }
0x317: {  	s25 =	simm.s32 $0x1;
	v19 =	vld [tilespmem:$0x123F0];
	vm0 =	veq.s32 v8, s26;
	vm6 =	vlt.s32 v27, v23  }
.LBB2_15:
0x318: {  	p0 =	sne.s32 s25, $0x1F;
	v28 =	vsel vm6, v27, v23;
	s28 =	smov.u32 s25;
	s25 =	sadd.s32 $0x1, s25  }
0x319: {  	v27 =	vsel vm0, v28, v27  }
0x31a: {  	vm7 =	vlt.s32 v27, v26  }
0x31b: {  	vm6 =	veq.s32 v9, s26;
	v28 =	vsel vm7, v27, v26;
	v29 =	vld [tilespmem:$0x12400]  }
0x31c: {  	v27 =	vsel vm6, v28, v27  }
0x31d: {  	vm8 =	vlt.s32 v27, v19  }
0x31e: {  	vm7 =	veq.s32 v16, s26;
	v28 =	vsel vm8, v27, v19;
	v30 =	vld [tilespmem:$0x12410]  }
0x31f: {  	v27 =	vsel vm7, v28, v27  }
0x320: {  	vm9 =	vlt.s32 v27, v29  }
0x321: {  	vm8 =	veq.s32 v17, s26;
	v28 =	vsel vm9, v27, v29  }
0x322: {  	v27 =	vsel vm8, v28, v27  }
0x323: {  	vm10 =	vlt.s32 v27, v30  }
0x324: {  	vm9 =	veq.s32 v18, s26;
	v28 =	vsel vm10, v27, v30  }
0x325: {  	v27 =	vsel vm9, v28, v27  }
0x326: {  	v27 =	vxor.u32 $0x80000000, v27  }
0x327: {  	(xrf0) =	vmin.scan.msk.u32 $0xffff, v27;
	_ =	sdelay $0x5  }
0x328: {  	v27, _, _ =	vpop (xrf0)  }
0x329: {  	(v2sf) =	vpush v27, $0xF;
	_ =	sdelay $0xc  }
0x32a: {  	v27 =	vmov s24;
	s24 =	smov.u32 s28;
	_ =	sdelay $0x1  }
0x32b: {  	s26 =	spop (v2sf)  }
0x32c: {  	s26 =	sxor.u32 $0x80000000, s26  }
0x32d: {  	v28 =	vmov s26;
	vm10 =	veq.s32 v24, s26;
	vm11 =	veq.s32 v30, s26  }
0x32e: {  	vm12 =	veq.s32 v25, s26;
	[tilespmem:v27+s20+$0x0] =	vst.idx.msk $0x1, v28;
	vm5 =	vmand vm5, vm10;
	vm10 =	veq.s32 v22, s26  }
0x32f: {  	v22 =	vld [tilespmem:$0x123F0];
	v14 =	vsel vm5, $0x7FFFFFFF, v14;
	vm3 =	vmand vm3, vm10;
	vm5 =	veq.s32 v29, s26  }
0x330: {  	[tilespmem:$0x12280] =	vst v14;
	v13 =	vsel vm3, $0x7FFFFFFF, v13;
	vm3 =	vmand vm4, vm12;
	vm4 =	veq.s32 v19, s26  }
0x331: {  	vm9 =	vmand vm9, vm11;
	v14 =	vld [tilespmem:$0x12280];
	[tilespmem:$0x12290] =	vst v13;
	v15 =	vsel vm3, $0x7FFFFFFF, v15;
	vm3 =	veq.s32 v26, s26  }
0x332: {  	vm10 =	veq.s32 v23, s26;
	vm5 =	vmand vm8, vm5;
	v13 =	vld [tilespmem:$0x12290];
	[tilespmem:$0x122A0] =	vst v15;
	v15 =	vsel vm9, $0x7FFFFFFF, v18  }
0x333: {  	vm8 =	veq.s32 v21, s26;
	v17 =	vsel vm5, $0x7FFFFFFF, v17;
	vm3 =	vmand vm6, vm3  }
0x334: {  	vm5 =	veq.s32 v20, s26;
	vm2 =	vmand vm2, vm8;
	vm4 =	vmand vm7, vm4;
	[tilespmem:$0x12310] =	vst v15;
	v19 =	vmovc v22  }
0x335: {  	vm0 =	vmand vm0, vm10;
	vm1 =	vmand vm1, vm5;
	v16 =	vsel vm4, $0x7FFFFFFF, v16;
	[tilespmem:$0x12300] =	vst v17  }
0x336: {  	v8 =	vsel vm0, $0x7FFFFFFF, v8;
	v7 =	vsel vm1, $0x7FFFFFFF, v7;
	v9 =	vsel vm3, $0x7FFFFFFF, v9;
	v15 =	vld [tilespmem:$0x122A0];
	[tilespmem:$0x122F0] =	vst v16  }
0x337: {  	v6 =	vsel vm2, $0x7FFFFFFF, v6;
	vm0 =	vlt.s32 v14, v13;
	[tilespmem:$0x122B0] =	vst v7  }
0x338: {  	v16 =	vsel vm0, v14, v13;
	v7 =	vld [tilespmem:$0x122B0];
	[tilespmem:$0x122E0] =	vst v9  }
0x339: {  	[tilespmem:$0x122C0] =	vst v6  }
0x33a: {  	v6 =	vld [tilespmem:$0x122C0];
	[tilespmem:$0x122D0] =	vst v8  }
0x33b: {  	vm0 =	vlt.s32 v16, v15  }
0x33c: {  	v9 =	vsel vm0, v16, v15;
	v8 =	vld [tilespmem:$0x122D0]  }
0x33d: {  	vm0 =	vlt.s32 v9, v7  }
0x33e: {  	v16 =	vsel vm0, v9, v7;
	v9 =	vld [tilespmem:$0x122E0]  }
0x33f: {  	vm0 =	vlt.s32 v16, v6  }
0x340: {  	v17 =	vsel vm0, v16, v6;
	v16 =	vld [tilespmem:$0x122F0]  }
0x341: {  	vm0 =	vlt.s32 v17, v8  }
0x342: {  	v18 =	vsel vm0, v17, v8;
	v17 =	vld [tilespmem:$0x12300]  }
0x343: {  	vm0 =	vlt.s32 v18, v9  }
0x344: {  	v20 =	vsel vm0, v18, v9;
	v18 =	vld [tilespmem:$0x12310]  }
0x345: {  	vm0 =	vlt.s32 v20, v16  }
0x346: {  	v20 =	vsel vm0, v20, v16  }
0x347: {  	vm0 =	vlt.s32 v20, v17  }
0x348: {  	v20 =	vsel vm0, v20, v17  }
0x349: {  	vm0 =	vlt.s32 v20, v18  }
0x34a: {  	v20 =	vsel vm0, v20, v18  }
0x34b: {  	v20 =	vxor.u32 $0x80000000, v20  }
0x34c: {  	(xrf0) =	vmin.scan.msk.u32 $0xffff, v20;
	_ =	sdelay $0x5  }
0x34d: {  	v20, _, _ =	vpop (xrf0)  }
0x34e: {  	(v2sf) =	vpush v20, $0xF;
	_ =	sdelay $0xc  }
0x34f: {  	v22 =	vld [tilespmem:$0x12390]  }
0x350: {  	v24 =	vld [tilespmem:$0x12380]  }
0x351: {  	s26 =	spop (v2sf)  }
0x352: {  	s26 =	sxor.u32 $0x80000000, s26  }
0x353: {  	vm3 =	veq.s32 v13, s26;
	v25 =	vld [tilespmem:$0x123A0];
	vm0 =	veq.s32 v8, s26  }
0x354: {  	v21 =	vnsel vm3, $0x7FFFFFFF, v22  }
0x355: {  	vm1 =	vlt.s32 v24, v21  }
0x356: {  	vm5 =	veq.s32 v14, s26;
	v23 =	vsel vm1, v24, v21;
	v20 =	vld [tilespmem:$0x123B0]  }
0x357: {  	v23 =	vsel vm5, v23, v21  }
0x358: {  	vm1 =	vlt.s32 v23, v25  }
0x359: {  	vm4 =	veq.s32 v15, s26;
	v26 =	vsel vm1, v23, v25;
	v21 =	vld [tilespmem:$0x123C0]  }
0x35a: {  	v26 =	vsel vm4, v26, v23  }
0x35b: {  	vm2 =	vlt.s32 v26, v20  }
0x35c: {  	vm1 =	veq.s32 v7, s26;
	v27 =	vsel vm2, v26, v20;
	v23 =	vld [tilespmem:$0x123D0]  }
.Ltmp6:
0x35d: {  	v27 =	vsel vm1, v27, v26;
	(pc) =	sbr.rel @p0 .LBB2_15-.Ltmp6, $4  }
0x35e: {  	vm6 =	vlt.s32 v27, v21  }
0x35f: {  	vm2 =	veq.s32 v6, s26;
	v28 =	vsel vm6, v27, v21;
	v26 =	vld [tilespmem:$0x123E0]  }
0x360: {  	v27 =	vsel vm2, v28, v27  }
0x361: {  	vm6 =	vlt.s32 v27, v23  }
0x362: {  	v28 =	vsel vm6, v27, v23  }
0x363: {  	v27 =	vsel vm0, v28, v27  }
0x364: {  	vm7 =	vlt.s32 v27, v26  }
0x365: {  	vm6 =	veq.s32 v9, s26;
	v29 =	vld [tilespmem:$0x12400];
	v28 =	vsel vm7, v27, v26  }
0x366: {  	v27 =	vsel vm6, v28, v27  }
0x367: {  	vm8 =	vlt.s32 v27, v19  }
0x368: {  	v30 =	vld [tilespmem:$0x12410];
	vm7 =	veq.s32 v16, s26;
	v28 =	vsel vm8, v27, v19  }
0x369: {  	v27 =	vsel vm7, v28, v27  }
0x36a: {  	vm12 =	vlt.s32 v27, v29  }
0x36b: {  	vm9 =	veq.s32 v17, s26;
	v28 =	vsel vm12, v27, v29  }
0x36c: {  	v27 =	vsel vm9, v28, v27  }
0x36d: {  	vm13 =	vlt.s32 v27, v30  }
0x36e: {  	vm10 =	veq.s32 v18, s26;
	v28 =	vsel vm13, v27, v30  }
0x36f: {  	v27 =	vsel vm10, v28, v27  }
0x370: {  	v27 =	vxor.u32 $0x80000000, v27  }
0x371: {  	(xrf0) =	vmin.scan.msk.u32 $0xffff, v27;
	_ =	sdelay $0x5  }
0x372: {  	v27, _, _ =	vpop (xrf0)  }
0x373: {  	(v2sf) =	vpush v27, $0xF;
	_ =	sdelay $0xd  }
0x374: {  	v45 =	vmov s24  }
0x375: {  	s31 =	spop (v2sf)  }
0x376: {  	s24 =	sxor.u32 $0x80000000, s31  }
0x377: {  	vm14 =	veq.s32 v24, s24  }
0x378: {  	v46 =	vmov s24;
	vm15 =	veq.s32 v22, s24;
	vm5 =	vmand vm5, vm14  }
0x379: {  	vm11 =	veq.s32 v25, s24;
	[tilespmem:v45+s20+$0x0] =	vst.idx.msk $0x1, v46;
	vm3 =	vmand vm3, vm15;
	v14 =	vsel vm5, $0x7FFFFFFF, v14  }
0x37a: {  	vm12 =	veq.s32 v30, s24;
	vm13 =	vmand vm4, vm11;
	v13 =	vsel vm3, $0x7FFFFFFF, v13;
	[tilespmem:$0x12280] =	vst v14  }
0x37b: {  	vm8 =	veq.s32 v19, s24;
	vm15 =	vmand vm10, vm12;
	v47 =	vsel vm13, $0x7FFFFFFF, v15;
	[tilespmem:$0x12290] =	vst v13  }
0x37c: {  	vm14 =	veq.s32 v29, s24;
	vm10 =	vmand vm7, vm8;
	v48 =	vsel vm15, $0x7FFFFFFF, v18;
	v49 =	vld [tilespmem:$0x12480];
	[tilespmem:$0x122A0] =	vst v47  }
0x37d: {  	vm11 =	veq.s32 v26, s24;
	vm4 =	vmand vm9, vm14;
	v51 =	vsel vm10, $0x7FFFFFFF, v16;
	[tilespmem:$0x12310] =	vst v48  }
0x37e: {  	vm12 =	veq.s32 v21, s24;
	vm13 =	vmand vm6, vm11;
	v50 =	vsel vm4, $0x7FFFFFFF, v17;
	[tilespmem:$0x122F0] =	vst v51  }
0x37f: {  	vm9 =	veq.s32 v20, s24;
	vm2 =	vmand vm2, vm12;
	v52 =	vsel vm13, $0x7FFFFFFF, v9;
	[tilespmem:$0x12300] =	vst v50  }
0x380: {  	s23 =	sshll.u32 s23, $0x5;
	vm14 =	veq.s32 v23, s24;
	vm1 =	vmand vm1, vm9;
	v6 =	vsel vm2, $0x7FFFFFFF, v6;
	[tilespmem:$0x122E0] =	vst v52  }
0x381: {  	v53 =	vmov s23;
	vm15 =	vmand vm0, vm14;
	v7 =	vsel vm1, $0x7FFFFFFF, v7;
	[tilespmem:$0x122C0] =	vst v6  }
0x382: {  	v54 =	vmul.u32 $0x3, v53;
	v8 =	vsel vm15, $0x7FFFFFFF, v8;
	[tilespmem:$0x122B0] =	vst v7  }
0x383: {  	[tilespmem:$0x122D0] =	vst v8  }
0x384: {  	v6 =	vbroadcast v54, $0x0;
	v55 =	vld.idx.msk [tilespmem:v49+s12+$0x0], $0xffff  }
0x385: {  	v8 =	vld.idx.msk [tilespmem:v49+s14+$0x0], $0xffff  }
0x386: {  	v56 =	vadd.s32 v10, v6;
	v9 =	vld.idx.msk [tilespmem:v49+s15+$0x0], $0xffff  }
0x387: {  	v57 =	vadd.s32 v11, v6  }
0x388: {  	v6 =	vadd.s32 v12, v6  }
0x389: {  	v7 =	vsub.f32 v55, v3  }
0x38a: {  	v8 =	vsub.f32 v8, v4  }
0x38b: {  	v58 =	vsub.f32 v9, v5;
	[tilespmem:v56+s21+$0x0] =	vst.idx.msk $0xffff, v7  }
0x38c: {  	[tilespmem:v57+s21+$0x0] =	vst.idx.msk $0xffff, v8  }
0x38d: {  	[tilespmem:v6+s21+$0x0] =	vst.idx.msk $0xffff, v58  }
0x38e: {  	v6 =	vld [tilespmem:$0x12490];
	_ =	sdelay $0x3  }
0x38f: {  	s23 =	sor.u32 $0x10, s23  }
0x390: {  	v59 =	vmov s23  }
0x391: {  	v7 =	vmul.u32 $0x3, v59;
	_ =	sdelay $0x1  }
0x392: {  	v7 =	vbroadcast v7, $0x0;
	v8 =	vld.idx.msk [tilespmem:v6+s12+$0x0], $0xffff  }
0x393: {  	v60 =	vld.idx.msk [tilespmem:v6+s14+$0x0], $0xffff  }
0x394: {  	v61 =	vadd.s32 v10, v7;
	v6 =	vld.idx.msk [tilespmem:v6+s15+$0x0], $0xffff  }
0x395: {  	s22 =	sadd.s32 $0x1, s22;
	v62 =	vadd.s32 v11, v7  }
0x396: {  	p0 =	sne.s32 s22, $0x40;
	v7 =	vadd.s32 v12, v7  }
.Ltmp7:
0x397: {  	v3 =	vsub.f32 v8, v3;
	(pc) =	sbr.rel @p0 .LBB2_4-.Ltmp7, $4  }
0x398: {  	v63 =	vsub.f32 v60, v4  }
0x399: {  	[tilespmem:v61+s21+$0x0] =	vst.idx.msk $0xffff, v3;
	v3 =	vsub.f32 v6, v5  }
0x39a: {  	[tilespmem:v62+s21+$0x0] =	vst.idx.msk $0xffff, v63  }
0x39b: {  	[tilespmem:v7+s21+$0x0] =	vst.idx.msk $0xffff, v3  }
0x39c: {  	s2 =	sadd.s32 $0x1, s2  }
0x39d: {  	p0 =	sne.s32 s2, s9  }
.Ltmp8:
0x39e: {  	_ = 	snop;
	(pc) =	sbr.rel @p0 .LBB2_1-.Ltmp8, $4  }
0x39f: {  	[hbm4b:s8+s10] =	stream.strided.scatter [tilespmem:s21], [sflag:$0x1], $0x3000, s11, s10, $0x38;
	[tilespmem:$0x15500] =	vst v63  }
0x3a0: {  	_ =	swait.ge [sflag:s13], $0x3000  }
0x3a1: {  	[sflag:s13] =	ssyncset.done $0x0  }
0x3a2: {  	[sflag:s13] =	ssyncadd.s32 $0xFFFFD000  }
0x3a3: {  	_ =	sfence.sel $0x180000  }
0x3a4: {  	[bflag:$0x0] =	sbarrier.arrive $0xFFFF  }
0x3a5: {  	p0 =	sne.s32 s0, $0x0;
	_ =	strace $0x90000047  }
0x3a6: {  	s0 =	sadd.s32 @!p0 $0x100000, s1;
	[bflag:$0x2] =	sbarrier.arrive $0xFFFF  }
0x3a7: {  	[sflag:s0] =	ssyncadd.tile.s32 @!p0 $0x1;
	_ =	shalt  }
.Lfunc_end2:
_tile_overlayer_lowered:
.L_overlay_start_2:
0x3a8: {  	(tag) =	ssettag $0x2  }
0x3a9: {  	s0 =	rddreg [dreg:$0x0];
	s2 =	stileid.u32  }
0x3aa: {  	s1 =	rddreg [dreg:$0x1];
	p0 =	sne.s32 s2, $0x0  }
0x3ab: {  	s3 =	rddreg [dreg:$0x2];
	[bflag:$0x3] =	sbarrier.arrive $0xFFFF;
	s2 =	simm.s32 @!p0 $0x1C01  }
0x3ac: {  	[timem:s3], [sflag:s2] =	dma.local @!p0 [hbm:s0], s1  }
0x3ad: {  	s0 =	simm.s32 @!p0 $0x1  }
0x3ae: {  	_ =	swait.ge @!p0 [sflag:s0], s1  }
0x3af: {  	s1 =	ssub.s32 @!p0 $0x0, s1;
	[sflag:s0] =	ssyncset.done @!p0 $0x0  }
0x3b0: {  	[sflag:s0] =	ssyncadd.s32 @!p0 s1  }
0x3b1: {  	[bflag:$0x3] =	sbarrier.arrive $0xFFFF  }
0x3b2: {  	_ =	shalt  }

</sc_bundles>
